<compile_context>
chip_gen: v7x
topology: tpu7x:2x2x1
jax: 0.10.2.dev20260603
libtpu: 0.0.44.dev20260713+nightly
codegen_flags: <defaults>
</compile_context>

<pallas_src>
import functools

import jax
import jax.numpy as jnp
from jax import lax
from jax.experimental import pallas as pl
from jax.experimental.pallas import tpu as pltpu
from jax.experimental.pallas import tpu_sc as plsc

NC, NS = 2, 16
NW = NC * NS
N = 10000
NP = 10240
E = 320000
CH = 128
K0 = 112
K1 = 48
KMAX = max(K0, K1)
E0 = NS * K0 * CH
E1 = NS * K1 * CH
EP = E0 + E1
D = 128
V = 10000
VP = 10240
M = 1000
MP = 1024
RPW = NP // NW
RSL = NP // NS
NJ = 10112
RSJ = NJ // NS

_mesh = plsc.VectorSubcoreMesh(core_axis_name="c", subcore_axis_name="s")
_sc_params = pltpu.CompilerParams(needs_layout_passes=False)


def _worker_ids():
    c = lax.axis_index("c")
    s = lax.axis_index("s")
    return c, s, c * NS + s


def _sc_prep_body(xp, dstp, emb, z, ones128, h_out, deg_out,
                  xv, rows64, dstv, ones_v, deg_s):
    c, s, w = _worker_ids()
    for k in range(RPW // 64):
        base = w * RPW + k * 64
        pltpu.sync_copy(xp.at[pl.ds(base, 64)], xv)
        pltpu.sync_copy(emb.at[xv], rows64)
        pltpu.sync_copy(rows64, h_out.at[pl.ds(base, 64)])
    pltpu.sync_copy(z.at[pl.ds(s * RSL, RSL)], deg_s.at[pl.ds(s * RSL, RSL)])
    pltpu.sync_copy(ones128, ones_v)
    plsc.subcore_barrier()

    def dchunk(j, carry):
        pltpu.sync_copy(ones_v, deg_s.at[dstv.at[j]], add=True)
        return carry

    def run_half(start, count):
        pltpu.sync_copy(dstp.at[w, pl.ds(start, count), :],
                        dstv.at[pl.ds(0, count)])
        lax.fori_loop(0, count, dchunk, 0)

    @pl.when(c == 0)
    def _():
        run_half(0, K0 // 2)
        run_half(K0 // 2, K0 // 2)

    @pl.when(c != 0)
    def _():
        run_half(0, K1 // 2)
        run_half(K1 // 2, K1 // 2)

    plsc.subcore_barrier()
    pltpu.sync_copy(deg_s.at[pl.ds(s * RSL, RSL)],
                    deg_out.at[c, pl.ds(s * RSL, RSL)])


_sc_prep = pl.kernel(
    _sc_prep_body,
    out_type=(
        jax.ShapeDtypeStruct((NP, D), jnp.float32),
        jax.ShapeDtypeStruct((NC, NP, D), jnp.float32),
    ),
    mesh=_mesh,
    compiler_params=_sc_params,
    scratch_types=[
        pltpu.VMEM((64,), jnp.int32),
        pltpu.VMEM((64, D), jnp.float32),
        pltpu.VMEM((KMAX // 2, CH), jnp.int32),
        pltpu.VMEM((CH, D), jnp.float32),
        pltpu.VMEM_SHARED((NP, D), jnp.float32),
    ],
)


def _sc_agg_body(masked, m, srcp, dstp, z128, maskp, dinvb, *refs):
    if masked:
        pm_out, dm_out, srcv, dstv, rows, agg_s, mv = refs
    else:
        p_out, srcv, dstv, rows, agg_s = refs
    c, s, w = _worker_ids()
    sl = pl.ds(s * RSJ, RSJ)

    @pl.when(c == 1)
    def _():
        pltpu.sync_copy(m.at[sl], agg_s.at[sl])

    @pl.when(c != 1)
    def _():
        pltpu.sync_copy(z128.at[sl], agg_s.at[sl])

    plsc.subcore_barrier()

    def body(j, carry):
        pltpu.sync_copy(m.at[srcv.at[j]], rows)
        pltpu.sync_copy(rows, agg_s.at[dstv.at[j]], add=True)
        return carry

    def run_half(start, count):
        pltpu.sync_copy(srcp.at[w, pl.ds(start, count), :],
                        srcv.at[pl.ds(0, count)])
        pltpu.sync_copy(dstp.at[w, pl.ds(start, count), :],
                        dstv.at[pl.ds(0, count)])
        lax.fori_loop(0, count, body, 0)

    @pl.when(c == 0)
    def _():
        run_half(0, K0 // 2)
        run_half(K0 // 2, K0 // 2)

    @pl.when(c != 0)
    def _():
        run_half(0, K1 // 2)
        run_half(K1 // 2, K1 // 2)

    plsc.subcore_barrier()
    if not masked:
        pltpu.sync_copy(agg_s.at[sl], p_out.at[c, sl])
    else:
        mrs = MP // NS
        msl = pl.ds(s * mrs, mrs)
        pltpu.sync_copy(maskp.at[msl], mv)
        pltpu.sync_copy(agg_s.at[mv], rows.at[pl.ds(0, mrs)])
        pltpu.sync_copy(rows.at[pl.ds(0, mrs)], pm_out.at[c, msl])

        @pl.when(c == 0)
        def _():
            pltpu.sync_copy(dinvb.at[mv], rows.at[pl.ds(0, mrs)])
            pltpu.sync_copy(rows.at[pl.ds(0, mrs)], dm_out.at[msl])


_agg_scratch = [
    pltpu.VMEM((KMAX // 2, CH), jnp.int32),
    pltpu.VMEM((KMAX // 2, CH), jnp.int32),
    pltpu.VMEM((CH, D), jnp.float32),
    pltpu.VMEM_SHARED((NJ, D), jnp.float32),
]

_sc_agg_full = pl.kernel(
    functools.partial(_sc_agg_body, False),
    out_type=jax.ShapeDtypeStruct((NC, NJ, D), jnp.float32),
    mesh=_mesh,
    compiler_params=_sc_params,
    scratch_types=list(_agg_scratch),
)

_sc_agg_masked = pl.kernel(
    functools.partial(_sc_agg_body, True),
    out_type=(
        jax.ShapeDtypeStruct((NC, MP, D), jnp.float32),
        jax.ShapeDtypeStruct((MP, D), jnp.float32),
    ),
    mesh=_mesh,
    compiler_params=_sc_params,
    scratch_types=list(_agg_scratch) + [
        pltpu.VMEM((MP // NS,), jnp.int32),
    ],
)


def _tc_scale_body(h_ref, deg_ref, m_ref, dinv8_ref, dinvb_ref):
    deg = deg_ref[0, :, :8] + deg_ref[1, :, :8] + 1.0
    dinv = lax.rsqrt(deg)
    dinv8_ref[...] = dinv
    dinvb_ref[...] = jnp.broadcast_to(dinv[:, 0:1], (128, D))
    m_ref[...] = h_ref[...] * dinv[:, 0:1]


def _tc_scale(h, degp):
    return pl.pallas_call(
        _tc_scale_body,
        grid=(NP // 128,),
        in_specs=[
            pl.BlockSpec((128, D), lambda i: (i, 0)),
            pl.BlockSpec((NC, 128, D), lambda i: (0, i, 0)),
        ],
        out_specs=[
            pl.BlockSpec((128, D), lambda i: (i, 0)),
            pl.BlockSpec((128, 8), lambda i: (i, 0)),
            pl.BlockSpec((128, D), lambda i: (i, 0)),
        ],
        out_shape=[
            jax.ShapeDtypeStruct((NP, D), jnp.float32),
            jax.ShapeDtypeStruct((NP, 8), jnp.float32),
            jax.ShapeDtypeStruct((NP, D), jnp.float32),
        ],
    )(h, degp)


def _tc_mid_body(p_ref, dinv8_ref, w_ref, b_ref, m2_ref):
    col = dinv8_ref[:, 0:1]
    agg = (p_ref[0] + p_ref[1]) * col
    z = jnp.dot(agg, w_ref[...], preferred_element_type=jnp.float32)
    m2_ref[...] = jnp.maximum(z + b_ref[...][None, :], 0.0) * col


def _tc_mid(p, dinv8, W1, b1):
    return pl.pallas_call(
        _tc_mid_body,
        grid=(NJ // 128,),
        in_specs=[
            pl.BlockSpec((NC, 128, D), lambda i: (0, i, 0)),
            pl.BlockSpec((128, 8), lambda i: (i, 0)),
            pl.BlockSpec((D, D), lambda i: (0, 0)),
            pl.BlockSpec((D,), lambda i: (0,)),
        ],
        out_specs=pl.BlockSpec((128, D), lambda i: (i, 0)),
        out_shape=jax.ShapeDtypeStruct((NJ, D), jnp.float32),
    )(p, dinv8, W1, b1)


def _tc_head_body(pm_ref, dm_ref, w_ref, b_ref, out_ref):
    col = dm_ref[:, 0:1]
    aggm = (pm_ref[0] + pm_ref[1]) * col
    logits = jnp.dot(aggm, w_ref[...], preferred_element_type=jnp.float32)
    logits = logits + b_ref[...][None, :]
    mx = jnp.max(logits, axis=1, keepdims=True)
    lse = jnp.log(jnp.sum(jnp.exp(logits - mx), axis=1, keepdims=True))
    out_ref[...] = logits - mx - lse


def _tc_head(pm, dm, W2p, b2p):
    return pl.pallas_call(
        _tc_head_body,
        grid=(MP // 128,),
        in_specs=[
            pl.BlockSpec((NC, 128, D), lambda i: (0, i, 0)),
            pl.BlockSpec((128, D), lambda i: (i, 0)),
            pl.BlockSpec((D, VP), lambda i: (0, 0)),
            pl.BlockSpec((VP,), lambda i: (0,)),
        ],
        out_specs=pl.BlockSpec((128, VP), lambda i: (i, 0)),
        out_shape=jax.ShapeDtypeStruct((MP, VP), jnp.float32),
    )(pm, dm, W2p, b2p)


def kernel(x, edge_index, mask_x_position, emb, W1, b1, W2, b2):
    xp = jnp.pad(x[:, 0].astype(jnp.int32), (0, NP - N))
    src = jnp.pad(edge_index[0].astype(jnp.int32), (0, EP - E))
    junk = N + (jnp.arange(EP - E, dtype=jnp.int32) % (NJ - N))
    dst = jnp.concatenate([edge_index[1].astype(jnp.int32), junk])
    def _pack(a):
        p = jnp.zeros((NW, KMAX, CH), jnp.int32)
        p = p.at[:NS, :K0].set(a[:E0].reshape(NS, K0, CH))
        p = p.at[NS:, :K1].set(a[E0:].reshape(NS, K1, CH))
        return p
    srcp = _pack(src)
    dstp = _pack(dst)
    maskp = jnp.pad(mask_x_position.astype(jnp.int32), (0, MP - M))
    z = jnp.zeros((NP, D), jnp.float32)
    ones128 = jnp.ones((CH, D), jnp.float32)
    W2p = jnp.pad(W2, ((0, 0), (0, VP - V)))
    b2p = jnp.pad(b2, (0, VP - V), constant_values=-1e30)

    h, degp = _sc_prep(xp, dstp, emb, z, ones128)
    m1, dinv8, dinvb = _tc_scale(h, degp)
    p1 = _sc_agg_full(m1, srcp, dstp, z, maskp, dinvb)
    m2 = _tc_mid(p1, dinv8, W1, b1)
    pm, dm = _sc_agg_masked(m2, srcp, dstp, z, maskp, dinvb)
    outp = _tc_head(pm, dm, W2p, b2p)
    return outp[:M, :V]

# --- scband reference (transcript-rebuilt; emitter-appended) ---
"""Pipeline reference for scband-gcn-np-44272522887509 (READ-ONLY COPY).

The authoritative reference and input builder live on the scoring server;
editing this copy changes nothing except your own understanding.
"""

import jax, jax.numpy as jnp
import numpy as np

N = 10000      # n_nodes
E = 320000     # n_edges
V = 10000      # node_dict_size
D = 128        # node_dim
H = 128        # hidden_dim
M = 1000       # masked positions


def gcn_conv(h, edge_index, W, b):
    # GCNConv with self-loops and symmetric normalization.
    # Equivalent ordering: aggregate then linear (sum_j a_ij (x_j W) == (sum_j a_ij x_j) W).
    src = jnp.concatenate([edge_index[0], jnp.arange(N)])
    dst = jnp.concatenate([edge_index[1], jnp.arange(N)])
    ones = jnp.ones_like(dst, dtype=h.dtype)
    deg = jax.ops.segment_sum(ones, dst, num_segments=N)
    dinv = jnp.where(deg > 0, jax.lax.rsqrt(deg), 0.0)
    norm = dinv[src] * dinv[dst]
    msgs = h[src] * norm[:, None]
    agg = jax.ops.segment_sum(msgs, dst, num_segments=N)
    return agg @ W + b


def setup_inputs(seed: int = 0) -> dict:
    key = jax.random.key(seed)
    ks = jax.random.split(key, 8)
    x = jax.random.randint(ks[0], (N, 1), 0, V)
    edge_index = jax.random.randint(ks[1], (2, E), 0, N)
    mask_x_position = jax.random.randint(ks[2], (M,), 0, N)
    # Learned params: embedding init per initialize_parameters (std = node_dim**-0.5)
    emb = jax.random.normal(ks[3], (V, D), dtype=jnp.float32) * (D ** -0.5)
    W1 = jax.random.normal(ks[4], (D, H), dtype=jnp.float32) * (1.0 / np.sqrt(D))
    b1 = jnp.zeros((H,), dtype=jnp.float32)
    W2 = jax.random.normal(ks[5], (H, V), dtype=jnp.float32) * (1.0 / np.sqrt(H))
    b2 = jnp.zeros((V,), dtype=jnp.float32)
    return {"x": x, "edge_index": edge_index, "mask_x_position": mask_x_position,
            "emb": emb, "W1": W1, "b1": b1, "W2": W2, "b2": b2}


def reference(x, edge_index, mask_x_position, emb, W1, b1, W2, b2):
    # x: int[N,1] node ids -> embedding lookup, squeeze(1)
    h = jnp.take(emb, x[:, 0], axis=0)
    # dropout is identity at inference (training=False)
    h = gcn_conv(h, edge_index, W1, b1)
    h = jax.nn.relu(h)
    h = gcn_conv(h, edge_index, W2, b2)
    out = jax.nn.log_softmax(h[mask_x_position], axis=1)
    return out

if __name__ == "__main__":
    import jax
    _d = setup_inputs()
    print(jax.jit(kernel)(*tuple(_d.values())))

</pallas_src>

<mosaic_0001>
#map = affine_map<(d0, d1) -> (0, 0)>
#map1 = affine_map<(d0, d1) -> (0, 0, 0)>
#map2 = affine_map<(d0, d1) -> (0)>
module attributes {stable_mosaic.version = 14 : i64} {
  func.func @_sc_agg_body(%arg0: i32, %arg1: i32, %arg2: memref<10240x128xf32, #tpu.memory_space<hbm>>, %arg3: memref<32x112x128xi32, #tpu.memory_space<hbm>>, %arg4: memref<32x112x128xi32, #tpu.memory_space<hbm>>, %arg5: memref<10240x128xf32, #tpu.memory_space<hbm>>, %arg6: memref<1024xi32, #tpu.memory_space<hbm>>, %arg7: memref<10240x128xf32, #tpu.memory_space<hbm>>, %arg8: memref<2x10112x128xf32, #tpu.memory_space<hbm>>, %arg9: memref<56x128xi32, #tpu.memory_space<vmem>>, %arg10: memref<56x128xi32, #tpu.memory_space<vmem>>, %arg11: memref<128x128xf32, #tpu.memory_space<vmem>>, %arg12: memref<10112x128xf32, #tpu.memory_space<vmem_shared>>) attributes {dimension_semantics = [#tpu.dimension_semantics<core_parallel>, #tpu.dimension_semantics<subcore_parallel>], iteration_bounds = array<i64: 2, 16>, scalar_prefetch = 0 : i64, scratch_operands = 4 : i64, tpu.core_type = #tpu.core_type<sc_vector_subcore>, window_params = [{transform_indices = #map}, {transform_indices = #map1}, {transform_indices = #map1}, {transform_indices = #map}, {transform_indices = #map2}, {transform_indices = #map}, {transform_indices = #map1}]} {
    %mul3A = arith.constant 16 : i32
    %mul3A_0 = arith.muli %arg0, %mul3A : i32
    %add3A = arith.addi %mul3A_0, %arg1 : i32
    %mul3A_1 = arith.constant 632 : i32
    %mul3A_2 = arith.muli %arg1, %mul3A_1 : i32
    %eq3A = arith.constant 1 : i32
    %eq3A_3 = arith.cmpi eq, %arg0, %eq3A : i32
    %convert_element_type3A = arith.extui %eq3A_3 : i1 to i32
    %cond3A = arith.constant 0 : i32
    %cond3A_4 = arith.cmpi ne, %convert_element_type3A, %cond3A : i32
    scf.if %cond3A_4 {
      "tpu.region"() ({
        %run_scoped3A = tpu.sem_alloc : memref<!tpu.dma_semaphore, #tpu.memory_space<semaphore_mem>>
        %dma_start3A = arith.constant 0 : i32
        %dma_start3A_20 = tpu.memref_slice %arg12[%mul3A_2, %dma_start3A] : memref<10112x128xf32, #tpu.memory_space<vmem_shared>> -> memref<632x128xf32, #tpu.memory_space<vmem_shared>>
        %dma_start3A_21 = arith.constant 0 : i32
        %dma_start3A_22 = tpu.memref_slice %arg2[%mul3A_2, %dma_start3A_21] : memref<10240x128xf32, #tpu.memory_space<hbm>> -> memref<632x128xf32, #tpu.memory_space<hbm>>
        tpu.enqueue_dma source(%dma_start3A_22 : memref<632x128xf32, #tpu.memory_space<hbm>>) target(%dma_start3A_20 : memref<632x128xf32, #tpu.memory_space<vmem_shared>>) target_semaphore(%run_scoped3A : memref<!tpu.dma_semaphore, #tpu.memory_space<semaphore_mem>>)
        %dma_wait3A = arith.constant 0 : i32
        %dma_wait3A_23 = tpu.memref_slice %arg12[%mul3A_2, %dma_wait3A] : memref<10112x128xf32, #tpu.memory_space<vmem_shared>> -> memref<632x128xf32, #tpu.memory_space<vmem_shared>>
        %dma_wait3A_24 = arith.constant 0 : i32
        %dma_wait3A_25 = tpu.memref_slice %arg2[%mul3A_2, %dma_wait3A_24] : memref<10240x128xf32, #tpu.memory_space<hbm>> -> memref<632x128xf32, #tpu.memory_space<hbm>>
        tpu.wait_dma2 semaphore(%run_scoped3A : memref<!tpu.dma_semaphore, #tpu.memory_space<semaphore_mem>>) src(%dma_wait3A_25 : memref<632x128xf32, #tpu.memory_space<hbm>>) dst(%dma_wait3A_23 : memref<632x128xf32, #tpu.memory_space<vmem_shared>>)
        tpu.yield
      }) : () -> ()
    } else {
    }
    %ne3A = arith.constant 1 : i32
    %ne3A_5 = arith.cmpi ne, %arg0, %ne3A : i32
    %convert_element_type3A_6 = arith.extui %ne3A_5 : i1 to i32
    %cond3A_7 = arith.constant 0 : i32
    %cond3A_8 = arith.cmpi ne, %convert_element_type3A_6, %cond3A_7 : i32
    scf.if %cond3A_8 {
      "tpu.region"() ({
        %run_scoped3A = tpu.sem_alloc : memref<!tpu.dma_semaphore, #tpu.memory_space<semaphore_mem>>
        %dma_start3A = arith.constant 0 : i32
        %dma_start3A_20 = tpu.memref_slice %arg12[%mul3A_2, %dma_start3A] : memref<10112x128xf32, #tpu.memory_space<vmem_shared>> -> memref<632x128xf32, #tpu.memory_space<vmem_shared>>
        %dma_start3A_21 = arith.constant 0 : i32
        %dma_start3A_22 = tpu.memref_slice %arg5[%mul3A_2, %dma_start3A_21] : memref<10240x128xf32, #tpu.memory_space<hbm>> -> memref<632x128xf32, #tpu.memory_space<hbm>>
        tpu.enqueue_dma source(%dma_start3A_22 : memref<632x128xf32, #tpu.memory_space<hbm>>) target(%dma_start3A_20 : memref<632x128xf32, #tpu.memory_space<vmem_shared>>) target_semaphore(%run_scoped3A : memref<!tpu.dma_semaphore, #tpu.memory_space<semaphore_mem>>)
        %dma_wait3A = arith.constant 0 : i32
        %dma_wait3A_23 = tpu.memref_slice %arg12[%mul3A_2, %dma_wait3A] : memref<10112x128xf32, #tpu.memory_space<vmem_shared>> -> memref<632x128xf32, #tpu.memory_space<vmem_shared>>
        %dma_wait3A_24 = arith.constant 0 : i32
        %dma_wait3A_25 = tpu.memref_slice %arg5[%mul3A_2, %dma_wait3A_24] : memref<10240x128xf32, #tpu.memory_space<hbm>> -> memref<632x128xf32, #tpu.memory_space<hbm>>
        tpu.wait_dma2 semaphore(%run_scoped3A : memref<!tpu.dma_semaphore, #tpu.memory_space<semaphore_mem>>) src(%dma_wait3A_25 : memref<632x128xf32, #tpu.memory_space<hbm>>) dst(%dma_wait3A_23 : memref<632x128xf32, #tpu.memory_space<vmem_shared>>)
        tpu.yield
      }) : () -> ()
    } else {
    }
    %barrier3A = arith.constant 0 : index
    tpu.barrier barrier_id(%barrier3A)
    %eq3A_9 = arith.constant 0 : i32
    %eq3A_10 = arith.cmpi eq, %arg0, %eq3A_9 : i32
    %convert_element_type3A_11 = arith.extui %eq3A_10 : i1 to i32
    %cond3A_12 = arith.constant 0 : i32
    %cond3A_13 = arith.cmpi ne, %convert_element_type3A_11, %cond3A_12 : i32
    scf.if %cond3A_13 {
      "tpu.region"() ({
        %run_scoped3A = tpu.sem_alloc : memref<!tpu.dma_semaphore, #tpu.memory_space<semaphore_mem>>
        %dma_start3A = arith.constant 0 : i32
        %dma_start3A_31 = arith.constant 0 : i32
        %dma_start3A_32 = tpu.memref_slice %arg9[%dma_start3A, %dma_start3A_31] : memref<56x128xi32, #tpu.memory_space<vmem>> -> memref<56x128xi32, #tpu.memory_space<vmem>>
        %dma_start3A_33 = arith.constant 0 : i32
        %dma_start3A_34 = arith.constant 0 : i32
        %dma_start3A_35 = tpu.memref_slice %arg3[%add3A, %dma_start3A_33, %dma_start3A_34] : memref<32x112x128xi32, #tpu.memory_space<hbm>> -> memref<1x56x128xi32, #tpu.memory_space<hbm>>
        %dma_start3A_36 = tpu.memref_squeeze %dma_start3A_35 : memref<1x56x128xi32, #tpu.memory_space<hbm>> -> memref<56x128xi32, #tpu.memory_space<hbm>>
        %dma_start3A_37 = arith.constant 0 : i32
        %dma_start3A_38 = arith.constant 0 : i32
        %dma_start3A_39 = tpu.memref_slice %arg9[%dma_start3A_37, %dma_start3A_38] : memref<56x128xi32, #tpu.memory_space<vmem>> -> memref<56x128xi32, #tpu.memory_space<vmem>>
        %dma_start3A_40 = arith.constant 0 : i32
        %dma_start3A_41 = arith.constant 0 : i32
        %dma_start3A_42 = tpu.memref_slice %arg3[%add3A, %dma_start3A_40, %dma_start3A_41] : memref<32x112x128xi32, #tpu.memory_space<hbm>> -> memref<1x56x128xi32, #tpu.memory_space<hbm>>
        %dma_start3A_43 = tpu.memref_squeeze %dma_start3A_42 : memref<1x56x128xi32, #tpu.memory_space<hbm>> -> memref<56x128xi32, #tpu.memory_space<hbm>>
        tpu.enqueue_dma source(%dma_start3A_43 : memref<56x128xi32, #tpu.memory_space<hbm>>) target(%dma_start3A_39 : memref<56x128xi32, #tpu.memory_space<vmem>>) target_semaphore(%run_scoped3A : memref<!tpu.dma_semaphore, #tpu.memory_space<semaphore_mem>>)
        %dma_wait3A = arith.constant 0 : i32
        %dma_wait3A_44 = arith.constant 0 : i32
        %dma_wait3A_45 = tpu.memref_slice %arg9[%dma_wait3A, %dma_wait3A_44] : memref<56x128xi32, #tpu.memory_space<vmem>> -> memref<56x128xi32, #tpu.memory_space<vmem>>
        %dma_wait3A_46 = arith.constant 0 : i32
        %dma_wait3A_47 = arith.constant 0 : i32
        %dma_wait3A_48 = tpu.memref_slice %arg3[%add3A, %dma_wait3A_46, %dma_wait3A_47] : memref<32x112x128xi32, #tpu.memory_space<hbm>> -> memref<1x56x128xi32, #tpu.memory_space<hbm>>
        %dma_wait3A_49 = tpu.memref_squeeze %dma_wait3A_48 : memref<1x56x128xi32, #tpu.memory_space<hbm>> -> memref<56x128xi32, #tpu.memory_space<hbm>>
        %dma_wait3A_50 = arith.constant 0 : i32
        %dma_wait3A_51 = arith.constant 0 : i32
        %dma_wait3A_52 = tpu.memref_slice %arg9[%dma_wait3A_50, %dma_wait3A_51] : memref<56x128xi32, #tpu.memory_space<vmem>> -> memref<56x128xi32, #tpu.memory_space<vmem>>
        %dma_wait3A_53 = arith.constant 0 : i32
        %dma_wait3A_54 = arith.constant 0 : i32
        %dma_wait3A_55 = tpu.memref_slice %arg3[%add3A, %dma_wait3A_53, %dma_wait3A_54] : memref<32x112x128xi32, #tpu.memory_space<hbm>> -> memref<1x56x128xi32, #tpu.memory_space<hbm>>
        %dma_wait3A_56 = tpu.memref_squeeze %dma_wait3A_55 : memref<1x56x128xi32, #tpu.memory_space<hbm>> -> memref<56x128xi32, #tpu.memory_space<hbm>>
        tpu.wait_dma2 semaphore(%run_scoped3A : memref<!tpu.dma_semaphore, #tpu.memory_space<semaphore_mem>>) src(%dma_wait3A_56 : memref<56x128xi32, #tpu.memory_space<hbm>>) dst(%dma_wait3A_52 : memref<56x128xi32, #tpu.memory_space<vmem>>)
        tpu.yield
      }) : () -> ()
      "tpu.region"() ({
        %run_scoped3A = tpu.sem_alloc : memref<!tpu.dma_semaphore, #tpu.memory_space<semaphore_mem>>
        %dma_start3A = arith.constant 0 : i32
        %dma_start3A_31 = arith.constant 0 : i32
        %dma_start3A_32 = tpu.memref_slice %arg10[%dma_start3A, %dma_start3A_31] : memref<56x128xi32, #tpu.memory_space<vmem>> -> memref<56x128xi32, #tpu.memory_space<vmem>>
        %dma_start3A_33 = arith.constant 0 : i32
        %dma_start3A_34 = arith.constant 0 : i32
        %dma_start3A_35 = tpu.memref_slice %arg4[%add3A, %dma_start3A_33, %dma_start3A_34] : memref<32x112x128xi32, #tpu.memory_space<hbm>> -> memref<1x56x128xi32, #tpu.memory_space<hbm>>
        %dma_start3A_36 = tpu.memref_squeeze %dma_start3A_35 : memref<1x56x128xi32, #tpu.memory_space<hbm>> -> memref<56x128xi32, #tpu.memory_space<hbm>>
        %dma_start3A_37 = arith.constant 0 : i32
        %dma_start3A_38 = arith.constant 0 : i32
        %dma_start3A_39 = tpu.memref_slice %arg10[%dma_start3A_37, %dma_start3A_38] : memref<56x128xi32, #tpu.memory_space<vmem>> -> memref<56x128xi32, #tpu.memory_space<vmem>>
        %dma_start3A_40 = arith.constant 0 : i32
        %dma_start3A_41 = arith.constant 0 : i32
        %dma_start3A_42 = tpu.memref_slice %arg4[%add3A, %dma_start3A_40, %dma_start3A_41] : memref<32x112x128xi32, #tpu.memory_space<hbm>> -> memref<1x56x128xi32, #tpu.memory_space<hbm>>
        %dma_start3A_43 = tpu.memref_squeeze %dma_start3A_42 : memref<1x56x128xi32, #tpu.memory_space<hbm>> -> memref<56x128xi32, #tpu.memory_space<hbm>>
        tpu.enqueue_dma source(%dma_start3A_43 : memref<56x128xi32, #tpu.memory_space<hbm>>) target(%dma_start3A_39 : memref<56x128xi32, #tpu.memory_space<vmem>>) target_semaphore(%run_scoped3A : memref<!tpu.dma_semaphore, #tpu.memory_space<semaphore_mem>>)
        %dma_wait3A = arith.constant 0 : i32
        %dma_wait3A_44 = arith.constant 0 : i32
        %dma_wait3A_45 = tpu.memref_slice %arg10[%dma_wait3A, %dma_wait3A_44] : memref<56x128xi32, #tpu.memory_space<vmem>> -> memref<56x128xi32, #tpu.memory_space<vmem>>
        %dma_wait3A_46 = arith.constant 0 : i32
        %dma_wait3A_47 = arith.constant 0 : i32
        %dma_wait3A_48 = tpu.memref_slice %arg4[%add3A, %dma_wait3A_46, %dma_wait3A_47] : memref<32x112x128xi32, #tpu.memory_space<hbm>> -> memref<1x56x128xi32, #tpu.memory_space<hbm>>
        %dma_wait3A_49 = tpu.memref_squeeze %dma_wait3A_48 : memref<1x56x128xi32, #tpu.memory_space<hbm>> -> memref<56x128xi32, #tpu.memory_space<hbm>>
        %dma_wait3A_50 = arith.constant 0 : i32
        %dma_wait3A_51 = arith.constant 0 : i32
        %dma_wait3A_52 = tpu.memref_slice %arg10[%dma_wait3A_50, %dma_wait3A_51] : memref<56x128xi32, #tpu.memory_space<vmem>> -> memref<56x128xi32, #tpu.memory_space<vmem>>
        %dma_wait3A_53 = arith.constant 0 : i32
        %dma_wait3A_54 = arith.constant 0 : i32
        %dma_wait3A_55 = tpu.memref_slice %arg4[%add3A, %dma_wait3A_53, %dma_wait3A_54] : memref<32x112x128xi32, #tpu.memory_space<hbm>> -> memref<1x56x128xi32, #tpu.memory_space<hbm>>
        %dma_wait3A_56 = tpu.memref_squeeze %dma_wait3A_55 : memref<1x56x128xi32, #tpu.memory_space<hbm>> -> memref<56x128xi32, #tpu.memory_space<hbm>>
        tpu.wait_dma2 semaphore(%run_scoped3A : memref<!tpu.dma_semaphore, #tpu.memory_space<semaphore_mem>>) src(%dma_wait3A_56 : memref<56x128xi32, #tpu.memory_space<hbm>>) dst(%dma_wait3A_52 : memref<56x128xi32, #tpu.memory_space<vmem>>)
        tpu.yield
      }) : () -> ()
      %scan3A = arith.constant 0 : i32
      %scan3A_20 = arith.constant 0 : i32
      %scan3A_21 = arith.constant 56 : i32
      %scan3A_22 = arith.addi %scan3A_20, %scan3A_21 : i32
      %scan3A_23 = arith.constant 1 : i32
      scf.for %scan3A_31 = %scan3A_20 to %scan3A_22 step %scan3A_23  : i32 {
        "tpu.region"() ({
          %run_scoped3A = tpu.sem_alloc : memref<!tpu.dma_semaphore, #tpu.memory_space<semaphore_mem>>
          %dma_start3A = arith.constant 0 : i32
          %dma_start3A_32 = tpu.memref_slice %arg9[%scan3A_31, %dma_start3A] : memref<56x128xi32, #tpu.memory_space<vmem>> -> memref<1x128xi32, #tpu.memory_space<vmem>>
          %dma_start3A_33 = tpu.memref_squeeze %dma_start3A_32 : memref<1x128xi32, #tpu.memory_space<vmem>> -> memref<128xi32, #tpu.memory_space<vmem>>
          %dma_start3A_34 = arith.constant 0 : i32
          %dma_start3A_35 = arith.constant 0 : i32
          %dma_start3A_36 = tpu.memref_slice %arg2[%dma_start3A_34, %dma_start3A_35] : memref<10240x128xf32, #tpu.memory_space<hbm>> -> memref<10240x128xf32, #tpu.memory_space<hbm>>
          tpu.enqueue_indirect_dma source(%dma_start3A_36 : memref<10240x128xf32, #tpu.memory_space<hbm>>) target(%arg11 : memref<128x128xf32, #tpu.memory_space<vmem>>) offsets(%dma_start3A_33 : memref<128xi32, #tpu.memory_space<vmem>>) semaphore(%run_scoped3A : memref<!tpu.dma_semaphore, #tpu.memory_space<semaphore_mem>>)
          %dma_wait3A = arith.constant 0 : i32
          %dma_wait3A_37 = tpu.memref_slice %arg9[%scan3A_31, %dma_wait3A] : memref<56x128xi32, #tpu.memory_space<vmem>> -> memref<1x128xi32, #tpu.memory_space<vmem>>
          %dma_wait3A_38 = tpu.memref_squeeze %dma_wait3A_37 : memref<1x128xi32, #tpu.memory_space<vmem>> -> memref<128xi32, #tpu.memory_space<vmem>>
          %dma_wait3A_39 = arith.constant 0 : i32
          %dma_wait3A_40 = arith.constant 0 : i32
          %dma_wait3A_41 = tpu.memref_slice %arg2[%dma_wait3A_39, %dma_wait3A_40] : memref<10240x128xf32, #tpu.memory_space<hbm>> -> memref<10240x128xf32, #tpu.memory_space<hbm>>
          tpu.wait_indirect_dma semaphore(%run_scoped3A : memref<!tpu.dma_semaphore, #tpu.memory_space<semaphore_mem>>) src(%dma_wait3A_41 : memref<10240x128xf32, #tpu.memory_space<hbm>>) dst(%arg11 : memref<128x128xf32, #tpu.memory_space<vmem>>)
          tpu.yield
        }) : () -> ()
        "tpu.region"() ({
          %run_scoped3A = tpu.sem_alloc : memref<!tpu.dma_semaphore, #tpu.memory_space<semaphore_mem>>
          %dma_start3A = arith.constant 0 : i32
          %dma_start3A_32 = tpu.memref_slice %arg10[%scan3A_31, %dma_start3A] : memref<56x128xi32, #tpu.memory_space<vmem>> -> memref<1x128xi32, #tpu.memory_space<vmem>>
          %dma_start3A_33 = tpu.memref_squeeze %dma_start3A_32 : memref<1x128xi32, #tpu.memory_space<vmem>> -> memref<128xi32, #tpu.memory_space<vmem>>
          %dma_start3A_34 = arith.constant 0 : i32
          %dma_start3A_35 = arith.constant 0 : i32
          %dma_start3A_36 = tpu.memref_slice %arg12[%dma_start3A_34, %dma_start3A_35] : memref<10112x128xf32, #tpu.memory_space<vmem_shared>> -> memref<10112x128xf32, #tpu.memory_space<vmem_shared>>
          tpu.enqueue_indirect_dma source(%arg11 : memref<128x128xf32, #tpu.memory_space<vmem>>) target(%dma_start3A_36 : memref<10112x128xf32, #tpu.memory_space<vmem_shared>>) offsets(%dma_start3A_33 : memref<128xi32, #tpu.memory_space<vmem>>) semaphore(%run_scoped3A : memref<!tpu.dma_semaphore, #tpu.memory_space<semaphore_mem>>) {add = true}
          %dma_wait3A = arith.constant 0 : i32
          %dma_wait3A_37 = tpu.memref_slice %arg10[%scan3A_31, %dma_wait3A] : memref<56x128xi32, #tpu.memory_space<vmem>> -> memref<1x128xi32, #tpu.memory_space<vmem>>
          %dma_wait3A_38 = tpu.memref_squeeze %dma_wait3A_37 : memref<1x128xi32, #tpu.memory_space<vmem>> -> memref<128xi32, #tpu.memory_space<vmem>>
          %dma_wait3A_39 = arith.constant 0 : i32
          %dma_wait3A_40 = arith.constant 0 : i32
          %dma_wait3A_41 = tpu.memref_slice %arg12[%dma_wait3A_39, %dma_wait3A_40] : memref<10112x128xf32, #tpu.memory_space<vmem_shared>> -> memref<10112x128xf32, #tpu.memory_space<vmem_shared>>
          tpu.wait_indirect_dma semaphore(%run_scoped3A : memref<!tpu.dma_semaphore, #tpu.memory_space<semaphore_mem>>) src(%arg11 : memref<128x128xf32, #tpu.memory_space<vmem>>) dst(%dma_wait3A_41 : memref<10112x128xf32, #tpu.memory_space<vmem_shared>>)
          tpu.yield
        }) : () -> ()
      }
      %scan3A_24 = arith.constant 56 : i32
      "tpu.region"() ({
        %run_scoped3A = tpu.sem_alloc : memref<!tpu.dma_semaphore, #tpu.memory_space<semaphore_mem>>
        %dma_start3A = arith.constant 0 : i32
        %dma_start3A_31 = arith.constant 0 : i32
        %dma_start3A_32 = tpu.memref_slice %arg9[%dma_start3A, %dma_start3A_31] : memref<56x128xi32, #tpu.memory_space<vmem>> -> memref<56x128xi32, #tpu.memory_space<vmem>>
        %dma_start3A_33 = arith.constant 56 : i32
        %dma_start3A_34 = arith.constant 0 : i32
        %dma_start3A_35 = tpu.memref_slice %arg3[%add3A, %dma_start3A_33, %dma_start3A_34] : memref<32x112x128xi32, #tpu.memory_space<hbm>> -> memref<1x56x128xi32, #tpu.memory_space<hbm>>
        %dma_start3A_36 = tpu.memref_squeeze %dma_start3A_35 : memref<1x56x128xi32, #tpu.memory_space<hbm>> -> memref<56x128xi32, #tpu.memory_space<hbm>>
        %dma_start3A_37 = arith.constant 0 : i32
        %dma_start3A_38 = arith.constant 0 : i32
        %dma_start3A_39 = tpu.memref_slice %arg9[%dma_start3A_37, %dma_start3A_38] : memref<56x128xi32, #tpu.memory_space<vmem>> -> memref<56x128xi32, #tpu.memory_space<vmem>>
        %dma_start3A_40 = arith.constant 56 : i32
        %dma_start3A_41 = arith.constant 0 : i32
        %dma_start3A_42 = tpu.memref_slice %arg3[%add3A, %dma_start3A_40, %dma_start3A_41] : memref<32x112x128xi32, #tpu.memory_space<hbm>> -> memref<1x56x128xi32, #tpu.memory_space<hbm>>
        %dma_start3A_43 = tpu.memref_squeeze %dma_start3A_42 : memref<1x56x128xi32, #tpu.memory_space<hbm>> -> memref<56x128xi32, #tpu.memory_space<hbm>>
        tpu.enqueue_dma source(%dma_start3A_43 : memref<56x128xi32, #tpu.memory_space<hbm>>) target(%dma_start3A_39 : memref<56x128xi32, #tpu.memory_space<vmem>>) target_semaphore(%run_scoped3A : memref<!tpu.dma_semaphore, #tpu.memory_space<semaphore_mem>>)
        %dma_wait3A = arith.constant 0 : i32
        %dma_wait3A_44 = arith.constant 0 : i32
        %dma_wait3A_45 = tpu.memref_slice %arg9[%dma_wait3A, %dma_wait3A_44] : memref<56x128xi32, #tpu.memory_space<vmem>> -> memref<56x128xi32, #tpu.memory_space<vmem>>
        %dma_wait3A_46 = arith.constant 56 : i32
        %dma_wait3A_47 = arith.constant 0 : i32
        %dma_wait3A_48 = tpu.memref_slice %arg3[%add3A, %dma_wait3A_46, %dma_wait3A_47] : memref<32x112x128xi32, #tpu.memory_space<hbm>> -> memref<1x56x128xi32, #tpu.memory_space<hbm>>
        %dma_wait3A_49 = tpu.memref_squeeze %dma_wait3A_48 : memref<1x56x128xi32, #tpu.memory_space<hbm>> -> memref<56x128xi32, #tpu.memory_space<hbm>>
        %dma_wait3A_50 = arith.constant 0 : i32
        %dma_wait3A_51 = arith.constant 0 : i32
        %dma_wait3A_52 = tpu.memref_slice %arg9[%dma_wait3A_50, %dma_wait3A_51] : memref<56x128xi32, #tpu.memory_space<vmem>> -> memref<56x128xi32, #tpu.memory_space<vmem>>
        %dma_wait3A_53 = arith.constant 56 : i32
        %dma_wait3A_54 = arith.constant 0 : i32
        %dma_wait3A_55 = tpu.memref_slice %arg3[%add3A, %dma_wait3A_53, %dma_wait3A_54] : memref<32x112x128xi32, #tpu.memory_space<hbm>> -> memref<1x56x128xi32, #tpu.memory_space<hbm>>
        %dma_wait3A_56 = tpu.memref_squeeze %dma_wait3A_55 : memref<1x56x128xi32, #tpu.memory_space<hbm>> -> memref<56x128xi32, #tpu.memory_space<hbm>>
        tpu.wait_dma2 semaphore(%run_scoped3A : memref<!tpu.dma_semaphore, #tpu.memory_space<semaphore_mem>>) src(%dma_wait3A_56 : memref<56x128xi32, #tpu.memory_space<hbm>>) dst(%dma_wait3A_52 : memref<56x128xi32, #tpu.memory_space<vmem>>)
        tpu.yield
      }) : () -> ()
      "tpu.region"() ({
        %run_scoped3A = tpu.sem_alloc : memref<!tpu.dma_semaphore, #tpu.memory_space<semaphore_mem>>
        %dma_start3A = arith.constant 0 : i32
        %dma_start3A_31 = arith.constant 0 : i32
        %dma_start3A_32 = tpu.memref_slice %arg10[%dma_start3A, %dma_start3A_31] : memref<56x128xi32, #tpu.memory_space<vmem>> -> memref<56x128xi32, #tpu.memory_space<vmem>>
        %dma_start3A_33 = arith.constant 56 : i32
        %dma_start3A_34 = arith.constant 0 : i32
        %dma_start3A_35 = tpu.memref_slice %arg4[%add3A, %dma_start3A_33, %dma_start3A_34] : memref<32x112x128xi32, #tpu.memory_space<hbm>> -> memref<1x56x128xi32, #tpu.memory_space<hbm>>
        %dma_start3A_36 = tpu.memref_squeeze %dma_start3A_35 : memref<1x56x128xi32, #tpu.memory_space<hbm>> -> memref<56x128xi32, #tpu.memory_space<hbm>>
        %dma_start3A_37 = arith.constant 0 : i32
        %dma_start3A_38 = arith.constant 0 : i32
        %dma_start3A_39 = tpu.memref_slice %arg10[%dma_start3A_37, %dma_start3A_38] : memref<56x128xi32, #tpu.memory_space<vmem>> -> memref<56x128xi32, #tpu.memory_space<vmem>>
        %dma_start3A_40 = arith.constant 56 : i32
        %dma_start3A_41 = arith.constant 0 : i32
        %dma_start3A_42 = tpu.memref_slice %arg4[%add3A, %dma_start3A_40, %dma_start3A_41] : memref<32x112x128xi32, #tpu.memory_space<hbm>> -> memref<1x56x128xi32, #tpu.memory_space<hbm>>
        %dma_start3A_43 = tpu.memref_squeeze %dma_start3A_42 : memref<1x56x128xi32, #tpu.memory_space<hbm>> -> memref<56x128xi32, #tpu.memory_space<hbm>>
        tpu.enqueue_dma source(%dma_start3A_43 : memref<56x128xi32, #tpu.memory_space<hbm>>) target(%dma_start3A_39 : memref<56x128xi32, #tpu.memory_space<vmem>>) target_semaphore(%run_scoped3A : memref<!tpu.dma_semaphore, #tpu.memory_space<semaphore_mem>>)
        %dma_wait3A = arith.constant 0 : i32
        %dma_wait3A_44 = arith.constant 0 : i32
        %dma_wait3A_45 = tpu.memref_slice %arg10[%dma_wait3A, %dma_wait3A_44] : memref<56x128xi32, #tpu.memory_space<vmem>> -> memref<56x128xi32, #tpu.memory_space<vmem>>
        %dma_wait3A_46 = arith.constant 56 : i32
        %dma_wait3A_47 = arith.constant 0 : i32
        %dma_wait3A_48 = tpu.memref_slice %arg4[%add3A, %dma_wait3A_46, %dma_wait3A_47] : memref<32x112x128xi32, #tpu.memory_space<hbm>> -> memref<1x56x128xi32, #tpu.memory_space<hbm>>
        %dma_wait3A_49 = tpu.memref_squeeze %dma_wait3A_48 : memref<1x56x128xi32, #tpu.memory_space<hbm>> -> memref<56x128xi32, #tpu.memory_space<hbm>>
        %dma_wait3A_50 = arith.constant 0 : i32
        %dma_wait3A_51 = arith.constant 0 : i32
        %dma_wait3A_52 = tpu.memref_slice %arg10[%dma_wait3A_50, %dma_wait3A_51] : memref<56x128xi32, #tpu.memory_space<vmem>> -> memref<56x128xi32, #tpu.memory_space<vmem>>
        %dma_wait3A_53 = arith.constant 56 : i32
        %dma_wait3A_54 = arith.constant 0 : i32
        %dma_wait3A_55 = tpu.memref_slice %arg4[%add3A, %dma_wait3A_53, %dma_wait3A_54] : memref<32x112x128xi32, #tpu.memory_space<hbm>> -> memref<1x56x128xi32, #tpu.memory_space<hbm>>
        %dma_wait3A_56 = tpu.memref_squeeze %dma_wait3A_55 : memref<1x56x128xi32, #tpu.memory_space<hbm>> -> memref<56x128xi32, #tpu.memory_space<hbm>>
        tpu.wait_dma2 semaphore(%run_scoped3A : memref<!tpu.dma_semaphore, #tpu.memory_space<semaphore_mem>>) src(%dma_wait3A_56 : memref<56x128xi32, #tpu.memory_space<hbm>>) dst(%dma_wait3A_52 : memref<56x128xi32, #tpu.memory_space<vmem>>)
        tpu.yield
      }) : () -> ()
      %scan3A_25 = arith.constant 0 : i32
      %scan3A_26 = arith.constant 0 : i32
      %scan3A_27 = arith.constant 56 : i32
      %scan3A_28 = arith.addi %scan3A_26, %scan3A_27 : i32
      %scan3A_29 = arith.constant 1 : i32
      scf.for %scan3A_31 = %scan3A_26 to %scan3A_28 step %scan3A_29  : i32 {
        "tpu.region"() ({
          %run_scoped3A = tpu.sem_alloc : memref<!tpu.dma_semaphore, #tpu.memory_space<semaphore_mem>>
          %dma_start3A = arith.constant 0 : i32
          %dma_start3A_32 = tpu.memref_slice %arg9[%scan3A_31, %dma_start3A] : memref<56x128xi32, #tpu.memory_space<vmem>> -> memref<1x128xi32, #tpu.memory_space<vmem>>
          %dma_start3A_33 = tpu.memref_squeeze %dma_start3A_32 : memref<1x128xi32, #tpu.memory_space<vmem>> -> memref<128xi32, #tpu.memory_space<vmem>>
          %dma_start3A_34 = arith.constant 0 : i32
          %dma_start3A_35 = arith.constant 0 : i32
          %dma_start3A_36 = tpu.memref_slice %arg2[%dma_start3A_34, %dma_start3A_35] : memref<10240x128xf32, #tpu.memory_space<hbm>> -> memref<10240x128xf32, #tpu.memory_space<hbm>>
          tpu.enqueue_indirect_dma source(%dma_start3A_36 : memref<10240x128xf32, #tpu.memory_space<hbm>>) target(%arg11 : memref<128x128xf32, #tpu.memory_space<vmem>>) offsets(%dma_start3A_33 : memref<128xi32, #tpu.memory_space<vmem>>) semaphore(%run_scoped3A : memref<!tpu.dma_semaphore, #tpu.memory_space<semaphore_mem>>)
          %dma_wait3A = arith.constant 0 : i32
          %dma_wait3A_37 = tpu.memref_slice %arg9[%scan3A_31, %dma_wait3A] : memref<56x128xi32, #tpu.memory_space<vmem>> -> memref<1x128xi32, #tpu.memory_space<vmem>>
          %dma_wait3A_38 = tpu.memref_squeeze %dma_wait3A_37 : memref<1x128xi32, #tpu.memory_space<vmem>> -> memref<128xi32, #tpu.memory_space<vmem>>
          %dma_wait3A_39 = arith.constant 0 : i32
          %dma_wait3A_40 = arith.constant 0 : i32
          %dma_wait3A_41 = tpu.memref_slice %arg2[%dma_wait3A_39, %dma_wait3A_40] : memref<10240x128xf32, #tpu.memory_space<hbm>> -> memref<10240x128xf32, #tpu.memory_space<hbm>>
          tpu.wait_indirect_dma semaphore(%run_scoped3A : memref<!tpu.dma_semaphore, #tpu.memory_space<semaphore_mem>>) src(%dma_wait3A_41 : memref<10240x128xf32, #tpu.memory_space<hbm>>) dst(%arg11 : memref<128x128xf32, #tpu.memory_space<vmem>>)
          tpu.yield
        }) : () -> ()
        "tpu.region"() ({
          %run_scoped3A = tpu.sem_alloc : memref<!tpu.dma_semaphore, #tpu.memory_space<semaphore_mem>>
          %dma_start3A = arith.constant 0 : i32
          %dma_start3A_32 = tpu.memref_slice %arg10[%scan3A_31, %dma_start3A] : memref<56x128xi32, #tpu.memory_space<vmem>> -> memref<1x128xi32, #tpu.memory_space<vmem>>
          %dma_start3A_33 = tpu.memref_squeeze %dma_start3A_32 : memref<1x128xi32, #tpu.memory_space<vmem>> -> memref<128xi32, #tpu.memory_space<vmem>>
          %dma_start3A_34 = arith.constant 0 : i32
          %dma_start3A_35 = arith.constant 0 : i32
          %dma_start3A_36 = tpu.memref_slice %arg12[%dma_start3A_34, %dma_start3A_35] : memref<10112x128xf32, #tpu.memory_space<vmem_shared>> -> memref<10112x128xf32, #tpu.memory_space<vmem_shared>>
          tpu.enqueue_indirect_dma source(%arg11 : memref<128x128xf32, #tpu.memory_space<vmem>>) target(%dma_start3A_36 : memref<10112x128xf32, #tpu.memory_space<vmem_shared>>) offsets(%dma_start3A_33 : memref<128xi32, #tpu.memory_space<vmem>>) semaphore(%run_scoped3A : memref<!tpu.dma_semaphore, #tpu.memory_space<semaphore_mem>>) {add = true}
          %dma_wait3A = arith.constant 0 : i32
          %dma_wait3A_37 = tpu.memref_slice %arg10[%scan3A_31, %dma_wait3A] : memref<56x128xi32, #tpu.memory_space<vmem>> -> memref<1x128xi32, #tpu.memory_space<vmem>>
          %dma_wait3A_38 = tpu.memref_squeeze %dma_wait3A_37 : memref<1x128xi32, #tpu.memory_space<vmem>> -> memref<128xi32, #tpu.memory_space<vmem>>
          %dma_wait3A_39 = arith.constant 0 : i32
          %dma_wait3A_40 = arith.constant 0 : i32
          %dma_wait3A_41 = tpu.memref_slice %arg12[%dma_wait3A_39, %dma_wait3A_40] : memref<10112x128xf32, #tpu.memory_space<vmem_shared>> -> memref<10112x128xf32, #tpu.memory_space<vmem_shared>>
          tpu.wait_indirect_dma semaphore(%run_scoped3A : memref<!tpu.dma_semaphore, #tpu.memory_space<semaphore_mem>>) src(%arg11 : memref<128x128xf32, #tpu.memory_space<vmem>>) dst(%dma_wait3A_41 : memref<10112x128xf32, #tpu.memory_space<vmem_shared>>)
          tpu.yield
        }) : () -> ()
      }
      %scan3A_30 = arith.constant 56 : i32
    } else {
    }
    %ne3A_14 = arith.constant 0 : i32
    %ne3A_15 = arith.cmpi ne, %arg0, %ne3A_14 : i32
    %convert_element_type3A_16 = arith.extui %ne3A_15 : i1 to i32
    %cond3A_17 = arith.constant 0 : i32
    %cond3A_18 = arith.cmpi ne, %convert_element_type3A_16, %cond3A_17 : i32
    scf.if %cond3A_18 {
      "tpu.region"() ({
        %run_scoped3A = tpu.sem_alloc : memref<!tpu.dma_semaphore, #tpu.memory_space<semaphore_mem>>
        %dma_start3A = arith.constant 0 : i32
        %dma_start3A_31 = arith.constant 0 : i32
        %dma_start3A_32 = tpu.memref_slice %arg9[%dma_start3A, %dma_start3A_31] : memref<56x128xi32, #tpu.memory_space<vmem>> -> memref<24x128xi32, #tpu.memory_space<vmem>>
        %dma_start3A_33 = arith.constant 0 : i32
        %dma_start3A_34 = arith.constant 0 : i32
        %dma_start3A_35 = tpu.memref_slice %arg3[%add3A, %dma_start3A_33, %dma_start3A_34] : memref<32x112x128xi32, #tpu.memory_space<hbm>> -> memref<1x24x128xi32, #tpu.memory_space<hbm>>
        %dma_start3A_36 = tpu.memref_squeeze %dma_start3A_35 : memref<1x24x128xi32, #tpu.memory_space<hbm>> -> memref<24x128xi32, #tpu.memory_space<hbm>>
        %dma_start3A_37 = arith.constant 0 : i32
        %dma_start3A_38 = arith.constant 0 : i32
        %dma_start3A_39 = tpu.memref_slice %arg9[%dma_start3A_37, %dma_start3A_38] : memref<56x128xi32, #tpu.memory_space<vmem>> -> memref<24x128xi32, #tpu.memory_space<vmem>>
        %dma_start3A_40 = arith.constant 0 : i32
        %dma_start3A_41 = arith.constant 0 : i32
        %dma_start3A_42 = tpu.memref_slice %arg3[%add3A, %dma_start3A_40, %dma_start3A_41] : memref<32x112x128xi32, #tpu.memory_space<hbm>> -> memref<1x24x128xi32, #tpu.memory_space<hbm>>
        %dma_start3A_43 = tpu.memref_squeeze %dma_start3A_42 : memref<1x24x128xi32, #tpu.memory_space<hbm>> -> memref<24x128xi32, #tpu.memory_space<hbm>>
        tpu.enqueue_dma source(%dma_start3A_43 : memref<24x128xi32, #tpu.memory_space<hbm>>) target(%dma_start3A_39 : memref<24x128xi32, #tpu.memory_space<vmem>>) target_semaphore(%run_scoped3A : memref<!tpu.dma_semaphore, #tpu.memory_space<semaphore_mem>>)
        %dma_wait3A = arith.constant 0 : i32
        %dma_wait3A_44 = arith.constant 0 : i32
        %dma_wait3A_45 = tpu.memref_slice %arg9[%dma_wait3A, %dma_wait3A_44] : memref<56x128xi32, #tpu.memory_space<vmem>> -> memref<24x128xi32, #tpu.memory_space<vmem>>
        %dma_wait3A_46 = arith.constant 0 : i32
        %dma_wait3A_47 = arith.constant 0 : i32
        %dma_wait3A_48 = tpu.memref_slice %arg3[%add3A, %dma_wait3A_46, %dma_wait3A_47] : memref<32x112x128xi32, #tpu.memory_space<hbm>> -> memref<1x24x128xi32, #tpu.memory_space<hbm>>
        %dma_wait3A_49 = tpu.memref_squeeze %dma_wait3A_48 : memref<1x24x128xi32, #tpu.memory_space<hbm>> -> memref<24x128xi32, #tpu.memory_space<hbm>>
        %dma_wait3A_50 = arith.constant 0 : i32
        %dma_wait3A_51 = arith.constant 0 : i32
        %dma_wait3A_52 = tpu.memref_slice %arg9[%dma_wait3A_50, %dma_wait3A_51] : memref<56x128xi32, #tpu.memory_space<vmem>> -> memref<24x128xi32, #tpu.memory_space<vmem>>
        %dma_wait3A_53 = arith.constant 0 : i32
        %dma_wait3A_54 = arith.constant 0 : i32
        %dma_wait3A_55 = tpu.memref_slice %arg3[%add3A, %dma_wait3A_53, %dma_wait3A_54] : memref<32x112x128xi32, #tpu.memory_space<hbm>> -> memref<1x24x128xi32, #tpu.memory_space<hbm>>
        %dma_wait3A_56 = tpu.memref_squeeze %dma_wait3A_55 : memref<1x24x128xi32, #tpu.memory_space<hbm>> -> memref<24x128xi32, #tpu.memory_space<hbm>>
        tpu.wait_dma2 semaphore(%run_scoped3A : memref<!tpu.dma_semaphore, #tpu.memory_space<semaphore_mem>>) src(%dma_wait3A_56 : memref<24x128xi32, #tpu.memory_space<hbm>>) dst(%dma_wait3A_52 : memref<24x128xi32, #tpu.memory_space<vmem>>)
        tpu.yield
      }) : () -> ()
      "tpu.region"() ({
        %run_scoped3A = tpu.sem_alloc : memref<!tpu.dma_semaphore, #tpu.memory_space<semaphore_mem>>
        %dma_start3A = arith.constant 0 : i32
        %dma_start3A_31 = arith.constant 0 : i32
        %dma_start3A_32 = tpu.memref_slice %arg10[%dma_start3A, %dma_start3A_31] : memref<56x128xi32, #tpu.memory_space<vmem>> -> memref<24x128xi32, #tpu.memory_space<vmem>>
        %dma_start3A_33 = arith.constant 0 : i32
        %dma_start3A_34 = arith.constant 0 : i32
        %dma_start3A_35 = tpu.memref_slice %arg4[%add3A, %dma_start3A_33, %dma_start3A_34] : memref<32x112x128xi32, #tpu.memory_space<hbm>> -> memref<1x24x128xi32, #tpu.memory_space<hbm>>
        %dma_start3A_36 = tpu.memref_squeeze %dma_start3A_35 : memref<1x24x128xi32, #tpu.memory_space<hbm>> -> memref<24x128xi32, #tpu.memory_space<hbm>>
        %dma_start3A_37 = arith.constant 0 : i32
        %dma_start3A_38 = arith.constant 0 : i32
        %dma_start3A_39 = tpu.memref_slice %arg10[%dma_start3A_37, %dma_start3A_38] : memref<56x128xi32, #tpu.memory_space<vmem>> -> memref<24x128xi32, #tpu.memory_space<vmem>>
        %dma_start3A_40 = arith.constant 0 : i32
        %dma_start3A_41 = arith.constant 0 : i32
        %dma_start3A_42 = tpu.memref_slice %arg4[%add3A, %dma_start3A_40, %dma_start3A_41] : memref<32x112x128xi32, #tpu.memory_space<hbm>> -> memref<1x24x128xi32, #tpu.memory_space<hbm>>
        %dma_start3A_43 = tpu.memref_squeeze %dma_start3A_42 : memref<1x24x128xi32, #tpu.memory_space<hbm>> -> memref<24x128xi32, #tpu.memory_space<hbm>>
        tpu.enqueue_dma source(%dma_start3A_43 : memref<24x128xi32, #tpu.memory_space<hbm>>) target(%dma_start3A_39 : memref<24x128xi32, #tpu.memory_space<vmem>>) target_semaphore(%run_scoped3A : memref<!tpu.dma_semaphore, #tpu.memory_space<semaphore_mem>>)
        %dma_wait3A = arith.constant 0 : i32
        %dma_wait3A_44 = arith.constant 0 : i32
        %dma_wait3A_45 = tpu.memref_slice %arg10[%dma_wait3A, %dma_wait3A_44] : memref<56x128xi32, #tpu.memory_space<vmem>> -> memref<24x128xi32, #tpu.memory_space<vmem>>
        %dma_wait3A_46 = arith.constant 0 : i32
        %dma_wait3A_47 = arith.constant 0 : i32
        %dma_wait3A_48 = tpu.memref_slice %arg4[%add3A, %dma_wait3A_46, %dma_wait3A_47] : memref<32x112x128xi32, #tpu.memory_space<hbm>> -> memref<1x24x128xi32, #tpu.memory_space<hbm>>
        %dma_wait3A_49 = tpu.memref_squeeze %dma_wait3A_48 : memref<1x24x128xi32, #tpu.memory_space<hbm>> -> memref<24x128xi32, #tpu.memory_space<hbm>>
        %dma_wait3A_50 = arith.constant 0 : i32
        %dma_wait3A_51 = arith.constant 0 : i32
        %dma_wait3A_52 = tpu.memref_slice %arg10[%dma_wait3A_50, %dma_wait3A_51] : memref<56x128xi32, #tpu.memory_space<vmem>> -> memref<24x128xi32, #tpu.memory_space<vmem>>
        %dma_wait3A_53 = arith.constant 0 : i32
        %dma_wait3A_54 = arith.constant 0 : i32
        %dma_wait3A_55 = tpu.memref_slice %arg4[%add3A, %dma_wait3A_53, %dma_wait3A_54] : memref<32x112x128xi32, #tpu.memory_space<hbm>> -> memref<1x24x128xi32, #tpu.memory_space<hbm>>
        %dma_wait3A_56 = tpu.memref_squeeze %dma_wait3A_55 : memref<1x24x128xi32, #tpu.memory_space<hbm>> -> memref<24x128xi32, #tpu.memory_space<hbm>>
        tpu.wait_dma2 semaphore(%run_scoped3A : memref<!tpu.dma_semaphore, #tpu.memory_space<semaphore_mem>>) src(%dma_wait3A_56 : memref<24x128xi32, #tpu.memory_space<hbm>>) dst(%dma_wait3A_52 : memref<24x128xi32, #tpu.memory_space<vmem>>)
        tpu.yield
      }) : () -> ()
      %scan3A = arith.constant 0 : i32
      %scan3A_20 = arith.constant 0 : i32
      %scan3A_21 = arith.constant 24 : i32
      %scan3A_22 = arith.addi %scan3A_20, %scan3A_21 : i32
      %scan3A_23 = arith.constant 1 : i32
      scf.for %scan3A_31 = %scan3A_20 to %scan3A_22 step %scan3A_23  : i32 {
        "tpu.region"() ({
          %run_scoped3A = tpu.sem_alloc : memref<!tpu.dma_semaphore, #tpu.memory_space<semaphore_mem>>
          %dma_start3A = arith.constant 0 : i32
          %dma_start3A_32 = tpu.memref_slice %arg9[%scan3A_31, %dma_start3A] : memref<56x128xi32, #tpu.memory_space<vmem>> -> memref<1x128xi32, #tpu.memory_space<vmem>>
          %dma_start3A_33 = tpu.memref_squeeze %dma_start3A_32 : memref<1x128xi32, #tpu.memory_space<vmem>> -> memref<128xi32, #tpu.memory_space<vmem>>
          %dma_start3A_34 = arith.constant 0 : i32
          %dma_start3A_35 = arith.constant 0 : i32
          %dma_start3A_36 = tpu.memref_slice %arg2[%dma_start3A_34, %dma_start3A_35] : memref<10240x128xf32, #tpu.memory_space<hbm>> -> memref<10240x128xf32, #tpu.memory_space<hbm>>
          tpu.enqueue_indirect_dma source(%dma_start3A_36 : memref<10240x128xf32, #tpu.memory_space<hbm>>) target(%arg11 : memref<128x128xf32, #tpu.memory_space<vmem>>) offsets(%dma_start3A_33 : memref<128xi32, #tpu.memory_space<vmem>>) semaphore(%run_scoped3A : memref<!tpu.dma_semaphore, #tpu.memory_space<semaphore_mem>>)
          %dma_wait3A = arith.constant 0 : i32
          %dma_wait3A_37 = tpu.memref_slice %arg9[%scan3A_31, %dma_wait3A] : memref<56x128xi32, #tpu.memory_space<vmem>> -> memref<1x128xi32, #tpu.memory_space<vmem>>
          %dma_wait3A_38 = tpu.memref_squeeze %dma_wait3A_37 : memref<1x128xi32, #tpu.memory_space<vmem>> -> memref<128xi32, #tpu.memory_space<vmem>>
          %dma_wait3A_39 = arith.constant 0 : i32
          %dma_wait3A_40 = arith.constant 0 : i32
          %dma_wait3A_41 = tpu.memref_slice %arg2[%dma_wait3A_39, %dma_wait3A_40] : memref<10240x128xf32, #tpu.memory_space<hbm>> -> memref<10240x128xf32, #tpu.memory_space<hbm>>
          tpu.wait_indirect_dma semaphore(%run_scoped3A : memref<!tpu.dma_semaphore, #tpu.memory_space<semaphore_mem>>) src(%dma_wait3A_41 : memref<10240x128xf32, #tpu.memory_space<hbm>>) dst(%arg11 : memref<128x128xf32, #tpu.memory_space<vmem>>)
          tpu.yield
        }) : () -> ()
        "tpu.region"() ({
          %run_scoped3A = tpu.sem_alloc : memref<!tpu.dma_semaphore, #tpu.memory_space<semaphore_mem>>
          %dma_start3A = arith.constant 0 : i32
          %dma_start3A_32 = tpu.memref_slice %arg10[%scan3A_31, %dma_start3A] : memref<56x128xi32, #tpu.memory_space<vmem>> -> memref<1x128xi32, #tpu.memory_space<vmem>>
          %dma_start3A_33 = tpu.memref_squeeze %dma_start3A_32 : memref<1x128xi32, #tpu.memory_space<vmem>> -> memref<128xi32, #tpu.memory_space<vmem>>
          %dma_start3A_34 = arith.constant 0 : i32
          %dma_start3A_35 = arith.constant 0 : i32
          %dma_start3A_36 = tpu.memref_slice %arg12[%dma_start3A_34, %dma_start3A_35] : memref<10112x128xf32, #tpu.memory_space<vmem_shared>> -> memref<10112x128xf32, #tpu.memory_space<vmem_shared>>
          tpu.enqueue_indirect_dma source(%arg11 : memref<128x128xf32, #tpu.memory_space<vmem>>) target(%dma_start3A_36 : memref<10112x128xf32, #tpu.memory_space<vmem_shared>>) offsets(%dma_start3A_33 : memref<128xi32, #tpu.memory_space<vmem>>) semaphore(%run_scoped3A : memref<!tpu.dma_semaphore, #tpu.memory_space<semaphore_mem>>) {add = true}
          %dma_wait3A = arith.constant 0 : i32
          %dma_wait3A_37 = tpu.memref_slice %arg10[%scan3A_31, %dma_wait3A] : memref<56x128xi32, #tpu.memory_space<vmem>> -> memref<1x128xi32, #tpu.memory_space<vmem>>
          %dma_wait3A_38 = tpu.memref_squeeze %dma_wait3A_37 : memref<1x128xi32, #tpu.memory_space<vmem>> -> memref<128xi32, #tpu.memory_space<vmem>>
          %dma_wait3A_39 = arith.constant 0 : i32
          %dma_wait3A_40 = arith.constant 0 : i32
          %dma_wait3A_41 = tpu.memref_slice %arg12[%dma_wait3A_39, %dma_wait3A_40] : memref<10112x128xf32, #tpu.memory_space<vmem_shared>> -> memref<10112x128xf32, #tpu.memory_space<vmem_shared>>
          tpu.wait_indirect_dma semaphore(%run_scoped3A : memref<!tpu.dma_semaphore, #tpu.memory_space<semaphore_mem>>) src(%arg11 : memref<128x128xf32, #tpu.memory_space<vmem>>) dst(%dma_wait3A_41 : memref<10112x128xf32, #tpu.memory_space<vmem_shared>>)
          tpu.yield
        }) : () -> ()
      }
      %scan3A_24 = arith.constant 24 : i32
      "tpu.region"() ({
        %run_scoped3A = tpu.sem_alloc : memref<!tpu.dma_semaphore, #tpu.memory_space<semaphore_mem>>
        %dma_start3A = arith.constant 0 : i32
        %dma_start3A_31 = arith.constant 0 : i32
        %dma_start3A_32 = tpu.memref_slice %arg9[%dma_start3A, %dma_start3A_31] : memref<56x128xi32, #tpu.memory_space<vmem>> -> memref<24x128xi32, #tpu.memory_space<vmem>>
        %dma_start3A_33 = arith.constant 24 : i32
        %dma_start3A_34 = arith.constant 0 : i32
        %dma_start3A_35 = tpu.memref_slice %arg3[%add3A, %dma_start3A_33, %dma_start3A_34] : memref<32x112x128xi32, #tpu.memory_space<hbm>> -> memref<1x24x128xi32, #tpu.memory_space<hbm>>
        %dma_start3A_36 = tpu.memref_squeeze %dma_start3A_35 : memref<1x24x128xi32, #tpu.memory_space<hbm>> -> memref<24x128xi32, #tpu.memory_space<hbm>>
        %dma_start3A_37 = arith.constant 0 : i32
        %dma_start3A_38 = arith.constant 0 : i32
        %dma_start3A_39 = tpu.memref_slice %arg9[%dma_start3A_37, %dma_start3A_38] : memref<56x128xi32, #tpu.memory_space<vmem>> -> memref<24x128xi32, #tpu.memory_space<vmem>>
        %dma_start3A_40 = arith.constant 24 : i32
        %dma_start3A_41 = arith.constant 0 : i32
        %dma_start3A_42 = tpu.memref_slice %arg3[%add3A, %dma_start3A_40, %dma_start3A_41] : memref<32x112x128xi32, #tpu.memory_space<hbm>> -> memref<1x24x128xi32, #tpu.memory_space<hbm>>
        %dma_start3A_43 = tpu.memref_squeeze %dma_start3A_42 : memref<1x24x128xi32, #tpu.memory_space<hbm>> -> memref<24x128xi32, #tpu.memory_space<hbm>>
        tpu.enqueue_dma source(%dma_start3A_43 : memref<24x128xi32, #tpu.memory_space<hbm>>) target(%dma_start3A_39 : memref<24x128xi32, #tpu.memory_space<vmem>>) target_semaphore(%run_scoped3A : memref<!tpu.dma_semaphore, #tpu.memory_space<semaphore_mem>>)
        %dma_wait3A = arith.constant 0 : i32
        %dma_wait3A_44 = arith.constant 0 : i32
        %dma_wait3A_45 = tpu.memref_slice %arg9[%dma_wait3A, %dma_wait3A_44] : memref<56x128xi32, #tpu.memory_space<vmem>> -> memref<24x128xi32, #tpu.memory_space<vmem>>
        %dma_wait3A_46 = arith.constant 24 : i32
        %dma_wait3A_47 = arith.constant 0 : i32
        %dma_wait3A_48 = tpu.memref_slice %arg3[%add3A, %dma_wait3A_46, %dma_wait3A_47] : memref<32x112x128xi32, #tpu.memory_space<hbm>> -> memref<1x24x128xi32, #tpu.memory_space<hbm>>
        %dma_wait3A_49 = tpu.memref_squeeze %dma_wait3A_48 : memref<1x24x128xi32, #tpu.memory_space<hbm>> -> memref<24x128xi32, #tpu.memory_space<hbm>>
        %dma_wait3A_50 = arith.constant 0 : i32
        %dma_wait3A_51 = arith.constant 0 : i32
        %dma_wait3A_52 = tpu.memref_slice %arg9[%dma_wait3A_50, %dma_wait3A_51] : memref<56x128xi32, #tpu.memory_space<vmem>> -> memref<24x128xi32, #tpu.memory_space<vmem>>
        %dma_wait3A_53 = arith.constant 24 : i32
        %dma_wait3A_54 = arith.constant 0 : i32
        %dma_wait3A_55 = tpu.memref_slice %arg3[%add3A, %dma_wait3A_53, %dma_wait3A_54] : memref<32x112x128xi32, #tpu.memory_space<hbm>> -> memref<1x24x128xi32, #tpu.memory_space<hbm>>
        %dma_wait3A_56 = tpu.memref_squeeze %dma_wait3A_55 : memref<1x24x128xi32, #tpu.memory_space<hbm>> -> memref<24x128xi32, #tpu.memory_space<hbm>>
        tpu.wait_dma2 semaphore(%run_scoped3A : memref<!tpu.dma_semaphore, #tpu.memory_space<semaphore_mem>>) src(%dma_wait3A_56 : memref<24x128xi32, #tpu.memory_space<hbm>>) dst(%dma_wait3A_52 : memref<24x128xi32, #tpu.memory_space<vmem>>)
        tpu.yield
      }) : () -> ()
      "tpu.region"() ({
        %run_scoped3A = tpu.sem_alloc : memref<!tpu.dma_semaphore, #tpu.memory_space<semaphore_mem>>
        %dma_start3A = arith.constant 0 : i32
        %dma_start3A_31 = arith.constant 0 : i32
        %dma_start3A_32 = tpu.memref_slice %arg10[%dma_start3A, %dma_start3A_31] : memref<56x128xi32, #tpu.memory_space<vmem>> -> memref<24x128xi32, #tpu.memory_space<vmem>>
        %dma_start3A_33 = arith.constant 24 : i32
        %dma_start3A_34 = arith.constant 0 : i32
        %dma_start3A_35 = tpu.memref_slice %arg4[%add3A, %dma_start3A_33, %dma_start3A_34] : memref<32x112x128xi32, #tpu.memory_space<hbm>> -> memref<1x24x128xi32, #tpu.memory_space<hbm>>
        %dma_start3A_36 = tpu.memref_squeeze %dma_start3A_35 : memref<1x24x128xi32, #tpu.memory_space<hbm>> -> memref<24x128xi32, #tpu.memory_space<hbm>>
        %dma_start3A_37 = arith.constant 0 : i32
        %dma_start3A_38 = arith.constant 0 : i32
        %dma_start3A_39 = tpu.memref_slice %arg10[%dma_start3A_37, %dma_start3A_38] : memref<56x128xi32, #tpu.memory_space<vmem>> -> memref<24x128xi32, #tpu.memory_space<vmem>>
        %dma_start3A_40 = arith.constant 24 : i32
        %dma_start3A_41 = arith.constant 0 : i32
        %dma_start3A_42 = tpu.memref_slice %arg4[%add3A, %dma_start3A_40, %dma_start3A_41] : memref<32x112x128xi32, #tpu.memory_space<hbm>> -> memref<1x24x128xi32, #tpu.memory_space<hbm>>
        %dma_start3A_43 = tpu.memref_squeeze %dma_start3A_42 : memref<1x24x128xi32, #tpu.memory_space<hbm>> -> memref<24x128xi32, #tpu.memory_space<hbm>>
        tpu.enqueue_dma source(%dma_start3A_43 : memref<24x128xi32, #tpu.memory_space<hbm>>) target(%dma_start3A_39 : memref<24x128xi32, #tpu.memory_space<vmem>>) target_semaphore(%run_scoped3A : memref<!tpu.dma_semaphore, #tpu.memory_space<semaphore_mem>>)
        %dma_wait3A = arith.constant 0 : i32
        %dma_wait3A_44 = arith.constant 0 : i32
        %dma_wait3A_45 = tpu.memref_slice %arg10[%dma_wait3A, %dma_wait3A_44] : memref<56x128xi32, #tpu.memory_space<vmem>> -> memref<24x128xi32, #tpu.memory_space<vmem>>
        %dma_wait3A_46 = arith.constant 24 : i32
        %dma_wait3A_47 = arith.constant 0 : i32
        %dma_wait3A_48 = tpu.memref_slice %arg4[%add3A, %dma_wait3A_46, %dma_wait3A_47] : memref<32x112x128xi32, #tpu.memory_space<hbm>> -> memref<1x24x128xi32, #tpu.memory_space<hbm>>
        %dma_wait3A_49 = tpu.memref_squeeze %dma_wait3A_48 : memref<1x24x128xi32, #tpu.memory_space<hbm>> -> memref<24x128xi32, #tpu.memory_space<hbm>>
        %dma_wait3A_50 = arith.constant 0 : i32
        %dma_wait3A_51 = arith.constant 0 : i32
        %dma_wait3A_52 = tpu.memref_slice %arg10[%dma_wait3A_50, %dma_wait3A_51] : memref<56x128xi32, #tpu.memory_space<vmem>> -> memref<24x128xi32, #tpu.memory_space<vmem>>
        %dma_wait3A_53 = arith.constant 24 : i32
        %dma_wait3A_54 = arith.constant 0 : i32
        %dma_wait3A_55 = tpu.memref_slice %arg4[%add3A, %dma_wait3A_53, %dma_wait3A_54] : memref<32x112x128xi32, #tpu.memory_space<hbm>> -> memref<1x24x128xi32, #tpu.memory_space<hbm>>
        %dma_wait3A_56 = tpu.memref_squeeze %dma_wait3A_55 : memref<1x24x128xi32, #tpu.memory_space<hbm>> -> memref<24x128xi32, #tpu.memory_space<hbm>>
        tpu.wait_dma2 semaphore(%run_scoped3A : memref<!tpu.dma_semaphore, #tpu.memory_space<semaphore_mem>>) src(%dma_wait3A_56 : memref<24x128xi32, #tpu.memory_space<hbm>>) dst(%dma_wait3A_52 : memref<24x128xi32, #tpu.memory_space<vmem>>)
        tpu.yield
      }) : () -> ()
      %scan3A_25 = arith.constant 0 : i32
      %scan3A_26 = arith.constant 0 : i32
      %scan3A_27 = arith.constant 24 : i32
      %scan3A_28 = arith.addi %scan3A_26, %scan3A_27 : i32
      %scan3A_29 = arith.constant 1 : i32
      scf.for %scan3A_31 = %scan3A_26 to %scan3A_28 step %scan3A_29  : i32 {
        "tpu.region"() ({
          %run_scoped3A = tpu.sem_alloc : memref<!tpu.dma_semaphore, #tpu.memory_space<semaphore_mem>>
          %dma_start3A = arith.constant 0 : i32
          %dma_start3A_32 = tpu.memref_slice %arg9[%scan3A_31, %dma_start3A] : memref<56x128xi32, #tpu.memory_space<vmem>> -> memref<1x128xi32, #tpu.memory_space<vmem>>
          %dma_start3A_33 = tpu.memref_squeeze %dma_start3A_32 : memref<1x128xi32, #tpu.memory_space<vmem>> -> memref<128xi32, #tpu.memory_space<vmem>>
          %dma_start3A_34 = arith.constant 0 : i32
          %dma_start3A_35 = arith.constant 0 : i32
          %dma_start3A_36 = tpu.memref_slice %arg2[%dma_start3A_34, %dma_start3A_35] : memref<10240x128xf32, #tpu.memory_space<hbm>> -> memref<10240x128xf32, #tpu.memory_space<hbm>>
          tpu.enqueue_indirect_dma source(%dma_start3A_36 : memref<10240x128xf32, #tpu.memory_space<hbm>>) target(%arg11 : memref<128x128xf32, #tpu.memory_space<vmem>>) offsets(%dma_start3A_33 : memref<128xi32, #tpu.memory_space<vmem>>) semaphore(%run_scoped3A : memref<!tpu.dma_semaphore, #tpu.memory_space<semaphore_mem>>)
          %dma_wait3A = arith.constant 0 : i32
          %dma_wait3A_37 = tpu.memref_slice %arg9[%scan3A_31, %dma_wait3A] : memref<56x128xi32, #tpu.memory_space<vmem>> -> memref<1x128xi32, #tpu.memory_space<vmem>>
          %dma_wait3A_38 = tpu.memref_squeeze %dma_wait3A_37 : memref<1x128xi32, #tpu.memory_space<vmem>> -> memref<128xi32, #tpu.memory_space<vmem>>
          %dma_wait3A_39 = arith.constant 0 : i32
          %dma_wait3A_40 = arith.constant 0 : i32
          %dma_wait3A_41 = tpu.memref_slice %arg2[%dma_wait3A_39, %dma_wait3A_40] : memref<10240x128xf32, #tpu.memory_space<hbm>> -> memref<10240x128xf32, #tpu.memory_space<hbm>>
          tpu.wait_indirect_dma semaphore(%run_scoped3A : memref<!tpu.dma_semaphore, #tpu.memory_space<semaphore_mem>>) src(%dma_wait3A_41 : memref<10240x128xf32, #tpu.memory_space<hbm>>) dst(%arg11 : memref<128x128xf32, #tpu.memory_space<vmem>>)
          tpu.yield
        }) : () -> ()
        "tpu.region"() ({
          %run_scoped3A = tpu.sem_alloc : memref<!tpu.dma_semaphore, #tpu.memory_space<semaphore_mem>>
          %dma_start3A = arith.constant 0 : i32
          %dma_start3A_32 = tpu.memref_slice %arg10[%scan3A_31, %dma_start3A] : memref<56x128xi32, #tpu.memory_space<vmem>> -> memref<1x128xi32, #tpu.memory_space<vmem>>
          %dma_start3A_33 = tpu.memref_squeeze %dma_start3A_32 : memref<1x128xi32, #tpu.memory_space<vmem>> -> memref<128xi32, #tpu.memory_space<vmem>>
          %dma_start3A_34 = arith.constant 0 : i32
          %dma_start3A_35 = arith.constant 0 : i32
          %dma_start3A_36 = tpu.memref_slice %arg12[%dma_start3A_34, %dma_start3A_35] : memref<10112x128xf32, #tpu.memory_space<vmem_shared>> -> memref<10112x128xf32, #tpu.memory_space<vmem_shared>>
          tpu.enqueue_indirect_dma source(%arg11 : memref<128x128xf32, #tpu.memory_space<vmem>>) target(%dma_start3A_36 : memref<10112x128xf32, #tpu.memory_space<vmem_shared>>) offsets(%dma_start3A_33 : memref<128xi32, #tpu.memory_space<vmem>>) semaphore(%run_scoped3A : memref<!tpu.dma_semaphore, #tpu.memory_space<semaphore_mem>>) {add = true}
          %dma_wait3A = arith.constant 0 : i32
          %dma_wait3A_37 = tpu.memref_slice %arg10[%scan3A_31, %dma_wait3A] : memref<56x128xi32, #tpu.memory_space<vmem>> -> memref<1x128xi32, #tpu.memory_space<vmem>>
          %dma_wait3A_38 = tpu.memref_squeeze %dma_wait3A_37 : memref<1x128xi32, #tpu.memory_space<vmem>> -> memref<128xi32, #tpu.memory_space<vmem>>
          %dma_wait3A_39 = arith.constant 0 : i32
          %dma_wait3A_40 = arith.constant 0 : i32
          %dma_wait3A_41 = tpu.memref_slice %arg12[%dma_wait3A_39, %dma_wait3A_40] : memref<10112x128xf32, #tpu.memory_space<vmem_shared>> -> memref<10112x128xf32, #tpu.memory_space<vmem_shared>>
          tpu.wait_indirect_dma semaphore(%run_scoped3A : memref<!tpu.dma_semaphore, #tpu.memory_space<semaphore_mem>>) src(%arg11 : memref<128x128xf32, #tpu.memory_space<vmem>>) dst(%dma_wait3A_41 : memref<10112x128xf32, #tpu.memory_space<vmem_shared>>)
          tpu.yield
        }) : () -> ()
      }
      %scan3A_30 = arith.constant 24 : i32
    } else {
    }
    %barrier3A_19 = arith.constant 0 : index
    tpu.barrier barrier_id(%barrier3A_19)
    "tpu.region"() ({
      %run_scoped3A = tpu.sem_alloc : memref<!tpu.dma_semaphore, #tpu.memory_space<semaphore_mem>>
      %dma_start3A = arith.constant 0 : i32
      %dma_start3A_20 = tpu.memref_slice %arg8[%arg0, %mul3A_2, %dma_start3A] : memref<2x10112x128xf32, #tpu.memory_space<hbm>> -> memref<1x632x128xf32, #tpu.memory_space<hbm>>
      %dma_start3A_21 = tpu.memref_squeeze %dma_start3A_20 : memref<1x632x128xf32, #tpu.memory_space<hbm>> -> memref<632x128xf32, #tpu.memory_space<hbm>>
      %dma_start3A_22 = arith.constant 0 : i32
      %dma_start3A_23 = tpu.memref_slice %arg12[%mul3A_2, %dma_start3A_22] : memref<10112x128xf32, #tpu.memory_space<vmem_shared>> -> memref<632x128xf32, #tpu.memory_space<vmem_shared>>
      tpu.enqueue_dma source(%dma_start3A_23 : memref<632x128xf32, #tpu.memory_space<vmem_shared>>) target(%dma_start3A_21 : memref<632x128xf32, #tpu.memory_space<hbm>>) target_semaphore(%run_scoped3A : memref<!tpu.dma_semaphore, #tpu.memory_space<semaphore_mem>>)
      %dma_wait3A = arith.constant 0 : i32
      %dma_wait3A_24 = tpu.memref_slice %arg8[%arg0, %mul3A_2, %dma_wait3A] : memref<2x10112x128xf32, #tpu.memory_space<hbm>> -> memref<1x632x128xf32, #tpu.memory_space<hbm>>
      %dma_wait3A_25 = tpu.memref_squeeze %dma_wait3A_24 : memref<1x632x128xf32, #tpu.memory_space<hbm>> -> memref<632x128xf32, #tpu.memory_space<hbm>>
      %dma_wait3A_26 = arith.constant 0 : i32
      %dma_wait3A_27 = tpu.memref_slice %arg12[%mul3A_2, %dma_wait3A_26] : memref<10112x128xf32, #tpu.memory_space<vmem_shared>> -> memref<632x128xf32, #tpu.memory_space<vmem_shared>>
      tpu.wait_dma2 semaphore(%run_scoped3A : memref<!tpu.dma_semaphore, #tpu.memory_space<semaphore_mem>>) src(%dma_wait3A_27 : memref<632x128xf32, #tpu.memory_space<vmem_shared>>) dst(%dma_wait3A_25 : memref<632x128xf32, #tpu.memory_space<hbm>>)
      tpu.yield
    }) : () -> ()
    return
  }
}

#map = affine_map<(d0, d1) -> (0)>
#map1 = affine_map<(d0, d1) -> (0, 0, 0)>
#map2 = affine_map<(d0, d1) -> (0, 0)>
module attributes {stable_mosaic.version = 14 : i64} {
  func.func @_sc_prep_body(%arg0: i32, %arg1: i32, %arg2: memref<10240xi32, #tpu.memory_space<hbm>>, %arg3: memref<32x112x128xi32, #tpu.memory_space<hbm>>, %arg4: memref<10000x128xf32, #tpu.memory_space<hbm>>, %arg5: memref<10240x128xf32, #tpu.memory_space<hbm>>, %arg6: memref<128x128xf32, #tpu.memory_space<hbm>>, %arg7: memref<10240x128xf32, #tpu.memory_space<hbm>>, %arg8: memref<2x10240x128xf32, #tpu.memory_space<hbm>>, %arg9: memref<64xi32, #tpu.memory_space<vmem>>, %arg10: memref<64x128xf32, #tpu.memory_space<vmem>>, %arg11: memref<56x128xi32, #tpu.memory_space<vmem>>, %arg12: memref<128x128xf32, #tpu.memory_space<vmem>>, %arg13: memref<10240x128xf32, #tpu.memory_space<vmem_shared>>) attributes {dimension_semantics = [#tpu.dimension_semantics<core_parallel>, #tpu.dimension_semantics<subcore_parallel>], iteration_bounds = array<i64: 2, 16>, scalar_prefetch = 0 : i64, scratch_operands = 5 : i64, tpu.core_type = #tpu.core_type<sc_vector_subcore>, window_params = [{transform_indices = #map}, {transform_indices = #map1}, {transform_indices = #map2}, {transform_indices = #map2}, {transform_indices = #map2}, {transform_indices = #map2}, {transform_indices = #map1}]} {
    %mul3A = arith.constant 16 : i32
    %mul3A_0 = arith.muli %arg0, %mul3A : i32
    %add3A = arith.addi %mul3A_0, %arg1 : i32
    %mul3A_1 = arith.constant 320 : i32
    %mul3A_2 = arith.muli %add3A, %mul3A_1 : i32
    %add3A_3 = arith.constant 0 : i32
    %add3A_4 = arith.addi %mul3A_2, %add3A_3 : i32
    "tpu.region"() ({
      %run_scoped3A = tpu.sem_alloc : memref<!tpu.dma_semaphore, #tpu.memory_space<semaphore_mem>>
      %dma_start3A = tpu.memref_slice %arg2[%add3A_4] : memref<10240xi32, #tpu.memory_space<hbm>> -> memref<64xi32, #tpu.memory_space<hbm>>
      %dma_start3A_36 = tpu.memref_slice %arg2[%add3A_4] : memref<10240xi32, #tpu.memory_space<hbm>> -> memref<64xi32, #tpu.memory_space<hbm>>
      tpu.enqueue_dma source(%dma_start3A_36 : memref<64xi32, #tpu.memory_space<hbm>>) target(%arg9 : memref<64xi32, #tpu.memory_space<vmem>>) target_semaphore(%run_scoped3A : memref<!tpu.dma_semaphore, #tpu.memory_space<semaphore_mem>>)
      %dma_wait3A = tpu.memref_slice %arg2[%add3A_4] : memref<10240xi32, #tpu.memory_space<hbm>> -> memref<64xi32, #tpu.memory_space<hbm>>
      %dma_wait3A_37 = tpu.memref_slice %arg2[%add3A_4] : memref<10240xi32, #tpu.memory_space<hbm>> -> memref<64xi32, #tpu.memory_space<hbm>>
      tpu.wait_dma2 semaphore(%run_scoped3A : memref<!tpu.dma_semaphore, #tpu.memory_space<semaphore_mem>>) src(%dma_wait3A_37 : memref<64xi32, #tpu.memory_space<hbm>>) dst(%arg9 : memref<64xi32, #tpu.memory_space<vmem>>)
      tpu.yield
    }) : () -> ()
    "tpu.region"() ({
      %run_scoped3A = tpu.sem_alloc : memref<!tpu.dma_semaphore, #tpu.memory_space<semaphore_mem>>
      %dma_start3A = arith.constant 0 : i32
      %dma_start3A_36 = arith.constant 0 : i32
      %dma_start3A_37 = tpu.memref_slice %arg4[%dma_start3A, %dma_start3A_36] : memref<10000x128xf32, #tpu.memory_space<hbm>> -> memref<10000x128xf32, #tpu.memory_space<hbm>>
      tpu.enqueue_indirect_dma source(%dma_start3A_37 : memref<10000x128xf32, #tpu.memory_space<hbm>>) target(%arg10 : memref<64x128xf32, #tpu.memory_space<vmem>>) offsets(%arg9 : memref<64xi32, #tpu.memory_space<vmem>>) semaphore(%run_scoped3A : memref<!tpu.dma_semaphore, #tpu.memory_space<semaphore_mem>>)
      %dma_wait3A = arith.constant 0 : i32
      %dma_wait3A_38 = arith.constant 0 : i32
      %dma_wait3A_39 = tpu.memref_slice %arg4[%dma_wait3A, %dma_wait3A_38] : memref<10000x128xf32, #tpu.memory_space<hbm>> -> memref<10000x128xf32, #tpu.memory_space<hbm>>
      tpu.wait_indirect_dma semaphore(%run_scoped3A : memref<!tpu.dma_semaphore, #tpu.memory_space<semaphore_mem>>) src(%dma_wait3A_39 : memref<10000x128xf32, #tpu.memory_space<hbm>>) dst(%arg10 : memref<64x128xf32, #tpu.memory_space<vmem>>)
      tpu.yield
    }) : () -> ()
    "tpu.region"() ({
      %run_scoped3A = tpu.sem_alloc : memref<!tpu.dma_semaphore, #tpu.memory_space<semaphore_mem>>
      %dma_start3A = arith.constant 0 : i32
      %dma_start3A_36 = tpu.memref_slice %arg7[%add3A_4, %dma_start3A] : memref<10240x128xf32, #tpu.memory_space<hbm>> -> memref<64x128xf32, #tpu.memory_space<hbm>>
      %dma_start3A_37 = arith.constant 0 : i32
      %dma_start3A_38 = tpu.memref_slice %arg7[%add3A_4, %dma_start3A_37] : memref<10240x128xf32, #tpu.memory_space<hbm>> -> memref<64x128xf32, #tpu.memory_space<hbm>>
      tpu.enqueue_dma source(%arg10 : memref<64x128xf32, #tpu.memory_space<vmem>>) target(%dma_start3A_38 : memref<64x128xf32, #tpu.memory_space<hbm>>) target_semaphore(%run_scoped3A : memref<!tpu.dma_semaphore, #tpu.memory_space<semaphore_mem>>)
      %dma_wait3A = arith.constant 0 : i32
      %dma_wait3A_39 = tpu.memref_slice %arg7[%add3A_4, %dma_wait3A] : memref<10240x128xf32, #tpu.memory_space<hbm>> -> memref<64x128xf32, #tpu.memory_space<hbm>>
      %dma_wait3A_40 = arith.constant 0 : i32
      %dma_wait3A_41 = tpu.memref_slice %arg7[%add3A_4, %dma_wait3A_40] : memref<10240x128xf32, #tpu.memory_space<hbm>> -> memref<64x128xf32, #tpu.memory_space<hbm>>
      tpu.wait_dma2 semaphore(%run_scoped3A : memref<!tpu.dma_semaphore, #tpu.memory_space<semaphore_mem>>) src(%arg10 : memref<64x128xf32, #tpu.memory_space<vmem>>) dst(%dma_wait3A_41 : memref<64x128xf32, #tpu.memory_space<hbm>>)
      tpu.yield
    }) : () -> ()
    %mul3A_5 = arith.constant 320 : i32
    %mul3A_6 = arith.muli %add3A, %mul3A_5 : i32
    %add3A_7 = arith.constant 64 : i32
    %add3A_8 = arith.addi %mul3A_6, %add3A_7 : i32
    "tpu.region"() ({
      %run_scoped3A = tpu.sem_alloc : memref<!tpu.dma_semaphore, #tpu.memory_space<semaphore_mem>>
      %dma_start3A = tpu.memref_slice %arg2[%add3A_8] : memref<10240xi32, #tpu.memory_space<hbm>> -> memref<64xi32, #tpu.memory_space<hbm>>
      %dma_start3A_36 = tpu.memref_slice %arg2[%add3A_8] : memref<10240xi32, #tpu.memory_space<hbm>> -> memref<64xi32, #tpu.memory_space<hbm>>
      tpu.enqueue_dma source(%dma_start3A_36 : memref<64xi32, #tpu.memory_space<hbm>>) target(%arg9 : memref<64xi32, #tpu.memory_space<vmem>>) target_semaphore(%run_scoped3A : memref<!tpu.dma_semaphore, #tpu.memory_space<semaphore_mem>>)
      %dma_wait3A = tpu.memref_slice %arg2[%add3A_8] : memref<10240xi32, #tpu.memory_space<hbm>> -> memref<64xi32, #tpu.memory_space<hbm>>
      %dma_wait3A_37 = tpu.memref_slice %arg2[%add3A_8] : memref<10240xi32, #tpu.memory_space<hbm>> -> memref<64xi32, #tpu.memory_space<hbm>>
      tpu.wait_dma2 semaphore(%run_scoped3A : memref<!tpu.dma_semaphore, #tpu.memory_space<semaphore_mem>>) src(%dma_wait3A_37 : memref<64xi32, #tpu.memory_space<hbm>>) dst(%arg9 : memref<64xi32, #tpu.memory_space<vmem>>)
      tpu.yield
    }) : () -> ()
    "tpu.region"() ({
      %run_scoped3A = tpu.sem_alloc : memref<!tpu.dma_semaphore, #tpu.memory_space<semaphore_mem>>
      %dma_start3A = arith.constant 0 : i32
      %dma_start3A_36 = arith.constant 0 : i32
      %dma_start3A_37 = tpu.memref_slice %arg4[%dma_start3A, %dma_start3A_36] : memref<10000x128xf32, #tpu.memory_space<hbm>> -> memref<10000x128xf32, #tpu.memory_space<hbm>>
      tpu.enqueue_indirect_dma source(%dma_start3A_37 : memref<10000x128xf32, #tpu.memory_space<hbm>>) target(%arg10 : memref<64x128xf32, #tpu.memory_space<vmem>>) offsets(%arg9 : memref<64xi32, #tpu.memory_space<vmem>>) semaphore(%run_scoped3A : memref<!tpu.dma_semaphore, #tpu.memory_space<semaphore_mem>>)
      %dma_wait3A = arith.constant 0 : i32
      %dma_wait3A_38 = arith.constant 0 : i32
      %dma_wait3A_39 = tpu.memref_slice %arg4[%dma_wait3A, %dma_wait3A_38] : memref<10000x128xf32, #tpu.memory_space<hbm>> -> memref<10000x128xf32, #tpu.memory_space<hbm>>
      tpu.wait_indirect_dma semaphore(%run_scoped3A : memref<!tpu.dma_semaphore, #tpu.memory_space<semaphore_mem>>) src(%dma_wait3A_39 : memref<10000x128xf32, #tpu.memory_space<hbm>>) dst(%arg10 : memref<64x128xf32, #tpu.memory_space<vmem>>)
      tpu.yield
    }) : () -> ()
    "tpu.region"() ({
      %run_scoped3A = tpu.sem_alloc : memref<!tpu.dma_semaphore, #tpu.memory_space<semaphore_mem>>
      %dma_start3A = arith.constant 0 : i32
      %dma_start3A_36 = tpu.memref_slice %arg7[%add3A_8, %dma_start3A] : memref<10240x128xf32, #tpu.memory_space<hbm>> -> memref<64x128xf32, #tpu.memory_space<hbm>>
      %dma_start3A_37 = arith.constant 0 : i32
      %dma_start3A_38 = tpu.memref_slice %arg7[%add3A_8, %dma_start3A_37] : memref<10240x128xf32, #tpu.memory_space<hbm>> -> memref<64x128xf32, #tpu.memory_space<hbm>>
      tpu.enqueue_dma source(%arg10 : memref<64x128xf32, #tpu.memory_space<vmem>>) target(%dma_start3A_38 : memref<64x128xf32, #tpu.memory_space<hbm>>) target_semaphore(%run_scoped3A : memref<!tpu.dma_semaphore, #tpu.memory_space<semaphore_mem>>)
      %dma_wait3A = arith.constant 0 : i32
      %dma_wait3A_39 = tpu.memref_slice %arg7[%add3A_8, %dma_wait3A] : memref<10240x128xf32, #tpu.memory_space<hbm>> -> memref<64x128xf32, #tpu.memory_space<hbm>>
      %dma_wait3A_40 = arith.constant 0 : i32
      %dma_wait3A_41 = tpu.memref_slice %arg7[%add3A_8, %dma_wait3A_40] : memref<10240x128xf32, #tpu.memory_space<hbm>> -> memref<64x128xf32, #tpu.memory_space<hbm>>
      tpu.wait_dma2 semaphore(%run_scoped3A : memref<!tpu.dma_semaphore, #tpu.memory_space<semaphore_mem>>) src(%arg10 : memref<64x128xf32, #tpu.memory_space<vmem>>) dst(%dma_wait3A_41 : memref<64x128xf32, #tpu.memory_space<hbm>>)
      tpu.yield
    }) : () -> ()
    %mul3A_9 = arith.constant 320 : i32
    %mul3A_10 = arith.muli %add3A, %mul3A_9 : i32
    %add3A_11 = arith.constant 128 : i32
    %add3A_12 = arith.addi %mul3A_10, %add3A_11 : i32
    "tpu.region"() ({
      %run_scoped3A = tpu.sem_alloc : memref<!tpu.dma_semaphore, #tpu.memory_space<semaphore_mem>>
      %dma_start3A = tpu.memref_slice %arg2[%add3A_12] : memref<10240xi32, #tpu.memory_space<hbm>> -> memref<64xi32, #tpu.memory_space<hbm>>
      %dma_start3A_36 = tpu.memref_slice %arg2[%add3A_12] : memref<10240xi32, #tpu.memory_space<hbm>> -> memref<64xi32, #tpu.memory_space<hbm>>
      tpu.enqueue_dma source(%dma_start3A_36 : memref<64xi32, #tpu.memory_space<hbm>>) target(%arg9 : memref<64xi32, #tpu.memory_space<vmem>>) target_semaphore(%run_scoped3A : memref<!tpu.dma_semaphore, #tpu.memory_space<semaphore_mem>>)
      %dma_wait3A = tpu.memref_slice %arg2[%add3A_12] : memref<10240xi32, #tpu.memory_space<hbm>> -> memref<64xi32, #tpu.memory_space<hbm>>
      %dma_wait3A_37 = tpu.memref_slice %arg2[%add3A_12] : memref<10240xi32, #tpu.memory_space<hbm>> -> memref<64xi32, #tpu.memory_space<hbm>>
      tpu.wait_dma2 semaphore(%run_scoped3A : memref<!tpu.dma_semaphore, #tpu.memory_space<semaphore_mem>>) src(%dma_wait3A_37 : memref<64xi32, #tpu.memory_space<hbm>>) dst(%arg9 : memref<64xi32, #tpu.memory_space<vmem>>)
      tpu.yield
    }) : () -> ()
    "tpu.region"() ({
      %run_scoped3A = tpu.sem_alloc : memref<!tpu.dma_semaphore, #tpu.memory_space<semaphore_mem>>
      %dma_start3A = arith.constant 0 : i32
      %dma_start3A_36 = arith.constant 0 : i32
      %dma_start3A_37 = tpu.memref_slice %arg4[%dma_start3A, %dma_start3A_36] : memref<10000x128xf32, #tpu.memory_space<hbm>> -> memref<10000x128xf32, #tpu.memory_space<hbm>>
      tpu.enqueue_indirect_dma source(%dma_start3A_37 : memref<10000x128xf32, #tpu.memory_space<hbm>>) target(%arg10 : memref<64x128xf32, #tpu.memory_space<vmem>>) offsets(%arg9 : memref<64xi32, #tpu.memory_space<vmem>>) semaphore(%run_scoped3A : memref<!tpu.dma_semaphore, #tpu.memory_space<semaphore_mem>>)
      %dma_wait3A = arith.constant 0 : i32
      %dma_wait3A_38 = arith.constant 0 : i32
      %dma_wait3A_39 = tpu.memref_slice %arg4[%dma_wait3A, %dma_wait3A_38] : memref<10000x128xf32, #tpu.memory_space<hbm>> -> memref<10000x128xf32, #tpu.memory_space<hbm>>
      tpu.wait_indirect_dma semaphore(%run_scoped3A : memref<!tpu.dma_semaphore, #tpu.memory_space<semaphore_mem>>) src(%dma_wait3A_39 : memref<10000x128xf32, #tpu.memory_space<hbm>>) dst(%arg10 : memref<64x128xf32, #tpu.memory_space<vmem>>)
      tpu.yield
    }) : () -> ()
    "tpu.region"() ({
      %run_scoped3A = tpu.sem_alloc : memref<!tpu.dma_semaphore, #tpu.memory_space<semaphore_mem>>
      %dma_start3A = arith.constant 0 : i32
      %dma_start3A_36 = tpu.memref_slice %arg7[%add3A_12, %dma_start3A] : memref<10240x128xf32, #tpu.memory_space<hbm>> -> memref<64x128xf32, #tpu.memory_space<hbm>>
      %dma_start3A_37 = arith.constant 0 : i32
      %dma_start3A_38 = tpu.memref_slice %arg7[%add3A_12, %dma_start3A_37] : memref<10240x128xf32, #tpu.memory_space<hbm>> -> memref<64x128xf32, #tpu.memory_space<hbm>>
      tpu.enqueue_dma source(%arg10 : memref<64x128xf32, #tpu.memory_space<vmem>>) target(%dma_start3A_38 : memref<64x128xf32, #tpu.memory_space<hbm>>) target_semaphore(%run_scoped3A : memref<!tpu.dma_semaphore, #tpu.memory_space<semaphore_mem>>)
      %dma_wait3A = arith.constant 0 : i32
      %dma_wait3A_39 = tpu.memref_slice %arg7[%add3A_12, %dma_wait3A] : memref<10240x128xf32, #tpu.memory_space<hbm>> -> memref<64x128xf32, #tpu.memory_space<hbm>>
      %dma_wait3A_40 = arith.constant 0 : i32
      %dma_wait3A_41 = tpu.memref_slice %arg7[%add3A_12, %dma_wait3A_40] : memref<10240x128xf32, #tpu.memory_space<hbm>> -> memref<64x128xf32, #tpu.memory_space<hbm>>
      tpu.wait_dma2 semaphore(%run_scoped3A : memref<!tpu.dma_semaphore, #tpu.memory_space<semaphore_mem>>) src(%arg10 : memref<64x128xf32, #tpu.memory_space<vmem>>) dst(%dma_wait3A_41 : memref<64x128xf32, #tpu.memory_space<hbm>>)
      tpu.yield
    }) : () -> ()
    %mul3A_13 = arith.constant 320 : i32
    %mul3A_14 = arith.muli %add3A, %mul3A_13 : i32
    %add3A_15 = arith.constant 192 : i32
    %add3A_16 = arith.addi %mul3A_14, %add3A_15 : i32
    "tpu.region"() ({
      %run_scoped3A = tpu.sem_alloc : memref<!tpu.dma_semaphore, #tpu.memory_space<semaphore_mem>>
      %dma_start3A = tpu.memref_slice %arg2[%add3A_16] : memref<10240xi32, #tpu.memory_space<hbm>> -> memref<64xi32, #tpu.memory_space<hbm>>
      %dma_start3A_36 = tpu.memref_slice %arg2[%add3A_16] : memref<10240xi32, #tpu.memory_space<hbm>> -> memref<64xi32, #tpu.memory_space<hbm>>
      tpu.enqueue_dma source(%dma_start3A_36 : memref<64xi32, #tpu.memory_space<hbm>>) target(%arg9 : memref<64xi32, #tpu.memory_space<vmem>>) target_semaphore(%run_scoped3A : memref<!tpu.dma_semaphore, #tpu.memory_space<semaphore_mem>>)
      %dma_wait3A = tpu.memref_slice %arg2[%add3A_16] : memref<10240xi32, #tpu.memory_space<hbm>> -> memref<64xi32, #tpu.memory_space<hbm>>
      %dma_wait3A_37 = tpu.memref_slice %arg2[%add3A_16] : memref<10240xi32, #tpu.memory_space<hbm>> -> memref<64xi32, #tpu.memory_space<hbm>>
      tpu.wait_dma2 semaphore(%run_scoped3A : memref<!tpu.dma_semaphore, #tpu.memory_space<semaphore_mem>>) src(%dma_wait3A_37 : memref<64xi32, #tpu.memory_space<hbm>>) dst(%arg9 : memref<64xi32, #tpu.memory_space<vmem>>)
      tpu.yield
    }) : () -> ()
    "tpu.region"() ({
      %run_scoped3A = tpu.sem_alloc : memref<!tpu.dma_semaphore, #tpu.memory_space<semaphore_mem>>
      %dma_start3A = arith.constant 0 : i32
      %dma_start3A_36 = arith.constant 0 : i32
      %dma_start3A_37 = tpu.memref_slice %arg4[%dma_start3A, %dma_start3A_36] : memref<10000x128xf32, #tpu.memory_space<hbm>> -> memref<10000x128xf32, #tpu.memory_space<hbm>>
      tpu.enqueue_indirect_dma source(%dma_start3A_37 : memref<10000x128xf32, #tpu.memory_space<hbm>>) target(%arg10 : memref<64x128xf32, #tpu.memory_space<vmem>>) offsets(%arg9 : memref<64xi32, #tpu.memory_space<vmem>>) semaphore(%run_scoped3A : memref<!tpu.dma_semaphore, #tpu.memory_space<semaphore_mem>>)
      %dma_wait3A = arith.constant 0 : i32
      %dma_wait3A_38 = arith.constant 0 : i32
      %dma_wait3A_39 = tpu.memref_slice %arg4[%dma_wait3A, %dma_wait3A_38] : memref<10000x128xf32, #tpu.memory_space<hbm>> -> memref<10000x128xf32, #tpu.memory_space<hbm>>
      tpu.wait_indirect_dma semaphore(%run_scoped3A : memref<!tpu.dma_semaphore, #tpu.memory_space<semaphore_mem>>) src(%dma_wait3A_39 : memref<10000x128xf32, #tpu.memory_space<hbm>>) dst(%arg10 : memref<64x128xf32, #tpu.memory_space<vmem>>)
      tpu.yield
    }) : () -> ()
    "tpu.region"() ({
      %run_scoped3A = tpu.sem_alloc : memref<!tpu.dma_semaphore, #tpu.memory_space<semaphore_mem>>
      %dma_start3A = arith.constant 0 : i32
      %dma_start3A_36 = tpu.memref_slice %arg7[%add3A_16, %dma_start3A] : memref<10240x128xf32, #tpu.memory_space<hbm>> -> memref<64x128xf32, #tpu.memory_space<hbm>>
      %dma_start3A_37 = arith.constant 0 : i32
      %dma_start3A_38 = tpu.memref_slice %arg7[%add3A_16, %dma_start3A_37] : memref<10240x128xf32, #tpu.memory_space<hbm>> -> memref<64x128xf32, #tpu.memory_space<hbm>>
      tpu.enqueue_dma source(%arg10 : memref<64x128xf32, #tpu.memory_space<vmem>>) target(%dma_start3A_38 : memref<64x128xf32, #tpu.memory_space<hbm>>) target_semaphore(%run_scoped3A : memref<!tpu.dma_semaphore, #tpu.memory_space<semaphore_mem>>)
      %dma_wait3A = arith.constant 0 : i32
      %dma_wait3A_39 = tpu.memref_slice %arg7[%add3A_16, %dma_wait3A] : memref<10240x128xf32, #tpu.memory_space<hbm>> -> memref<64x128xf32, #tpu.memory_space<hbm>>
      %dma_wait3A_40 = arith.constant 0 : i32
      %dma_wait3A_41 = tpu.memref_slice %arg7[%add3A_16, %dma_wait3A_40] : memref<10240x128xf32, #tpu.memory_space<hbm>> -> memref<64x128xf32, #tpu.memory_space<hbm>>
      tpu.wait_dma2 semaphore(%run_scoped3A : memref<!tpu.dma_semaphore, #tpu.memory_space<semaphore_mem>>) src(%arg10 : memref<64x128xf32, #tpu.memory_space<vmem>>) dst(%dma_wait3A_41 : memref<64x128xf32, #tpu.memory_space<hbm>>)
      tpu.yield
    }) : () -> ()
    %mul3A_17 = arith.constant 320 : i32
    %mul3A_18 = arith.muli %add3A, %mul3A_17 : i32
    %add3A_19 = arith.constant 256 : i32
    %add3A_20 = arith.addi %mul3A_18, %add3A_19 : i32
    "tpu.region"() ({
      %run_scoped3A = tpu.sem_alloc : memref<!tpu.dma_semaphore, #tpu.memory_space<semaphore_mem>>
      %dma_start3A = tpu.memref_slice %arg2[%add3A_20] : memref<10240xi32, #tpu.memory_space<hbm>> -> memref<64xi32, #tpu.memory_space<hbm>>
      %dma_start3A_36 = tpu.memref_slice %arg2[%add3A_20] : memref<10240xi32, #tpu.memory_space<hbm>> -> memref<64xi32, #tpu.memory_space<hbm>>
      tpu.enqueue_dma source(%dma_start3A_36 : memref<64xi32, #tpu.memory_space<hbm>>) target(%arg9 : memref<64xi32, #tpu.memory_space<vmem>>) target_semaphore(%run_scoped3A : memref<!tpu.dma_semaphore, #tpu.memory_space<semaphore_mem>>)
      %dma_wait3A = tpu.memref_slice %arg2[%add3A_20] : memref<10240xi32, #tpu.memory_space<hbm>> -> memref<64xi32, #tpu.memory_space<hbm>>
      %dma_wait3A_37 = tpu.memref_slice %arg2[%add3A_20] : memref<10240xi32, #tpu.memory_space<hbm>> -> memref<64xi32, #tpu.memory_space<hbm>>
      tpu.wait_dma2 semaphore(%run_scoped3A : memref<!tpu.dma_semaphore, #tpu.memory_space<semaphore_mem>>) src(%dma_wait3A_37 : memref<64xi32, #tpu.memory_space<hbm>>) dst(%arg9 : memref<64xi32, #tpu.memory_space<vmem>>)
      tpu.yield
    }) : () -> ()
    "tpu.region"() ({
      %run_scoped3A = tpu.sem_alloc : memref<!tpu.dma_semaphore, #tpu.memory_space<semaphore_mem>>
      %dma_start3A = arith.constant 0 : i32
      %dma_start3A_36 = arith.constant 0 : i32
      %dma_start3A_37 = tpu.memref_slice %arg4[%dma_start3A, %dma_start3A_36] : memref<10000x128xf32, #tpu.memory_space<hbm>> -> memref<10000x128xf32, #tpu.memory_space<hbm>>
      tpu.enqueue_indirect_dma source(%dma_start3A_37 : memref<10000x128xf32, #tpu.memory_space<hbm>>) target(%arg10 : memref<64x128xf32, #tpu.memory_space<vmem>>) offsets(%arg9 : memref<64xi32, #tpu.memory_space<vmem>>) semaphore(%run_scoped3A : memref<!tpu.dma_semaphore, #tpu.memory_space<semaphore_mem>>)
      %dma_wait3A = arith.constant 0 : i32
      %dma_wait3A_38 = arith.constant 0 : i32
      %dma_wait3A_39 = tpu.memref_slice %arg4[%dma_wait3A, %dma_wait3A_38] : memref<10000x128xf32, #tpu.memory_space<hbm>> -> memref<10000x128xf32, #tpu.memory_space<hbm>>
      tpu.wait_indirect_dma semaphore(%run_scoped3A : memref<!tpu.dma_semaphore, #tpu.memory_space<semaphore_mem>>) src(%dma_wait3A_39 : memref<10000x128xf32, #tpu.memory_space<hbm>>) dst(%arg10 : memref<64x128xf32, #tpu.memory_space<vmem>>)
      tpu.yield
    }) : () -> ()
    "tpu.region"() ({
      %run_scoped3A = tpu.sem_alloc : memref<!tpu.dma_semaphore, #tpu.memory_space<semaphore_mem>>
      %dma_start3A = arith.constant 0 : i32
      %dma_start3A_36 = tpu.memref_slice %arg7[%add3A_20, %dma_start3A] : memref<10240x128xf32, #tpu.memory_space<hbm>> -> memref<64x128xf32, #tpu.memory_space<hbm>>
      %dma_start3A_37 = arith.constant 0 : i32
      %dma_start3A_38 = tpu.memref_slice %arg7[%add3A_20, %dma_start3A_37] : memref<10240x128xf32, #tpu.memory_space<hbm>> -> memref<64x128xf32, #tpu.memory_space<hbm>>
      tpu.enqueue_dma source(%arg10 : memref<64x128xf32, #tpu.memory_space<vmem>>) target(%dma_start3A_38 : memref<64x128xf32, #tpu.memory_space<hbm>>) target_semaphore(%run_scoped3A : memref<!tpu.dma_semaphore, #tpu.memory_space<semaphore_mem>>)
      %dma_wait3A = arith.constant 0 : i32
      %dma_wait3A_39 = tpu.memref_slice %arg7[%add3A_20, %dma_wait3A] : memref<10240x128xf32, #tpu.memory_space<hbm>> -> memref<64x128xf32, #tpu.memory_space<hbm>>
      %dma_wait3A_40 = arith.constant 0 : i32
      %dma_wait3A_41 = tpu.memref_slice %arg7[%add3A_20, %dma_wait3A_40] : memref<10240x128xf32, #tpu.memory_space<hbm>> -> memref<64x128xf32, #tpu.memory_space<hbm>>
      tpu.wait_dma2 semaphore(%run_scoped3A : memref<!tpu.dma_semaphore, #tpu.memory_space<semaphore_mem>>) src(%arg10 : memref<64x128xf32, #tpu.memory_space<vmem>>) dst(%dma_wait3A_41 : memref<64x128xf32, #tpu.memory_space<hbm>>)
      tpu.yield
    }) : () -> ()
    %mul3A_21 = arith.constant 640 : i32
    %mul3A_22 = arith.muli %arg1, %mul3A_21 : i32
    %mul3A_23 = arith.constant 640 : i32
    %mul3A_24 = arith.muli %arg1, %mul3A_23 : i32
    "tpu.region"() ({
      %run_scoped3A = tpu.sem_alloc : memref<!tpu.dma_semaphore, #tpu.memory_space<semaphore_mem>>
      %dma_start3A = arith.constant 0 : i32
      %dma_start3A_36 = tpu.memref_slice %arg13[%mul3A_24, %dma_start3A] : memref<10240x128xf32, #tpu.memory_space<vmem_shared>> -> memref<640x128xf32, #tpu.memory_space<vmem_shared>>
      %dma_start3A_37 = arith.constant 0 : i32
      %dma_start3A_38 = tpu.memref_slice %arg5[%mul3A_22, %dma_start3A_37] : memref<10240x128xf32, #tpu.memory_space<hbm>> -> memref<640x128xf32, #tpu.memory_space<hbm>>
      tpu.enqueue_dma source(%dma_start3A_38 : memref<640x128xf32, #tpu.memory_space<hbm>>) target(%dma_start3A_36 : memref<640x128xf32, #tpu.memory_space<vmem_shared>>) target_semaphore(%run_scoped3A : memref<!tpu.dma_semaphore, #tpu.memory_space<semaphore_mem>>)
      %dma_wait3A = arith.constant 0 : i32
      %dma_wait3A_39 = tpu.memref_slice %arg13[%mul3A_24, %dma_wait3A] : memref<10240x128xf32, #tpu.memory_space<vmem_shared>> -> memref<640x128xf32, #tpu.memory_space<vmem_shared>>
      %dma_wait3A_40 = arith.constant 0 : i32
      %dma_wait3A_41 = tpu.memref_slice %arg5[%mul3A_22, %dma_wait3A_40] : memref<10240x128xf32, #tpu.memory_space<hbm>> -> memref<640x128xf32, #tpu.memory_space<hbm>>
      tpu.wait_dma2 semaphore(%run_scoped3A : memref<!tpu.dma_semaphore, #tpu.memory_space<semaphore_mem>>) src(%dma_wait3A_41 : memref<640x128xf32, #tpu.memory_space<hbm>>) dst(%dma_wait3A_39 : memref<640x128xf32, #tpu.memory_space<vmem_shared>>)
      tpu.yield
    }) : () -> ()
    "tpu.region"() ({
      %run_scoped3A = tpu.sem_alloc : memref<!tpu.dma_semaphore, #tpu.memory_space<semaphore_mem>>
      tpu.enqueue_dma source(%arg6 : memref<128x128xf32, #tpu.memory_space<hbm>>) target(%arg12 : memref<128x128xf32, #tpu.memory_space<vmem>>) target_semaphore(%run_scoped3A : memref<!tpu.dma_semaphore, #tpu.memory_space<semaphore_mem>>)
      tpu.wait_dma2 semaphore(%run_scoped3A : memref<!tpu.dma_semaphore, #tpu.memory_space<semaphore_mem>>) src(%arg6 : memref<128x128xf32, #tpu.memory_space<hbm>>) dst(%arg12 : memref<128x128xf32, #tpu.memory_space<vmem>>)
      tpu.yield
    }) : () -> ()
    %barrier3A = arith.constant 0 : index
    tpu.barrier barrier_id(%barrier3A)
    %eq3A = arith.constant 0 : i32
    %eq3A_25 = arith.cmpi eq, %arg0, %eq3A : i32
    %convert_element_type3A = arith.extui %eq3A_25 : i1 to i32
    %cond3A = arith.constant 0 : i32
    %cond3A_26 = arith.cmpi ne, %convert_element_type3A, %cond3A : i32
    scf.if %cond3A_26 {
      "tpu.region"() ({
        %run_scoped3A = tpu.sem_alloc : memref<!tpu.dma_semaphore, #tpu.memory_space<semaphore_mem>>
        %dma_start3A = arith.constant 0 : i32
        %dma_start3A_47 = arith.constant 0 : i32
        %dma_start3A_48 = tpu.memref_slice %arg11[%dma_start3A, %dma_start3A_47] : memref<56x128xi32, #tpu.memory_space<vmem>> -> memref<56x128xi32, #tpu.memory_space<vmem>>
        %dma_start3A_49 = arith.constant 0 : i32
        %dma_start3A_50 = arith.constant 0 : i32
        %dma_start3A_51 = tpu.memref_slice %arg3[%add3A, %dma_start3A_49, %dma_start3A_50] : memref<32x112x128xi32, #tpu.memory_space<hbm>> -> memref<1x56x128xi32, #tpu.memory_space<hbm>>
        %dma_start3A_52 = tpu.memref_squeeze %dma_start3A_51 : memref<1x56x128xi32, #tpu.memory_space<hbm>> -> memref<56x128xi32, #tpu.memory_space<hbm>>
        %dma_start3A_53 = arith.constant 0 : i32
        %dma_start3A_54 = arith.constant 0 : i32
        %dma_start3A_55 = tpu.memref_slice %arg11[%dma_start3A_53, %dma_start3A_54] : memref<56x128xi32, #tpu.memory_space<vmem>> -> memref<56x128xi32, #tpu.memory_space<vmem>>
        %dma_start3A_56 = arith.constant 0 : i32
        %dma_start3A_57 = arith.constant 0 : i32
        %dma_start3A_58 = tpu.memref_slice %arg3[%add3A, %dma_start3A_56, %dma_start3A_57] : memref<32x112x128xi32, #tpu.memory_space<hbm>> -> memref<1x56x128xi32, #tpu.memory_space<hbm>>
        %dma_start3A_59 = tpu.memref_squeeze %dma_start3A_58 : memref<1x56x128xi32, #tpu.memory_space<hbm>> -> memref<56x128xi32, #tpu.memory_space<hbm>>
        tpu.enqueue_dma source(%dma_start3A_59 : memref<56x128xi32, #tpu.memory_space<hbm>>) target(%dma_start3A_55 : memref<56x128xi32, #tpu.memory_space<vmem>>) target_semaphore(%run_scoped3A : memref<!tpu.dma_semaphore, #tpu.memory_space<semaphore_mem>>)
        %dma_wait3A = arith.constant 0 : i32
        %dma_wait3A_60 = arith.constant 0 : i32
        %dma_wait3A_61 = tpu.memref_slice %arg11[%dma_wait3A, %dma_wait3A_60] : memref<56x128xi32, #tpu.memory_space<vmem>> -> memref<56x128xi32, #tpu.memory_space<vmem>>
        %dma_wait3A_62 = arith.constant 0 : i32
        %dma_wait3A_63 = arith.constant 0 : i32
        %dma_wait3A_64 = tpu.memref_slice %arg3[%add3A, %dma_wait3A_62, %dma_wait3A_63] : memref<32x112x128xi32, #tpu.memory_space<hbm>> -> memref<1x56x128xi32, #tpu.memory_space<hbm>>
        %dma_wait3A_65 = tpu.memref_squeeze %dma_wait3A_64 : memref<1x56x128xi32, #tpu.memory_space<hbm>> -> memref<56x128xi32, #tpu.memory_space<hbm>>
        %dma_wait3A_66 = arith.constant 0 : i32
        %dma_wait3A_67 = arith.constant 0 : i32
        %dma_wait3A_68 = tpu.memref_slice %arg11[%dma_wait3A_66, %dma_wait3A_67] : memref<56x128xi32, #tpu.memory_space<vmem>> -> memref<56x128xi32, #tpu.memory_space<vmem>>
        %dma_wait3A_69 = arith.constant 0 : i32
        %dma_wait3A_70 = arith.constant 0 : i32
        %dma_wait3A_71 = tpu.memref_slice %arg3[%add3A, %dma_wait3A_69, %dma_wait3A_70] : memref<32x112x128xi32, #tpu.memory_space<hbm>> -> memref<1x56x128xi32, #tpu.memory_space<hbm>>
        %dma_wait3A_72 = tpu.memref_squeeze %dma_wait3A_71 : memref<1x56x128xi32, #tpu.memory_space<hbm>> -> memref<56x128xi32, #tpu.memory_space<hbm>>
        tpu.wait_dma2 semaphore(%run_scoped3A : memref<!tpu.dma_semaphore, #tpu.memory_space<semaphore_mem>>) src(%dma_wait3A_72 : memref<56x128xi32, #tpu.memory_space<hbm>>) dst(%dma_wait3A_68 : memref<56x128xi32, #tpu.memory_space<vmem>>)
        tpu.yield
      }) : () -> ()
      %scan3A = arith.constant 0 : i32
      %scan3A_36 = arith.constant 0 : i32
      %scan3A_37 = arith.constant 56 : i32
      %scan3A_38 = arith.addi %scan3A_36, %scan3A_37 : i32
      %scan3A_39 = arith.constant 1 : i32
      scf.for %scan3A_47 = %scan3A_36 to %scan3A_38 step %scan3A_39  : i32 {
        "tpu.region"() ({
          %run_scoped3A = tpu.sem_alloc : memref<!tpu.dma_semaphore, #tpu.memory_space<semaphore_mem>>
          %dma_start3A = arith.constant 0 : i32
          %dma_start3A_48 = tpu.memref_slice %arg11[%scan3A_47, %dma_start3A] : memref<56x128xi32, #tpu.memory_space<vmem>> -> memref<1x128xi32, #tpu.memory_space<vmem>>
          %dma_start3A_49 = tpu.memref_squeeze %dma_start3A_48 : memref<1x128xi32, #tpu.memory_space<vmem>> -> memref<128xi32, #tpu.memory_space<vmem>>
          %dma_start3A_50 = arith.constant 0 : i32
          %dma_start3A_51 = arith.constant 0 : i32
          %dma_start3A_52 = tpu.memref_slice %arg13[%dma_start3A_50, %dma_start3A_51] : memref<10240x128xf32, #tpu.memory_space<vmem_shared>> -> memref<10240x128xf32, #tpu.memory_space<vmem_shared>>
          tpu.enqueue_indirect_dma source(%arg12 : memref<128x128xf32, #tpu.memory_space<vmem>>) target(%dma_start3A_52 : memref<10240x128xf32, #tpu.memory_space<vmem_shared>>) offsets(%dma_start3A_49 : memref<128xi32, #tpu.memory_space<vmem>>) semaphore(%run_scoped3A : memref<!tpu.dma_semaphore, #tpu.memory_space<semaphore_mem>>) {add = true}
          %dma_wait3A = arith.constant 0 : i32
          %dma_wait3A_53 = tpu.memref_slice %arg11[%scan3A_47, %dma_wait3A] : memref<56x128xi32, #tpu.memory_space<vmem>> -> memref<1x128xi32, #tpu.memory_space<vmem>>
          %dma_wait3A_54 = tpu.memref_squeeze %dma_wait3A_53 : memref<1x128xi32, #tpu.memory_space<vmem>> -> memref<128xi32, #tpu.memory_space<vmem>>
          %dma_wait3A_55 = arith.constant 0 : i32
          %dma_wait3A_56 = arith.constant 0 : i32
          %dma_wait3A_57 = tpu.memref_slice %arg13[%dma_wait3A_55, %dma_wait3A_56] : memref<10240x128xf32, #tpu.memory_space<vmem_shared>> -> memref<10240x128xf32, #tpu.memory_space<vmem_shared>>
          tpu.wait_indirect_dma semaphore(%run_scoped3A : memref<!tpu.dma_semaphore, #tpu.memory_space<semaphore_mem>>) src(%arg12 : memref<128x128xf32, #tpu.memory_space<vmem>>) dst(%dma_wait3A_57 : memref<10240x128xf32, #tpu.memory_space<vmem_shared>>)
          tpu.yield
        }) : () -> ()
      }
      %scan3A_40 = arith.constant 56 : i32
      "tpu.region"() ({
        %run_scoped3A = tpu.sem_alloc : memref<!tpu.dma_semaphore, #tpu.memory_space<semaphore_mem>>
        %dma_start3A = arith.constant 0 : i32
        %dma_start3A_47 = arith.constant 0 : i32
        %dma_start3A_48 = tpu.memref_slice %arg11[%dma_start3A, %dma_start3A_47] : memref<56x128xi32, #tpu.memory_space<vmem>> -> memref<56x128xi32, #tpu.memory_space<vmem>>
        %dma_start3A_49 = arith.constant 56 : i32
        %dma_start3A_50 = arith.constant 0 : i32
        %dma_start3A_51 = tpu.memref_slice %arg3[%add3A, %dma_start3A_49, %dma_start3A_50] : memref<32x112x128xi32, #tpu.memory_space<hbm>> -> memref<1x56x128xi32, #tpu.memory_space<hbm>>
        %dma_start3A_52 = tpu.memref_squeeze %dma_start3A_51 : memref<1x56x128xi32, #tpu.memory_space<hbm>> -> memref<56x128xi32, #tpu.memory_space<hbm>>
        %dma_start3A_53 = arith.constant 0 : i32
        %dma_start3A_54 = arith.constant 0 : i32
        %dma_start3A_55 = tpu.memref_slice %arg11[%dma_start3A_53, %dma_start3A_54] : memref<56x128xi32, #tpu.memory_space<vmem>> -> memref<56x128xi32, #tpu.memory_space<vmem>>
        %dma_start3A_56 = arith.constant 56 : i32
        %dma_start3A_57 = arith.constant 0 : i32
        %dma_start3A_58 = tpu.memref_slice %arg3[%add3A, %dma_start3A_56, %dma_start3A_57] : memref<32x112x128xi32, #tpu.memory_space<hbm>> -> memref<1x56x128xi32, #tpu.memory_space<hbm>>
        %dma_start3A_59 = tpu.memref_squeeze %dma_start3A_58 : memref<1x56x128xi32, #tpu.memory_space<hbm>> -> memref<56x128xi32, #tpu.memory_space<hbm>>
        tpu.enqueue_dma source(%dma_start3A_59 : memref<56x128xi32, #tpu.memory_space<hbm>>) target(%dma_start3A_55 : memref<56x128xi32, #tpu.memory_space<vmem>>) target_semaphore(%run_scoped3A : memref<!tpu.dma_semaphore, #tpu.memory_space<semaphore_mem>>)
        %dma_wait3A = arith.constant 0 : i32
        %dma_wait3A_60 = arith.constant 0 : i32
        %dma_wait3A_61 = tpu.memref_slice %arg11[%dma_wait3A, %dma_wait3A_60] : memref<56x128xi32, #tpu.memory_space<vmem>> -> memref<56x128xi32, #tpu.memory_space<vmem>>
        %dma_wait3A_62 = arith.constant 56 : i32
        %dma_wait3A_63 = arith.constant 0 : i32
        %dma_wait3A_64 = tpu.memref_slice %arg3[%add3A, %dma_wait3A_62, %dma_wait3A_63] : memref<32x112x128xi32, #tpu.memory_space<hbm>> -> memref<1x56x128xi32, #tpu.memory_space<hbm>>
        %dma_wait3A_65 = tpu.memref_squeeze %dma_wait3A_64 : memref<1x56x128xi32, #tpu.memory_space<hbm>> -> memref<56x128xi32, #tpu.memory_space<hbm>>
        %dma_wait3A_66 = arith.constant 0 : i32
        %dma_wait3A_67 = arith.constant 0 : i32
        %dma_wait3A_68 = tpu.memref_slice %arg11[%dma_wait3A_66, %dma_wait3A_67] : memref<56x128xi32, #tpu.memory_space<vmem>> -> memref<56x128xi32, #tpu.memory_space<vmem>>
        %dma_wait3A_69 = arith.constant 56 : i32
        %dma_wait3A_70 = arith.constant 0 : i32
        %dma_wait3A_71 = tpu.memref_slice %arg3[%add3A, %dma_wait3A_69, %dma_wait3A_70] : memref<32x112x128xi32, #tpu.memory_space<hbm>> -> memref<1x56x128xi32, #tpu.memory_space<hbm>>
        %dma_wait3A_72 = tpu.memref_squeeze %dma_wait3A_71 : memref<1x56x128xi32, #tpu.memory_space<hbm>> -> memref<56x128xi32, #tpu.memory_space<hbm>>
        tpu.wait_dma2 semaphore(%run_scoped3A : memref<!tpu.dma_semaphore, #tpu.memory_space<semaphore_mem>>) src(%dma_wait3A_72 : memref<56x128xi32, #tpu.memory_space<hbm>>) dst(%dma_wait3A_68 : memref<56x128xi32, #tpu.memory_space<vmem>>)
        tpu.yield
      }) : () -> ()
      %scan3A_41 = arith.constant 0 : i32
      %scan3A_42 = arith.constant 0 : i32
      %scan3A_43 = arith.constant 56 : i32
      %scan3A_44 = arith.addi %scan3A_42, %scan3A_43 : i32
      %scan3A_45 = arith.constant 1 : i32
      scf.for %scan3A_47 = %scan3A_42 to %scan3A_44 step %scan3A_45  : i32 {
        "tpu.region"() ({
          %run_scoped3A = tpu.sem_alloc : memref<!tpu.dma_semaphore, #tpu.memory_space<semaphore_mem>>
          %dma_start3A = arith.constant 0 : i32
          %dma_start3A_48 = tpu.memref_slice %arg11[%scan3A_47, %dma_start3A] : memref<56x128xi32, #tpu.memory_space<vmem>> -> memref<1x128xi32, #tpu.memory_space<vmem>>
          %dma_start3A_49 = tpu.memref_squeeze %dma_start3A_48 : memref<1x128xi32, #tpu.memory_space<vmem>> -> memref<128xi32, #tpu.memory_space<vmem>>
          %dma_start3A_50 = arith.constant 0 : i32
          %dma_start3A_51 = arith.constant 0 : i32
          %dma_start3A_52 = tpu.memref_slice %arg13[%dma_start3A_50, %dma_start3A_51] : memref<10240x128xf32, #tpu.memory_space<vmem_shared>> -> memref<10240x128xf32, #tpu.memory_space<vmem_shared>>
          tpu.enqueue_indirect_dma source(%arg12 : memref<128x128xf32, #tpu.memory_space<vmem>>) target(%dma_start3A_52 : memref<10240x128xf32, #tpu.memory_space<vmem_shared>>) offsets(%dma_start3A_49 : memref<128xi32, #tpu.memory_space<vmem>>) semaphore(%run_scoped3A : memref<!tpu.dma_semaphore, #tpu.memory_space<semaphore_mem>>) {add = true}
          %dma_wait3A = arith.constant 0 : i32
          %dma_wait3A_53 = tpu.memref_slice %arg11[%scan3A_47, %dma_wait3A] : memref<56x128xi32, #tpu.memory_space<vmem>> -> memref<1x128xi32, #tpu.memory_space<vmem>>
          %dma_wait3A_54 = tpu.memref_squeeze %dma_wait3A_53 : memref<1x128xi32, #tpu.memory_space<vmem>> -> memref<128xi32, #tpu.memory_space<vmem>>
          %dma_wait3A_55 = arith.constant 0 : i32
          %dma_wait3A_56 = arith.constant 0 : i32
          %dma_wait3A_57 = tpu.memref_slice %arg13[%dma_wait3A_55, %dma_wait3A_56] : memref<10240x128xf32, #tpu.memory_space<vmem_shared>> -> memref<10240x128xf32, #tpu.memory_space<vmem_shared>>
          tpu.wait_indirect_dma semaphore(%run_scoped3A : memref<!tpu.dma_semaphore, #tpu.memory_space<semaphore_mem>>) src(%arg12 : memref<128x128xf32, #tpu.memory_space<vmem>>) dst(%dma_wait3A_57 : memref<10240x128xf32, #tpu.memory_space<vmem_shared>>)
          tpu.yield
        }) : () -> ()
      }
      %scan3A_46 = arith.constant 56 : i32
    } else {
    }
    %ne3A = arith.constant 0 : i32
    %ne3A_27 = arith.cmpi ne, %arg0, %ne3A : i32
    %convert_element_type3A_28 = arith.extui %ne3A_27 : i1 to i32
    %cond3A_29 = arith.constant 0 : i32
    %cond3A_30 = arith.cmpi ne, %convert_element_type3A_28, %cond3A_29 : i32
    scf.if %cond3A_30 {
      "tpu.region"() ({
        %run_scoped3A = tpu.sem_alloc : memref<!tpu.dma_semaphore, #tpu.memory_space<semaphore_mem>>
        %dma_start3A = arith.constant 0 : i32
        %dma_start3A_47 = arith.constant 0 : i32
        %dma_start3A_48 = tpu.memref_slice %arg11[%dma_start3A, %dma_start3A_47] : memref<56x128xi32, #tpu.memory_space<vmem>> -> memref<24x128xi32, #tpu.memory_space<vmem>>
        %dma_start3A_49 = arith.constant 0 : i32
        %dma_start3A_50 = arith.constant 0 : i32
        %dma_start3A_51 = tpu.memref_slice %arg3[%add3A, %dma_start3A_49, %dma_start3A_50] : memref<32x112x128xi32, #tpu.memory_space<hbm>> -> memref<1x24x128xi32, #tpu.memory_space<hbm>>
        %dma_start3A_52 = tpu.memref_squeeze %dma_start3A_51 : memref<1x24x128xi32, #tpu.memory_space<hbm>> -> memref<24x128xi32, #tpu.memory_space<hbm>>
        %dma_start3A_53 = arith.constant 0 : i32
        %dma_start3A_54 = arith.constant 0 : i32
        %dma_start3A_55 = tpu.memref_slice %arg11[%dma_start3A_53, %dma_start3A_54] : memref<56x128xi32, #tpu.memory_space<vmem>> -> memref<24x128xi32, #tpu.memory_space<vmem>>
        %dma_start3A_56 = arith.constant 0 : i32
        %dma_start3A_57 = arith.constant 0 : i32
        %dma_start3A_58 = tpu.memref_slice %arg3[%add3A, %dma_start3A_56, %dma_start3A_57] : memref<32x112x128xi32, #tpu.memory_space<hbm>> -> memref<1x24x128xi32, #tpu.memory_space<hbm>>
        %dma_start3A_59 = tpu.memref_squeeze %dma_start3A_58 : memref<1x24x128xi32, #tpu.memory_space<hbm>> -> memref<24x128xi32, #tpu.memory_space<hbm>>
        tpu.enqueue_dma source(%dma_start3A_59 : memref<24x128xi32, #tpu.memory_space<hbm>>) target(%dma_start3A_55 : memref<24x128xi32, #tpu.memory_space<vmem>>) target_semaphore(%run_scoped3A : memref<!tpu.dma_semaphore, #tpu.memory_space<semaphore_mem>>)
        %dma_wait3A = arith.constant 0 : i32
        %dma_wait3A_60 = arith.constant 0 : i32
        %dma_wait3A_61 = tpu.memref_slice %arg11[%dma_wait3A, %dma_wait3A_60] : memref<56x128xi32, #tpu.memory_space<vmem>> -> memref<24x128xi32, #tpu.memory_space<vmem>>
        %dma_wait3A_62 = arith.constant 0 : i32
        %dma_wait3A_63 = arith.constant 0 : i32
        %dma_wait3A_64 = tpu.memref_slice %arg3[%add3A, %dma_wait3A_62, %dma_wait3A_63] : memref<32x112x128xi32, #tpu.memory_space<hbm>> -> memref<1x24x128xi32, #tpu.memory_space<hbm>>
        %dma_wait3A_65 = tpu.memref_squeeze %dma_wait3A_64 : memref<1x24x128xi32, #tpu.memory_space<hbm>> -> memref<24x128xi32, #tpu.memory_space<hbm>>
        %dma_wait3A_66 = arith.constant 0 : i32
        %dma_wait3A_67 = arith.constant 0 : i32
        %dma_wait3A_68 = tpu.memref_slice %arg11[%dma_wait3A_66, %dma_wait3A_67] : memref<56x128xi32, #tpu.memory_space<vmem>> -> memref<24x128xi32, #tpu.memory_space<vmem>>
        %dma_wait3A_69 = arith.constant 0 : i32
        %dma_wait3A_70 = arith.constant 0 : i32
        %dma_wait3A_71 = tpu.memref_slice %arg3[%add3A, %dma_wait3A_69, %dma_wait3A_70] : memref<32x112x128xi32, #tpu.memory_space<hbm>> -> memref<1x24x128xi32, #tpu.memory_space<hbm>>
        %dma_wait3A_72 = tpu.memref_squeeze %dma_wait3A_71 : memref<1x24x128xi32, #tpu.memory_space<hbm>> -> memref<24x128xi32, #tpu.memory_space<hbm>>
        tpu.wait_dma2 semaphore(%run_scoped3A : memref<!tpu.dma_semaphore, #tpu.memory_space<semaphore_mem>>) src(%dma_wait3A_72 : memref<24x128xi32, #tpu.memory_space<hbm>>) dst(%dma_wait3A_68 : memref<24x128xi32, #tpu.memory_space<vmem>>)
        tpu.yield
      }) : () -> ()
      %scan3A = arith.constant 0 : i32
      %scan3A_36 = arith.constant 0 : i32
      %scan3A_37 = arith.constant 24 : i32
      %scan3A_38 = arith.addi %scan3A_36, %scan3A_37 : i32
      %scan3A_39 = arith.constant 1 : i32
      scf.for %scan3A_47 = %scan3A_36 to %scan3A_38 step %scan3A_39  : i32 {
        "tpu.region"() ({
          %run_scoped3A = tpu.sem_alloc : memref<!tpu.dma_semaphore, #tpu.memory_space<semaphore_mem>>
          %dma_start3A = arith.constant 0 : i32
          %dma_start3A_48 = tpu.memref_slice %arg11[%scan3A_47, %dma_start3A] : memref<56x128xi32, #tpu.memory_space<vmem>> -> memref<1x128xi32, #tpu.memory_space<vmem>>
          %dma_start3A_49 = tpu.memref_squeeze %dma_start3A_48 : memref<1x128xi32, #tpu.memory_space<vmem>> -> memref<128xi32, #tpu.memory_space<vmem>>
          %dma_start3A_50 = arith.constant 0 : i32
          %dma_start3A_51 = arith.constant 0 : i32
          %dma_start3A_52 = tpu.memref_slice %arg13[%dma_start3A_50, %dma_start3A_51] : memref<10240x128xf32, #tpu.memory_space<vmem_shared>> -> memref<10240x128xf32, #tpu.memory_space<vmem_shared>>
          tpu.enqueue_indirect_dma source(%arg12 : memref<128x128xf32, #tpu.memory_space<vmem>>) target(%dma_start3A_52 : memref<10240x128xf32, #tpu.memory_space<vmem_shared>>) offsets(%dma_start3A_49 : memref<128xi32, #tpu.memory_space<vmem>>) semaphore(%run_scoped3A : memref<!tpu.dma_semaphore, #tpu.memory_space<semaphore_mem>>) {add = true}
          %dma_wait3A = arith.constant 0 : i32
          %dma_wait3A_53 = tpu.memref_slice %arg11[%scan3A_47, %dma_wait3A] : memref<56x128xi32, #tpu.memory_space<vmem>> -> memref<1x128xi32, #tpu.memory_space<vmem>>
          %dma_wait3A_54 = tpu.memref_squeeze %dma_wait3A_53 : memref<1x128xi32, #tpu.memory_space<vmem>> -> memref<128xi32, #tpu.memory_space<vmem>>
          %dma_wait3A_55 = arith.constant 0 : i32
          %dma_wait3A_56 = arith.constant 0 : i32
          %dma_wait3A_57 = tpu.memref_slice %arg13[%dma_wait3A_55, %dma_wait3A_56] : memref<10240x128xf32, #tpu.memory_space<vmem_shared>> -> memref<10240x128xf32, #tpu.memory_space<vmem_shared>>
          tpu.wait_indirect_dma semaphore(%run_scoped3A : memref<!tpu.dma_semaphore, #tpu.memory_space<semaphore_mem>>) src(%arg12 : memref<128x128xf32, #tpu.memory_space<vmem>>) dst(%dma_wait3A_57 : memref<10240x128xf32, #tpu.memory_space<vmem_shared>>)
          tpu.yield
        }) : () -> ()
      }
      %scan3A_40 = arith.constant 24 : i32
      "tpu.region"() ({
        %run_scoped3A = tpu.sem_alloc : memref<!tpu.dma_semaphore, #tpu.memory_space<semaphore_mem>>
        %dma_start3A = arith.constant 0 : i32
        %dma_start3A_47 = arith.constant 0 : i32
        %dma_start3A_48 = tpu.memref_slice %arg11[%dma_start3A, %dma_start3A_47] : memref<56x128xi32, #tpu.memory_space<vmem>> -> memref<24x128xi32, #tpu.memory_space<vmem>>
        %dma_start3A_49 = arith.constant 24 : i32
        %dma_start3A_50 = arith.constant 0 : i32
        %dma_start3A_51 = tpu.memref_slice %arg3[%add3A, %dma_start3A_49, %dma_start3A_50] : memref<32x112x128xi32, #tpu.memory_space<hbm>> -> memref<1x24x128xi32, #tpu.memory_space<hbm>>
        %dma_start3A_52 = tpu.memref_squeeze %dma_start3A_51 : memref<1x24x128xi32, #tpu.memory_space<hbm>> -> memref<24x128xi32, #tpu.memory_space<hbm>>
        %dma_start3A_53 = arith.constant 0 : i32
        %dma_start3A_54 = arith.constant 0 : i32
        %dma_start3A_55 = tpu.memref_slice %arg11[%dma_start3A_53, %dma_start3A_54] : memref<56x128xi32, #tpu.memory_space<vmem>> -> memref<24x128xi32, #tpu.memory_space<vmem>>
        %dma_start3A_56 = arith.constant 24 : i32
        %dma_start3A_57 = arith.constant 0 : i32
        %dma_start3A_58 = tpu.memref_slice %arg3[%add3A, %dma_start3A_56, %dma_start3A_57] : memref<32x112x128xi32, #tpu.memory_space<hbm>> -> memref<1x24x128xi32, #tpu.memory_space<hbm>>
        %dma_start3A_59 = tpu.memref_squeeze %dma_start3A_58 : memref<1x24x128xi32, #tpu.memory_space<hbm>> -> memref<24x128xi32, #tpu.memory_space<hbm>>
        tpu.enqueue_dma source(%dma_start3A_59 : memref<24x128xi32, #tpu.memory_space<hbm>>) target(%dma_start3A_55 : memref<24x128xi32, #tpu.memory_space<vmem>>) target_semaphore(%run_scoped3A : memref<!tpu.dma_semaphore, #tpu.memory_space<semaphore_mem>>)
        %dma_wait3A = arith.constant 0 : i32
        %dma_wait3A_60 = arith.constant 0 : i32
        %dma_wait3A_61 = tpu.memref_slice %arg11[%dma_wait3A, %dma_wait3A_60] : memref<56x128xi32, #tpu.memory_space<vmem>> -> memref<24x128xi32, #tpu.memory_space<vmem>>
        %dma_wait3A_62 = arith.constant 24 : i32
        %dma_wait3A_63 = arith.constant 0 : i32
        %dma_wait3A_64 = tpu.memref_slice %arg3[%add3A, %dma_wait3A_62, %dma_wait3A_63] : memref<32x112x128xi32, #tpu.memory_space<hbm>> -> memref<1x24x128xi32, #tpu.memory_space<hbm>>
        %dma_wait3A_65 = tpu.memref_squeeze %dma_wait3A_64 : memref<1x24x128xi32, #tpu.memory_space<hbm>> -> memref<24x128xi32, #tpu.memory_space<hbm>>
        %dma_wait3A_66 = arith.constant 0 : i32
        %dma_wait3A_67 = arith.constant 0 : i32
        %dma_wait3A_68 = tpu.memref_slice %arg11[%dma_wait3A_66, %dma_wait3A_67] : memref<56x128xi32, #tpu.memory_space<vmem>> -> memref<24x128xi32, #tpu.memory_space<vmem>>
        %dma_wait3A_69 = arith.constant 24 : i32
        %dma_wait3A_70 = arith.constant 0 : i32
        %dma_wait3A_71 = tpu.memref_slice %arg3[%add3A, %dma_wait3A_69, %dma_wait3A_70] : memref<32x112x128xi32, #tpu.memory_space<hbm>> -> memref<1x24x128xi32, #tpu.memory_space<hbm>>
        %dma_wait3A_72 = tpu.memref_squeeze %dma_wait3A_71 : memref<1x24x128xi32, #tpu.memory_space<hbm>> -> memref<24x128xi32, #tpu.memory_space<hbm>>
        tpu.wait_dma2 semaphore(%run_scoped3A : memref<!tpu.dma_semaphore, #tpu.memory_space<semaphore_mem>>) src(%dma_wait3A_72 : memref<24x128xi32, #tpu.memory_space<hbm>>) dst(%dma_wait3A_68 : memref<24x128xi32, #tpu.memory_space<vmem>>)
        tpu.yield
      }) : () -> ()
      %scan3A_41 = arith.constant 0 : i32
      %scan3A_42 = arith.constant 0 : i32
      %scan3A_43 = arith.constant 24 : i32
      %scan3A_44 = arith.addi %scan3A_42, %scan3A_43 : i32
      %scan3A_45 = arith.constant 1 : i32
      scf.for %scan3A_47 = %scan3A_42 to %scan3A_44 step %scan3A_45  : i32 {
        "tpu.region"() ({
          %run_scoped3A = tpu.sem_alloc : memref<!tpu.dma_semaphore, #tpu.memory_space<semaphore_mem>>
          %dma_start3A = arith.constant 0 : i32
          %dma_start3A_48 = tpu.memref_slice %arg11[%scan3A_47, %dma_start3A] : memref<56x128xi32, #tpu.memory_space<vmem>> -> memref<1x128xi32, #tpu.memory_space<vmem>>
          %dma_start3A_49 = tpu.memref_squeeze %dma_start3A_48 : memref<1x128xi32, #tpu.memory_space<vmem>> -> memref<128xi32, #tpu.memory_space<vmem>>
          %dma_start3A_50 = arith.constant 0 : i32
          %dma_start3A_51 = arith.constant 0 : i32
          %dma_start3A_52 = tpu.memref_slice %arg13[%dma_start3A_50, %dma_start3A_51] : memref<10240x128xf32, #tpu.memory_space<vmem_shared>> -> memref<10240x128xf32, #tpu.memory_space<vmem_shared>>
          tpu.enqueue_indirect_dma source(%arg12 : memref<128x128xf32, #tpu.memory_space<vmem>>) target(%dma_start3A_52 : memref<10240x128xf32, #tpu.memory_space<vmem_shared>>) offsets(%dma_start3A_49 : memref<128xi32, #tpu.memory_space<vmem>>) semaphore(%run_scoped3A : memref<!tpu.dma_semaphore, #tpu.memory_space<semaphore_mem>>) {add = true}
          %dma_wait3A = arith.constant 0 : i32
          %dma_wait3A_53 = tpu.memref_slice %arg11[%scan3A_47, %dma_wait3A] : memref<56x128xi32, #tpu.memory_space<vmem>> -> memref<1x128xi32, #tpu.memory_space<vmem>>
          %dma_wait3A_54 = tpu.memref_squeeze %dma_wait3A_53 : memref<1x128xi32, #tpu.memory_space<vmem>> -> memref<128xi32, #tpu.memory_space<vmem>>
          %dma_wait3A_55 = arith.constant 0 : i32
          %dma_wait3A_56 = arith.constant 0 : i32
          %dma_wait3A_57 = tpu.memref_slice %arg13[%dma_wait3A_55, %dma_wait3A_56] : memref<10240x128xf32, #tpu.memory_space<vmem_shared>> -> memref<10240x128xf32, #tpu.memory_space<vmem_shared>>
          tpu.wait_indirect_dma semaphore(%run_scoped3A : memref<!tpu.dma_semaphore, #tpu.memory_space<semaphore_mem>>) src(%arg12 : memref<128x128xf32, #tpu.memory_space<vmem>>) dst(%dma_wait3A_57 : memref<10240x128xf32, #tpu.memory_space<vmem_shared>>)
          tpu.yield
        }) : () -> ()
      }
      %scan3A_46 = arith.constant 24 : i32
    } else {
    }
    %barrier3A_31 = arith.constant 0 : index
    tpu.barrier barrier_id(%barrier3A_31)
    %mul3A_32 = arith.constant 640 : i32
    %mul3A_33 = arith.muli %arg1, %mul3A_32 : i32
    %mul3A_34 = arith.constant 640 : i32
    %mul3A_35 = arith.muli %arg1, %mul3A_34 : i32
    "tpu.region"() ({
      %run_scoped3A = tpu.sem_alloc : memref<!tpu.dma_semaphore, #tpu.memory_space<semaphore_mem>>
      %dma_start3A = arith.constant 0 : i32
      %dma_start3A_36 = tpu.memref_slice %arg8[%arg0, %mul3A_35, %dma_start3A] : memref<2x10240x128xf32, #tpu.memory_space<hbm>> -> memref<1x640x128xf32, #tpu.memory_space<hbm>>
      %dma_start3A_37 = tpu.memref_squeeze %dma_start3A_36 : memref<1x640x128xf32, #tpu.memory_space<hbm>> -> memref<640x128xf32, #tpu.memory_space<hbm>>
      %dma_start3A_38 = arith.constant 0 : i32
      %dma_start3A_39 = tpu.memref_slice %arg13[%mul3A_33, %dma_start3A_38] : memref<10240x128xf32, #tpu.memory_space<vmem_shared>> -> memref<640x128xf32, #tpu.memory_space<vmem_shared>>
      tpu.enqueue_dma source(%dma_start3A_39 : memref<640x128xf32, #tpu.memory_space<vmem_shared>>) target(%dma_start3A_37 : memref<640x128xf32, #tpu.memory_space<hbm>>) target_semaphore(%run_scoped3A : memref<!tpu.dma_semaphore, #tpu.memory_space<semaphore_mem>>)
      %dma_wait3A = arith.constant 0 : i32
      %dma_wait3A_40 = tpu.memref_slice %arg8[%arg0, %mul3A_35, %dma_wait3A] : memref<2x10240x128xf32, #tpu.memory_space<hbm>> -> memref<1x640x128xf32, #tpu.memory_space<hbm>>
      %dma_wait3A_41 = tpu.memref_squeeze %dma_wait3A_40 : memref<1x640x128xf32, #tpu.memory_space<hbm>> -> memref<640x128xf32, #tpu.memory_space<hbm>>
      %dma_wait3A_42 = arith.constant 0 : i32
      %dma_wait3A_43 = tpu.memref_slice %arg13[%mul3A_33, %dma_wait3A_42] : memref<10240x128xf32, #tpu.memory_space<vmem_shared>> -> memref<640x128xf32, #tpu.memory_space<vmem_shared>>
      tpu.wait_dma2 semaphore(%run_scoped3A : memref<!tpu.dma_semaphore, #tpu.memory_space<semaphore_mem>>) src(%dma_wait3A_43 : memref<640x128xf32, #tpu.memory_space<vmem_shared>>) dst(%dma_wait3A_41 : memref<640x128xf32, #tpu.memory_space<hbm>>)
      tpu.yield
    }) : () -> ()
    return
  }
}

#map = affine_map<(d0, d1) -> (0, 0)>
#map1 = affine_map<(d0, d1) -> (0, 0, 0)>
#map2 = affine_map<(d0, d1) -> (0)>
module attributes {stable_mosaic.version = 14 : i64} {
  func.func @_sc_agg_body(%arg0: i32, %arg1: i32, %arg2: memref<10112x128xf32, #tpu.memory_space<hbm>>, %arg3: memref<32x112x128xi32, #tpu.memory_space<hbm>>, %arg4: memref<32x112x128xi32, #tpu.memory_space<hbm>>, %arg5: memref<10240x128xf32, #tpu.memory_space<hbm>>, %arg6: memref<1024xi32, #tpu.memory_space<hbm>>, %arg7: memref<10240x128xf32, #tpu.memory_space<hbm>>, %arg8: memref<2x1024x128xf32, #tpu.memory_space<hbm>>, %arg9: memref<1024x128xf32, #tpu.memory_space<hbm>>, %arg10: memref<56x128xi32, #tpu.memory_space<vmem>>, %arg11: memref<56x128xi32, #tpu.memory_space<vmem>>, %arg12: memref<128x128xf32, #tpu.memory_space<vmem>>, %arg13: memref<10112x128xf32, #tpu.memory_space<vmem_shared>>, %arg14: memref<64xi32, #tpu.memory_space<vmem>>) attributes {dimension_semantics = [#tpu.dimension_semantics<core_parallel>, #tpu.dimension_semantics<subcore_parallel>], iteration_bounds = array<i64: 2, 16>, scalar_prefetch = 0 : i64, scratch_operands = 5 : i64, tpu.core_type = #tpu.core_type<sc_vector_subcore>, window_params = [{transform_indices = #map}, {transform_indices = #map1}, {transform_indices = #map1}, {transform_indices = #map}, {transform_indices = #map2}, {transform_indices = #map}, {transform_indices = #map1}, {transform_indices = #map}]} {
    %mul3A = arith.constant 16 : i32
    %mul3A_0 = arith.muli %arg0, %mul3A : i32
    %add3A = arith.addi %mul3A_0, %arg1 : i32
    %mul3A_1 = arith.constant 632 : i32
    %mul3A_2 = arith.muli %arg1, %mul3A_1 : i32
    %eq3A = arith.constant 1 : i32
    %eq3A_3 = arith.cmpi eq, %arg0, %eq3A : i32
    %convert_element_type3A = arith.extui %eq3A_3 : i1 to i32
    %cond3A = arith.constant 0 : i32
    %cond3A_4 = arith.cmpi ne, %convert_element_type3A, %cond3A : i32
    scf.if %cond3A_4 {
      "tpu.region"() ({
        %run_scoped3A = tpu.sem_alloc : memref<!tpu.dma_semaphore, #tpu.memory_space<semaphore_mem>>
        %dma_start3A = arith.constant 0 : i32
        %dma_start3A_27 = tpu.memref_slice %arg13[%mul3A_2, %dma_start3A] : memref<10112x128xf32, #tpu.memory_space<vmem_shared>> -> memref<632x128xf32, #tpu.memory_space<vmem_shared>>
        %dma_start3A_28 = arith.constant 0 : i32
        %dma_start3A_29 = tpu.memref_slice %arg2[%mul3A_2, %dma_start3A_28] : memref<10112x128xf32, #tpu.memory_space<hbm>> -> memref<632x128xf32, #tpu.memory_space<hbm>>
        tpu.enqueue_dma source(%dma_start3A_29 : memref<632x128xf32, #tpu.memory_space<hbm>>) target(%dma_start3A_27 : memref<632x128xf32, #tpu.memory_space<vmem_shared>>) target_semaphore(%run_scoped3A : memref<!tpu.dma_semaphore, #tpu.memory_space<semaphore_mem>>)
        %dma_wait3A = arith.constant 0 : i32
        %dma_wait3A_30 = tpu.memref_slice %arg13[%mul3A_2, %dma_wait3A] : memref<10112x128xf32, #tpu.memory_space<vmem_shared>> -> memref<632x128xf32, #tpu.memory_space<vmem_shared>>
        %dma_wait3A_31 = arith.constant 0 : i32
        %dma_wait3A_32 = tpu.memref_slice %arg2[%mul3A_2, %dma_wait3A_31] : memref<10112x128xf32, #tpu.memory_space<hbm>> -> memref<632x128xf32, #tpu.memory_space<hbm>>
        tpu.wait_dma2 semaphore(%run_scoped3A : memref<!tpu.dma_semaphore, #tpu.memory_space<semaphore_mem>>) src(%dma_wait3A_32 : memref<632x128xf32, #tpu.memory_space<hbm>>) dst(%dma_wait3A_30 : memref<632x128xf32, #tpu.memory_space<vmem_shared>>)
        tpu.yield
      }) : () -> ()
    } else {
    }
    %ne3A = arith.constant 1 : i32
    %ne3A_5 = arith.cmpi ne, %arg0, %ne3A : i32
    %convert_element_type3A_6 = arith.extui %ne3A_5 : i1 to i32
    %cond3A_7 = arith.constant 0 : i32
    %cond3A_8 = arith.cmpi ne, %convert_element_type3A_6, %cond3A_7 : i32
    scf.if %cond3A_8 {
      "tpu.region"() ({
        %run_scoped3A = tpu.sem_alloc : memref<!tpu.dma_semaphore, #tpu.memory_space<semaphore_mem>>
        %dma_start3A = arith.constant 0 : i32
        %dma_start3A_27 = tpu.memref_slice %arg13[%mul3A_2, %dma_start3A] : memref<10112x128xf32, #tpu.memory_space<vmem_shared>> -> memref<632x128xf32, #tpu.memory_space<vmem_shared>>
        %dma_start3A_28 = arith.constant 0 : i32
        %dma_start3A_29 = tpu.memref_slice %arg5[%mul3A_2, %dma_start3A_28] : memref<10240x128xf32, #tpu.memory_space<hbm>> -> memref<632x128xf32, #tpu.memory_space<hbm>>
        tpu.enqueue_dma source(%dma_start3A_29 : memref<632x128xf32, #tpu.memory_space<hbm>>) target(%dma_start3A_27 : memref<632x128xf32, #tpu.memory_space<vmem_shared>>) target_semaphore(%run_scoped3A : memref<!tpu.dma_semaphore, #tpu.memory_space<semaphore_mem>>)
        %dma_wait3A = arith.constant 0 : i32
        %dma_wait3A_30 = tpu.memref_slice %arg13[%mul3A_2, %dma_wait3A] : memref<10112x128xf32, #tpu.memory_space<vmem_shared>> -> memref<632x128xf32, #tpu.memory_space<vmem_shared>>
        %dma_wait3A_31 = arith.constant 0 : i32
        %dma_wait3A_32 = tpu.memref_slice %arg5[%mul3A_2, %dma_wait3A_31] : memref<10240x128xf32, #tpu.memory_space<hbm>> -> memref<632x128xf32, #tpu.memory_space<hbm>>
        tpu.wait_dma2 semaphore(%run_scoped3A : memref<!tpu.dma_semaphore, #tpu.memory_space<semaphore_mem>>) src(%dma_wait3A_32 : memref<632x128xf32, #tpu.memory_space<hbm>>) dst(%dma_wait3A_30 : memref<632x128xf32, #tpu.memory_space<vmem_shared>>)
        tpu.yield
      }) : () -> ()
    } else {
    }
    %barrier3A = arith.constant 0 : index
    tpu.barrier barrier_id(%barrier3A)
    %eq3A_9 = arith.constant 0 : i32
    %eq3A_10 = arith.cmpi eq, %arg0, %eq3A_9 : i32
    %convert_element_type3A_11 = arith.extui %eq3A_10 : i1 to i32
    %cond3A_12 = arith.constant 0 : i32
    %cond3A_13 = arith.cmpi ne, %convert_element_type3A_11, %cond3A_12 : i32
    scf.if %cond3A_13 {
      "tpu.region"() ({
        %run_scoped3A = tpu.sem_alloc : memref<!tpu.dma_semaphore, #tpu.memory_space<semaphore_mem>>
        %dma_start3A = arith.constant 0 : i32
        %dma_start3A_38 = arith.constant 0 : i32
        %dma_start3A_39 = tpu.memref_slice %arg10[%dma_start3A, %dma_start3A_38] : memref<56x128xi32, #tpu.memory_space<vmem>> -> memref<56x128xi32, #tpu.memory_space<vmem>>
        %dma_start3A_40 = arith.constant 0 : i32
        %dma_start3A_41 = arith.constant 0 : i32
        %dma_start3A_42 = tpu.memref_slice %arg3[%add3A, %dma_start3A_40, %dma_start3A_41] : memref<32x112x128xi32, #tpu.memory_space<hbm>> -> memref<1x56x128xi32, #tpu.memory_space<hbm>>
        %dma_start3A_43 = tpu.memref_squeeze %dma_start3A_42 : memref<1x56x128xi32, #tpu.memory_space<hbm>> -> memref<56x128xi32, #tpu.memory_space<hbm>>
        %dma_start3A_44 = arith.constant 0 : i32
        %dma_start3A_45 = arith.constant 0 : i32
        %dma_start3A_46 = tpu.memref_slice %arg10[%dma_start3A_44, %dma_start3A_45] : memref<56x128xi32, #tpu.memory_space<vmem>> -> memref<56x128xi32, #tpu.memory_space<vmem>>
        %dma_start3A_47 = arith.constant 0 : i32
        %dma_start3A_48 = arith.constant 0 : i32
        %dma_start3A_49 = tpu.memref_slice %arg3[%add3A, %dma_start3A_47, %dma_start3A_48] : memref<32x112x128xi32, #tpu.memory_space<hbm>> -> memref<1x56x128xi32, #tpu.memory_space<hbm>>
        %dma_start3A_50 = tpu.memref_squeeze %dma_start3A_49 : memref<1x56x128xi32, #tpu.memory_space<hbm>> -> memref<56x128xi32, #tpu.memory_space<hbm>>
        tpu.enqueue_dma source(%dma_start3A_50 : memref<56x128xi32, #tpu.memory_space<hbm>>) target(%dma_start3A_46 : memref<56x128xi32, #tpu.memory_space<vmem>>) target_semaphore(%run_scoped3A : memref<!tpu.dma_semaphore, #tpu.memory_space<semaphore_mem>>)
        %dma_wait3A = arith.constant 0 : i32
        %dma_wait3A_51 = arith.constant 0 : i32
        %dma_wait3A_52 = tpu.memref_slice %arg10[%dma_wait3A, %dma_wait3A_51] : memref<56x128xi32, #tpu.memory_space<vmem>> -> memref<56x128xi32, #tpu.memory_space<vmem>>
        %dma_wait3A_53 = arith.constant 0 : i32
        %dma_wait3A_54 = arith.constant 0 : i32
        %dma_wait3A_55 = tpu.memref_slice %arg3[%add3A, %dma_wait3A_53, %dma_wait3A_54] : memref<32x112x128xi32, #tpu.memory_space<hbm>> -> memref<1x56x128xi32, #tpu.memory_space<hbm>>
        %dma_wait3A_56 = tpu.memref_squeeze %dma_wait3A_55 : memref<1x56x128xi32, #tpu.memory_space<hbm>> -> memref<56x128xi32, #tpu.memory_space<hbm>>
        %dma_wait3A_57 = arith.constant 0 : i32
        %dma_wait3A_58 = arith.constant 0 : i32
        %dma_wait3A_59 = tpu.memref_slice %arg10[%dma_wait3A_57, %dma_wait3A_58] : memref<56x128xi32, #tpu.memory_space<vmem>> -> memref<56x128xi32, #tpu.memory_space<vmem>>
        %dma_wait3A_60 = arith.constant 0 : i32
        %dma_wait3A_61 = arith.constant 0 : i32
        %dma_wait3A_62 = tpu.memref_slice %arg3[%add3A, %dma_wait3A_60, %dma_wait3A_61] : memref<32x112x128xi32, #tpu.memory_space<hbm>> -> memref<1x56x128xi32, #tpu.memory_space<hbm>>
        %dma_wait3A_63 = tpu.memref_squeeze %dma_wait3A_62 : memref<1x56x128xi32, #tpu.memory_space<hbm>> -> memref<56x128xi32, #tpu.memory_space<hbm>>
        tpu.wait_dma2 semaphore(%run_scoped3A : memref<!tpu.dma_semaphore, #tpu.memory_space<semaphore_mem>>) src(%dma_wait3A_63 : memref<56x128xi32, #tpu.memory_space<hbm>>) dst(%dma_wait3A_59 : memref<56x128xi32, #tpu.memory_space<vmem>>)
        tpu.yield
      }) : () -> ()
      "tpu.region"() ({
        %run_scoped3A = tpu.sem_alloc : memref<!tpu.dma_semaphore, #tpu.memory_space<semaphore_mem>>
        %dma_start3A = arith.constant 0 : i32
        %dma_start3A_38 = arith.constant 0 : i32
        %dma_start3A_39 = tpu.memref_slice %arg11[%dma_start3A, %dma_start3A_38] : memref<56x128xi32, #tpu.memory_space<vmem>> -> memref<56x128xi32, #tpu.memory_space<vmem>>
        %dma_start3A_40 = arith.constant 0 : i32
        %dma_start3A_41 = arith.constant 0 : i32
        %dma_start3A_42 = tpu.memref_slice %arg4[%add3A, %dma_start3A_40, %dma_start3A_41] : memref<32x112x128xi32, #tpu.memory_space<hbm>> -> memref<1x56x128xi32, #tpu.memory_space<hbm>>
        %dma_start3A_43 = tpu.memref_squeeze %dma_start3A_42 : memref<1x56x128xi32, #tpu.memory_space<hbm>> -> memref<56x128xi32, #tpu.memory_space<hbm>>
        %dma_start3A_44 = arith.constant 0 : i32
        %dma_start3A_45 = arith.constant 0 : i32
        %dma_start3A_46 = tpu.memref_slice %arg11[%dma_start3A_44, %dma_start3A_45] : memref<56x128xi32, #tpu.memory_space<vmem>> -> memref<56x128xi32, #tpu.memory_space<vmem>>
        %dma_start3A_47 = arith.constant 0 : i32
        %dma_start3A_48 = arith.constant 0 : i32
        %dma_start3A_49 = tpu.memref_slice %arg4[%add3A, %dma_start3A_47, %dma_start3A_48] : memref<32x112x128xi32, #tpu.memory_space<hbm>> -> memref<1x56x128xi32, #tpu.memory_space<hbm>>
        %dma_start3A_50 = tpu.memref_squeeze %dma_start3A_49 : memref<1x56x128xi32, #tpu.memory_space<hbm>> -> memref<56x128xi32, #tpu.memory_space<hbm>>
        tpu.enqueue_dma source(%dma_start3A_50 : memref<56x128xi32, #tpu.memory_space<hbm>>) target(%dma_start3A_46 : memref<56x128xi32, #tpu.memory_space<vmem>>) target_semaphore(%run_scoped3A : memref<!tpu.dma_semaphore, #tpu.memory_space<semaphore_mem>>)
        %dma_wait3A = arith.constant 0 : i32
        %dma_wait3A_51 = arith.constant 0 : i32
        %dma_wait3A_52 = tpu.memref_slice %arg11[%dma_wait3A, %dma_wait3A_51] : memref<56x128xi32, #tpu.memory_space<vmem>> -> memref<56x128xi32, #tpu.memory_space<vmem>>
        %dma_wait3A_53 = arith.constant 0 : i32
        %dma_wait3A_54 = arith.constant 0 : i32
        %dma_wait3A_55 = tpu.memref_slice %arg4[%add3A, %dma_wait3A_53, %dma_wait3A_54] : memref<32x112x128xi32, #tpu.memory_space<hbm>> -> memref<1x56x128xi32, #tpu.memory_space<hbm>>
        %dma_wait3A_56 = tpu.memref_squeeze %dma_wait3A_55 : memref<1x56x128xi32, #tpu.memory_space<hbm>> -> memref<56x128xi32, #tpu.memory_space<hbm>>
        %dma_wait3A_57 = arith.constant 0 : i32
        %dma_wait3A_58 = arith.constant 0 : i32
        %dma_wait3A_59 = tpu.memref_slice %arg11[%dma_wait3A_57, %dma_wait3A_58] : memref<56x128xi32, #tpu.memory_space<vmem>> -> memref<56x128xi32, #tpu.memory_space<vmem>>
        %dma_wait3A_60 = arith.constant 0 : i32
        %dma_wait3A_61 = arith.constant 0 : i32
        %dma_wait3A_62 = tpu.memref_slice %arg4[%add3A, %dma_wait3A_60, %dma_wait3A_61] : memref<32x112x128xi32, #tpu.memory_space<hbm>> -> memref<1x56x128xi32, #tpu.memory_space<hbm>>
        %dma_wait3A_63 = tpu.memref_squeeze %dma_wait3A_62 : memref<1x56x128xi32, #tpu.memory_space<hbm>> -> memref<56x128xi32, #tpu.memory_space<hbm>>
        tpu.wait_dma2 semaphore(%run_scoped3A : memref<!tpu.dma_semaphore, #tpu.memory_space<semaphore_mem>>) src(%dma_wait3A_63 : memref<56x128xi32, #tpu.memory_space<hbm>>) dst(%dma_wait3A_59 : memref<56x128xi32, #tpu.memory_space<vmem>>)
        tpu.yield
      }) : () -> ()
      %scan3A = arith.constant 0 : i32
      %scan3A_27 = arith.constant 0 : i32
      %scan3A_28 = arith.constant 56 : i32
      %scan3A_29 = arith.addi %scan3A_27, %scan3A_28 : i32
      %scan3A_30 = arith.constant 1 : i32
      scf.for %scan3A_38 = %scan3A_27 to %scan3A_29 step %scan3A_30  : i32 {
        "tpu.region"() ({
          %run_scoped3A = tpu.sem_alloc : memref<!tpu.dma_semaphore, #tpu.memory_space<semaphore_mem>>
          %dma_start3A = arith.constant 0 : i32
          %dma_start3A_39 = tpu.memref_slice %arg10[%scan3A_38, %dma_start3A] : memref<56x128xi32, #tpu.memory_space<vmem>> -> memref<1x128xi32, #tpu.memory_space<vmem>>
          %dma_start3A_40 = tpu.memref_squeeze %dma_start3A_39 : memref<1x128xi32, #tpu.memory_space<vmem>> -> memref<128xi32, #tpu.memory_space<vmem>>
          %dma_start3A_41 = arith.constant 0 : i32
          %dma_start3A_42 = arith.constant 0 : i32
          %dma_start3A_43 = tpu.memref_slice %arg2[%dma_start3A_41, %dma_start3A_42] : memref<10112x128xf32, #tpu.memory_space<hbm>> -> memref<10112x128xf32, #tpu.memory_space<hbm>>
          tpu.enqueue_indirect_dma source(%dma_start3A_43 : memref<10112x128xf32, #tpu.memory_space<hbm>>) target(%arg12 : memref<128x128xf32, #tpu.memory_space<vmem>>) offsets(%dma_start3A_40 : memref<128xi32, #tpu.memory_space<vmem>>) semaphore(%run_scoped3A : memref<!tpu.dma_semaphore, #tpu.memory_space<semaphore_mem>>)
          %dma_wait3A = arith.constant 0 : i32
          %dma_wait3A_44 = tpu.memref_slice %arg10[%scan3A_38, %dma_wait3A] : memref<56x128xi32, #tpu.memory_space<vmem>> -> memref<1x128xi32, #tpu.memory_space<vmem>>
          %dma_wait3A_45 = tpu.memref_squeeze %dma_wait3A_44 : memref<1x128xi32, #tpu.memory_space<vmem>> -> memref<128xi32, #tpu.memory_space<vmem>>
          %dma_wait3A_46 = arith.constant 0 : i32
          %dma_wait3A_47 = arith.constant 0 : i32
          %dma_wait3A_48 = tpu.memref_slice %arg2[%dma_wait3A_46, %dma_wait3A_47] : memref<10112x128xf32, #tpu.memory_space<hbm>> -> memref<10112x128xf32, #tpu.memory_space<hbm>>
          tpu.wait_indirect_dma semaphore(%run_scoped3A : memref<!tpu.dma_semaphore, #tpu.memory_space<semaphore_mem>>) src(%dma_wait3A_48 : memref<10112x128xf32, #tpu.memory_space<hbm>>) dst(%arg12 : memref<128x128xf32, #tpu.memory_space<vmem>>)
          tpu.yield
        }) : () -> ()
        "tpu.region"() ({
          %run_scoped3A = tpu.sem_alloc : memref<!tpu.dma_semaphore, #tpu.memory_space<semaphore_mem>>
          %dma_start3A = arith.constant 0 : i32
          %dma_start3A_39 = tpu.memref_slice %arg11[%scan3A_38, %dma_start3A] : memref<56x128xi32, #tpu.memory_space<vmem>> -> memref<1x128xi32, #tpu.memory_space<vmem>>
          %dma_start3A_40 = tpu.memref_squeeze %dma_start3A_39 : memref<1x128xi32, #tpu.memory_space<vmem>> -> memref<128xi32, #tpu.memory_space<vmem>>
          %dma_start3A_41 = arith.constant 0 : i32
          %dma_start3A_42 = arith.constant 0 : i32
          %dma_start3A_43 = tpu.memref_slice %arg13[%dma_start3A_41, %dma_start3A_42] : memref<10112x128xf32, #tpu.memory_space<vmem_shared>> -> memref<10112x128xf32, #tpu.memory_space<vmem_shared>>
          tpu.enqueue_indirect_dma source(%arg12 : memref<128x128xf32, #tpu.memory_space<vmem>>) target(%dma_start3A_43 : memref<10112x128xf32, #tpu.memory_space<vmem_shared>>) offsets(%dma_start3A_40 : memref<128xi32, #tpu.memory_space<vmem>>) semaphore(%run_scoped3A : memref<!tpu.dma_semaphore, #tpu.memory_space<semaphore_mem>>) {add = true}
          %dma_wait3A = arith.constant 0 : i32
          %dma_wait3A_44 = tpu.memref_slice %arg11[%scan3A_38, %dma_wait3A] : memref<56x128xi32, #tpu.memory_space<vmem>> -> memref<1x128xi32, #tpu.memory_space<vmem>>
          %dma_wait3A_45 = tpu.memref_squeeze %dma_wait3A_44 : memref<1x128xi32, #tpu.memory_space<vmem>> -> memref<128xi32, #tpu.memory_space<vmem>>
          %dma_wait3A_46 = arith.constant 0 : i32
          %dma_wait3A_47 = arith.constant 0 : i32
          %dma_wait3A_48 = tpu.memref_slice %arg13[%dma_wait3A_46, %dma_wait3A_47] : memref<10112x128xf32, #tpu.memory_space<vmem_shared>> -> memref<10112x128xf32, #tpu.memory_space<vmem_shared>>
          tpu.wait_indirect_dma semaphore(%run_scoped3A : memref<!tpu.dma_semaphore, #tpu.memory_space<semaphore_mem>>) src(%arg12 : memref<128x128xf32, #tpu.memory_space<vmem>>) dst(%dma_wait3A_48 : memref<10112x128xf32, #tpu.memory_space<vmem_shared>>)
          tpu.yield
        }) : () -> ()
      }
      %scan3A_31 = arith.constant 56 : i32
      "tpu.region"() ({
        %run_scoped3A = tpu.sem_alloc : memref<!tpu.dma_semaphore, #tpu.memory_space<semaphore_mem>>
        %dma_start3A = arith.constant 0 : i32
        %dma_start3A_38 = arith.constant 0 : i32
        %dma_start3A_39 = tpu.memref_slice %arg10[%dma_start3A, %dma_start3A_38] : memref<56x128xi32, #tpu.memory_space<vmem>> -> memref<56x128xi32, #tpu.memory_space<vmem>>
        %dma_start3A_40 = arith.constant 56 : i32
        %dma_start3A_41 = arith.constant 0 : i32
        %dma_start3A_42 = tpu.memref_slice %arg3[%add3A, %dma_start3A_40, %dma_start3A_41] : memref<32x112x128xi32, #tpu.memory_space<hbm>> -> memref<1x56x128xi32, #tpu.memory_space<hbm>>
        %dma_start3A_43 = tpu.memref_squeeze %dma_start3A_42 : memref<1x56x128xi32, #tpu.memory_space<hbm>> -> memref<56x128xi32, #tpu.memory_space<hbm>>
        %dma_start3A_44 = arith.constant 0 : i32
        %dma_start3A_45 = arith.constant 0 : i32
        %dma_start3A_46 = tpu.memref_slice %arg10[%dma_start3A_44, %dma_start3A_45] : memref<56x128xi32, #tpu.memory_space<vmem>> -> memref<56x128xi32, #tpu.memory_space<vmem>>
        %dma_start3A_47 = arith.constant 56 : i32
        %dma_start3A_48 = arith.constant 0 : i32
        %dma_start3A_49 = tpu.memref_slice %arg3[%add3A, %dma_start3A_47, %dma_start3A_48] : memref<32x112x128xi32, #tpu.memory_space<hbm>> -> memref<1x56x128xi32, #tpu.memory_space<hbm>>
        %dma_start3A_50 = tpu.memref_squeeze %dma_start3A_49 : memref<1x56x128xi32, #tpu.memory_space<hbm>> -> memref<56x128xi32, #tpu.memory_space<hbm>>
        tpu.enqueue_dma source(%dma_start3A_50 : memref<56x128xi32, #tpu.memory_space<hbm>>) target(%dma_start3A_46 : memref<56x128xi32, #tpu.memory_space<vmem>>) target_semaphore(%run_scoped3A : memref<!tpu.dma_semaphore, #tpu.memory_space<semaphore_mem>>)
        %dma_wait3A = arith.constant 0 : i32
        %dma_wait3A_51 = arith.constant 0 : i32
        %dma_wait3A_52 = tpu.memref_slice %arg10[%dma_wait3A, %dma_wait3A_51] : memref<56x128xi32, #tpu.memory_space<vmem>> -> memref<56x128xi32, #tpu.memory_space<vmem>>
        %dma_wait3A_53 = arith.constant 56 : i32
        %dma_wait3A_54 = arith.constant 0 : i32
        %dma_wait3A_55 = tpu.memref_slice %arg3[%add3A, %dma_wait3A_53, %dma_wait3A_54] : memref<32x112x128xi32, #tpu.memory_space<hbm>> -> memref<1x56x128xi32, #tpu.memory_space<hbm>>
        %dma_wait3A_56 = tpu.memref_squeeze %dma_wait3A_55 : memref<1x56x128xi32, #tpu.memory_space<hbm>> -> memref<56x128xi32, #tpu.memory_space<hbm>>
        %dma_wait3A_57 = arith.constant 0 : i32
        %dma_wait3A_58 = arith.constant 0 : i32
        %dma_wait3A_59 = tpu.memref_slice %arg10[%dma_wait3A_57, %dma_wait3A_58] : memref<56x128xi32, #tpu.memory_space<vmem>> -> memref<56x128xi32, #tpu.memory_space<vmem>>
        %dma_wait3A_60 = arith.constant 56 : i32
        %dma_wait3A_61 = arith.constant 0 : i32
        %dma_wait3A_62 = tpu.memref_slice %arg3[%add3A, %dma_wait3A_60, %dma_wait3A_61] : memref<32x112x128xi32, #tpu.memory_space<hbm>> -> memref<1x56x128xi32, #tpu.memory_space<hbm>>
        %dma_wait3A_63 = tpu.memref_squeeze %dma_wait3A_62 : memref<1x56x128xi32, #tpu.memory_space<hbm>> -> memref<56x128xi32, #tpu.memory_space<hbm>>
        tpu.wait_dma2 semaphore(%run_scoped3A : memref<!tpu.dma_semaphore, #tpu.memory_space<semaphore_mem>>) src(%dma_wait3A_63 : memref<56x128xi32, #tpu.memory_space<hbm>>) dst(%dma_wait3A_59 : memref<56x128xi32, #tpu.memory_space<vmem>>)
        tpu.yield
      }) : () -> ()
      "tpu.region"() ({
        %run_scoped3A = tpu.sem_alloc : memref<!tpu.dma_semaphore, #tpu.memory_space<semaphore_mem>>
        %dma_start3A = arith.constant 0 : i32
        %dma_start3A_38 = arith.constant 0 : i32
        %dma_start3A_39 = tpu.memref_slice %arg11[%dma_start3A, %dma_start3A_38] : memref<56x128xi32, #tpu.memory_space<vmem>> -> memref<56x128xi32, #tpu.memory_space<vmem>>
        %dma_start3A_40 = arith.constant 56 : i32
        %dma_start3A_41 = arith.constant 0 : i32
        %dma_start3A_42 = tpu.memref_slice %arg4[%add3A, %dma_start3A_40, %dma_start3A_41] : memref<32x112x128xi32, #tpu.memory_space<hbm>> -> memref<1x56x128xi32, #tpu.memory_space<hbm>>
        %dma_start3A_43 = tpu.memref_squeeze %dma_start3A_42 : memref<1x56x128xi32, #tpu.memory_space<hbm>> -> memref<56x128xi32, #tpu.memory_space<hbm>>
        %dma_start3A_44 = arith.constant 0 : i32
        %dma_start3A_45 = arith.constant 0 : i32
        %dma_start3A_46 = tpu.memref_slice %arg11[%dma_start3A_44, %dma_start3A_45] : memref<56x128xi32, #tpu.memory_space<vmem>> -> memref<56x128xi32, #tpu.memory_space<vmem>>
        %dma_start3A_47 = arith.constant 56 : i32
        %dma_start3A_48 = arith.constant 0 : i32
        %dma_start3A_49 = tpu.memref_slice %arg4[%add3A, %dma_start3A_47, %dma_start3A_48] : memref<32x112x128xi32, #tpu.memory_space<hbm>> -> memref<1x56x128xi32, #tpu.memory_space<hbm>>
        %dma_start3A_50 = tpu.memref_squeeze %dma_start3A_49 : memref<1x56x128xi32, #tpu.memory_space<hbm>> -> memref<56x128xi32, #tpu.memory_space<hbm>>
        tpu.enqueue_dma source(%dma_start3A_50 : memref<56x128xi32, #tpu.memory_space<hbm>>) target(%dma_start3A_46 : memref<56x128xi32, #tpu.memory_space<vmem>>) target_semaphore(%run_scoped3A : memref<!tpu.dma_semaphore, #tpu.memory_space<semaphore_mem>>)
        %dma_wait3A = arith.constant 0 : i32
        %dma_wait3A_51 = arith.constant 0 : i32
        %dma_wait3A_52 = tpu.memref_slice %arg11[%dma_wait3A, %dma_wait3A_51] : memref<56x128xi32, #tpu.memory_space<vmem>> -> memref<56x128xi32, #tpu.memory_space<vmem>>
        %dma_wait3A_53 = arith.constant 56 : i32
        %dma_wait3A_54 = arith.constant 0 : i32
        %dma_wait3A_55 = tpu.memref_slice %arg4[%add3A, %dma_wait3A_53, %dma_wait3A_54] : memref<32x112x128xi32, #tpu.memory_space<hbm>> -> memref<1x56x128xi32, #tpu.memory_space<hbm>>
        %dma_wait3A_56 = tpu.memref_squeeze %dma_wait3A_55 : memref<1x56x128xi32, #tpu.memory_space<hbm>> -> memref<56x128xi32, #tpu.memory_space<hbm>>
        %dma_wait3A_57 = arith.constant 0 : i32
        %dma_wait3A_58 = arith.constant 0 : i32
        %dma_wait3A_59 = tpu.memref_slice %arg11[%dma_wait3A_57, %dma_wait3A_58] : memref<56x128xi32, #tpu.memory_space<vmem>> -> memref<56x128xi32, #tpu.memory_space<vmem>>
        %dma_wait3A_60 = arith.constant 56 : i32
        %dma_wait3A_61 = arith.constant 0 : i32
        %dma_wait3A_62 = tpu.memref_slice %arg4[%add3A, %dma_wait3A_60, %dma_wait3A_61] : memref<32x112x128xi32, #tpu.memory_space<hbm>> -> memref<1x56x128xi32, #tpu.memory_space<hbm>>
        %dma_wait3A_63 = tpu.memref_squeeze %dma_wait3A_62 : memref<1x56x128xi32, #tpu.memory_space<hbm>> -> memref<56x128xi32, #tpu.memory_space<hbm>>
        tpu.wait_dma2 semaphore(%run_scoped3A : memref<!tpu.dma_semaphore, #tpu.memory_space<semaphore_mem>>) src(%dma_wait3A_63 : memref<56x128xi32, #tpu.memory_space<hbm>>) dst(%dma_wait3A_59 : memref<56x128xi32, #tpu.memory_space<vmem>>)
        tpu.yield
      }) : () -> ()
      %scan3A_32 = arith.constant 0 : i32
      %scan3A_33 = arith.constant 0 : i32
      %scan3A_34 = arith.constant 56 : i32
      %scan3A_35 = arith.addi %scan3A_33, %scan3A_34 : i32
      %scan3A_36 = arith.constant 1 : i32
      scf.for %scan3A_38 = %scan3A_33 to %scan3A_35 step %scan3A_36  : i32 {
        "tpu.region"() ({
          %run_scoped3A = tpu.sem_alloc : memref<!tpu.dma_semaphore, #tpu.memory_space<semaphore_mem>>
          %dma_start3A = arith.constant 0 : i32
          %dma_start3A_39 = tpu.memref_slice %arg10[%scan3A_38, %dma_start3A] : memref<56x128xi32, #tpu.memory_space<vmem>> -> memref<1x128xi32, #tpu.memory_space<vmem>>
          %dma_start3A_40 = tpu.memref_squeeze %dma_start3A_39 : memref<1x128xi32, #tpu.memory_space<vmem>> -> memref<128xi32, #tpu.memory_space<vmem>>
          %dma_start3A_41 = arith.constant 0 : i32
          %dma_start3A_42 = arith.constant 0 : i32
          %dma_start3A_43 = tpu.memref_slice %arg2[%dma_start3A_41, %dma_start3A_42] : memref<10112x128xf32, #tpu.memory_space<hbm>> -> memref<10112x128xf32, #tpu.memory_space<hbm>>
          tpu.enqueue_indirect_dma source(%dma_start3A_43 : memref<10112x128xf32, #tpu.memory_space<hbm>>) target(%arg12 : memref<128x128xf32, #tpu.memory_space<vmem>>) offsets(%dma_start3A_40 : memref<128xi32, #tpu.memory_space<vmem>>) semaphore(%run_scoped3A : memref<!tpu.dma_semaphore, #tpu.memory_space<semaphore_mem>>)
          %dma_wait3A = arith.constant 0 : i32
          %dma_wait3A_44 = tpu.memref_slice %arg10[%scan3A_38, %dma_wait3A] : memref<56x128xi32, #tpu.memory_space<vmem>> -> memref<1x128xi32, #tpu.memory_space<vmem>>
          %dma_wait3A_45 = tpu.memref_squeeze %dma_wait3A_44 : memref<1x128xi32, #tpu.memory_space<vmem>> -> memref<128xi32, #tpu.memory_space<vmem>>
          %dma_wait3A_46 = arith.constant 0 : i32
          %dma_wait3A_47 = arith.constant 0 : i32
          %dma_wait3A_48 = tpu.memref_slice %arg2[%dma_wait3A_46, %dma_wait3A_47] : memref<10112x128xf32, #tpu.memory_space<hbm>> -> memref<10112x128xf32, #tpu.memory_space<hbm>>
          tpu.wait_indirect_dma semaphore(%run_scoped3A : memref<!tpu.dma_semaphore, #tpu.memory_space<semaphore_mem>>) src(%dma_wait3A_48 : memref<10112x128xf32, #tpu.memory_space<hbm>>) dst(%arg12 : memref<128x128xf32, #tpu.memory_space<vmem>>)
          tpu.yield
        }) : () -> ()
        "tpu.region"() ({
          %run_scoped3A = tpu.sem_alloc : memref<!tpu.dma_semaphore, #tpu.memory_space<semaphore_mem>>
          %dma_start3A = arith.constant 0 : i32
          %dma_start3A_39 = tpu.memref_slice %arg11[%scan3A_38, %dma_start3A] : memref<56x128xi32, #tpu.memory_space<vmem>> -> memref<1x128xi32, #tpu.memory_space<vmem>>
          %dma_start3A_40 = tpu.memref_squeeze %dma_start3A_39 : memref<1x128xi32, #tpu.memory_space<vmem>> -> memref<128xi32, #tpu.memory_space<vmem>>
          %dma_start3A_41 = arith.constant 0 : i32
          %dma_start3A_42 = arith.constant 0 : i32
          %dma_start3A_43 = tpu.memref_slice %arg13[%dma_start3A_41, %dma_start3A_42] : memref<10112x128xf32, #tpu.memory_space<vmem_shared>> -> memref<10112x128xf32, #tpu.memory_space<vmem_shared>>
          tpu.enqueue_indirect_dma source(%arg12 : memref<128x128xf32, #tpu.memory_space<vmem>>) target(%dma_start3A_43 : memref<10112x128xf32, #tpu.memory_space<vmem_shared>>) offsets(%dma_start3A_40 : memref<128xi32, #tpu.memory_space<vmem>>) semaphore(%run_scoped3A : memref<!tpu.dma_semaphore, #tpu.memory_space<semaphore_mem>>) {add = true}
          %dma_wait3A = arith.constant 0 : i32
          %dma_wait3A_44 = tpu.memref_slice %arg11[%scan3A_38, %dma_wait3A] : memref<56x128xi32, #tpu.memory_space<vmem>> -> memref<1x128xi32, #tpu.memory_space<vmem>>
          %dma_wait3A_45 = tpu.memref_squeeze %dma_wait3A_44 : memref<1x128xi32, #tpu.memory_space<vmem>> -> memref<128xi32, #tpu.memory_space<vmem>>
          %dma_wait3A_46 = arith.constant 0 : i32
          %dma_wait3A_47 = arith.constant 0 : i32
          %dma_wait3A_48 = tpu.memref_slice %arg13[%dma_wait3A_46, %dma_wait3A_47] : memref<10112x128xf32, #tpu.memory_space<vmem_shared>> -> memref<10112x128xf32, #tpu.memory_space<vmem_shared>>
          tpu.wait_indirect_dma semaphore(%run_scoped3A : memref<!tpu.dma_semaphore, #tpu.memory_space<semaphore_mem>>) src(%arg12 : memref<128x128xf32, #tpu.memory_space<vmem>>) dst(%dma_wait3A_48 : memref<10112x128xf32, #tpu.memory_space<vmem_shared>>)
          tpu.yield
        }) : () -> ()
      }
      %scan3A_37 = arith.constant 56 : i32
    } else {
    }
    %ne3A_14 = arith.constant 0 : i32
    %ne3A_15 = arith.cmpi ne, %arg0, %ne3A_14 : i32
    %convert_element_type3A_16 = arith.extui %ne3A_15 : i1 to i32
    %cond3A_17 = arith.constant 0 : i32
    %cond3A_18 = arith.cmpi ne, %convert_element_type3A_16, %cond3A_17 : i32
    scf.if %cond3A_18 {
      "tpu.region"() ({
        %run_scoped3A = tpu.sem_alloc : memref<!tpu.dma_semaphore, #tpu.memory_space<semaphore_mem>>
        %dma_start3A = arith.constant 0 : i32
        %dma_start3A_38 = arith.constant 0 : i32
        %dma_start3A_39 = tpu.memref_slice %arg10[%dma_start3A, %dma_start3A_38] : memref<56x128xi32, #tpu.memory_space<vmem>> -> memref<24x128xi32, #tpu.memory_space<vmem>>
        %dma_start3A_40 = arith.constant 0 : i32
        %dma_start3A_41 = arith.constant 0 : i32
        %dma_start3A_42 = tpu.memref_slice %arg3[%add3A, %dma_start3A_40, %dma_start3A_41] : memref<32x112x128xi32, #tpu.memory_space<hbm>> -> memref<1x24x128xi32, #tpu.memory_space<hbm>>
        %dma_start3A_43 = tpu.memref_squeeze %dma_start3A_42 : memref<1x24x128xi32, #tpu.memory_space<hbm>> -> memref<24x128xi32, #tpu.memory_space<hbm>>
        %dma_start3A_44 = arith.constant 0 : i32
        %dma_start3A_45 = arith.constant 0 : i32
        %dma_start3A_46 = tpu.memref_slice %arg10[%dma_start3A_44, %dma_start3A_45] : memref<56x128xi32, #tpu.memory_space<vmem>> -> memref<24x128xi32, #tpu.memory_space<vmem>>
        %dma_start3A_47 = arith.constant 0 : i32
        %dma_start3A_48 = arith.constant 0 : i32
        %dma_start3A_49 = tpu.memref_slice %arg3[%add3A, %dma_start3A_47, %dma_start3A_48] : memref<32x112x128xi32, #tpu.memory_space<hbm>> -> memref<1x24x128xi32, #tpu.memory_space<hbm>>
        %dma_start3A_50 = tpu.memref_squeeze %dma_start3A_49 : memref<1x24x128xi32, #tpu.memory_space<hbm>> -> memref<24x128xi32, #tpu.memory_space<hbm>>
        tpu.enqueue_dma source(%dma_start3A_50 : memref<24x128xi32, #tpu.memory_space<hbm>>) target(%dma_start3A_46 : memref<24x128xi32, #tpu.memory_space<vmem>>) target_semaphore(%run_scoped3A : memref<!tpu.dma_semaphore, #tpu.memory_space<semaphore_mem>>)
        %dma_wait3A = arith.constant 0 : i32
        %dma_wait3A_51 = arith.constant 0 : i32
        %dma_wait3A_52 = tpu.memref_slice %arg10[%dma_wait3A, %dma_wait3A_51] : memref<56x128xi32, #tpu.memory_space<vmem>> -> memref<24x128xi32, #tpu.memory_space<vmem>>
        %dma_wait3A_53 = arith.constant 0 : i32
        %dma_wait3A_54 = arith.constant 0 : i32
        %dma_wait3A_55 = tpu.memref_slice %arg3[%add3A, %dma_wait3A_53, %dma_wait3A_54] : memref<32x112x128xi32, #tpu.memory_space<hbm>> -> memref<1x24x128xi32, #tpu.memory_space<hbm>>
        %dma_wait3A_56 = tpu.memref_squeeze %dma_wait3A_55 : memref<1x24x128xi32, #tpu.memory_space<hbm>> -> memref<24x128xi32, #tpu.memory_space<hbm>>
        %dma_wait3A_57 = arith.constant 0 : i32
        %dma_wait3A_58 = arith.constant 0 : i32
        %dma_wait3A_59 = tpu.memref_slice %arg10[%dma_wait3A_57, %dma_wait3A_58] : memref<56x128xi32, #tpu.memory_space<vmem>> -> memref<24x128xi32, #tpu.memory_space<vmem>>
        %dma_wait3A_60 = arith.constant 0 : i32
        %dma_wait3A_61 = arith.constant 0 : i32
        %dma_wait3A_62 = tpu.memref_slice %arg3[%add3A, %dma_wait3A_60, %dma_wait3A_61] : memref<32x112x128xi32, #tpu.memory_space<hbm>> -> memref<1x24x128xi32, #tpu.memory_space<hbm>>
        %dma_wait3A_63 = tpu.memref_squeeze %dma_wait3A_62 : memref<1x24x128xi32, #tpu.memory_space<hbm>> -> memref<24x128xi32, #tpu.memory_space<hbm>>
        tpu.wait_dma2 semaphore(%run_scoped3A : memref<!tpu.dma_semaphore, #tpu.memory_space<semaphore_mem>>) src(%dma_wait3A_63 : memref<24x128xi32, #tpu.memory_space<hbm>>) dst(%dma_wait3A_59 : memref<24x128xi32, #tpu.memory_space<vmem>>)
        tpu.yield
      }) : () -> ()
      "tpu.region"() ({
        %run_scoped3A = tpu.sem_alloc : memref<!tpu.dma_semaphore, #tpu.memory_space<semaphore_mem>>
        %dma_start3A = arith.constant 0 : i32
        %dma_start3A_38 = arith.constant 0 : i32
        %dma_start3A_39 = tpu.memref_slice %arg11[%dma_start3A, %dma_start3A_38] : memref<56x128xi32, #tpu.memory_space<vmem>> -> memref<24x128xi32, #tpu.memory_space<vmem>>
        %dma_start3A_40 = arith.constant 0 : i32
        %dma_start3A_41 = arith.constant 0 : i32
        %dma_start3A_42 = tpu.memref_slice %arg4[%add3A, %dma_start3A_40, %dma_start3A_41] : memref<32x112x128xi32, #tpu.memory_space<hbm>> -> memref<1x24x128xi32, #tpu.memory_space<hbm>>
        %dma_start3A_43 = tpu.memref_squeeze %dma_start3A_42 : memref<1x24x128xi32, #tpu.memory_space<hbm>> -> memref<24x128xi32, #tpu.memory_space<hbm>>
        %dma_start3A_44 = arith.constant 0 : i32
        %dma_start3A_45 = arith.constant 0 : i32
        %dma_start3A_46 = tpu.memref_slice %arg11[%dma_start3A_44, %dma_start3A_45] : memref<56x128xi32, #tpu.memory_space<vmem>> -> memref<24x128xi32, #tpu.memory_space<vmem>>
        %dma_start3A_47 = arith.constant 0 : i32
        %dma_start3A_48 = arith.constant 0 : i32
        %dma_start3A_49 = tpu.memref_slice %arg4[%add3A, %dma_start3A_47, %dma_start3A_48] : memref<32x112x128xi32, #tpu.memory_space<hbm>> -> memref<1x24x128xi32, #tpu.memory_space<hbm>>
        %dma_start3A_50 = tpu.memref_squeeze %dma_start3A_49 : memref<1x24x128xi32, #tpu.memory_space<hbm>> -> memref<24x128xi32, #tpu.memory_space<hbm>>
        tpu.enqueue_dma source(%dma_start3A_50 : memref<24x128xi32, #tpu.memory_space<hbm>>) target(%dma_start3A_46 : memref<24x128xi32, #tpu.memory_space<vmem>>) target_semaphore(%run_scoped3A : memref<!tpu.dma_semaphore, #tpu.memory_space<semaphore_mem>>)
        %dma_wait3A = arith.constant 0 : i32
        %dma_wait3A_51 = arith.constant 0 : i32
        %dma_wait3A_52 = tpu.memref_slice %arg11[%dma_wait3A, %dma_wait3A_51] : memref<56x128xi32, #tpu.memory_space<vmem>> -> memref<24x128xi32, #tpu.memory_space<vmem>>
        %dma_wait3A_53 = arith.constant 0 : i32
        %dma_wait3A_54 = arith.constant 0 : i32
        %dma_wait3A_55 = tpu.memref_slice %arg4[%add3A, %dma_wait3A_53, %dma_wait3A_54] : memref<32x112x128xi32, #tpu.memory_space<hbm>> -> memref<1x24x128xi32, #tpu.memory_space<hbm>>
        %dma_wait3A_56 = tpu.memref_squeeze %dma_wait3A_55 : memref<1x24x128xi32, #tpu.memory_space<hbm>> -> memref<24x128xi32, #tpu.memory_space<hbm>>
        %dma_wait3A_57 = arith.constant 0 : i32
        %dma_wait3A_58 = arith.constant 0 : i32
        %dma_wait3A_59 = tpu.memref_slice %arg11[%dma_wait3A_57, %dma_wait3A_58] : memref<56x128xi32, #tpu.memory_space<vmem>> -> memref<24x128xi32, #tpu.memory_space<vmem>>
        %dma_wait3A_60 = arith.constant 0 : i32
        %dma_wait3A_61 = arith.constant 0 : i32
        %dma_wait3A_62 = tpu.memref_slice %arg4[%add3A, %dma_wait3A_60, %dma_wait3A_61] : memref<32x112x128xi32, #tpu.memory_space<hbm>> -> memref<1x24x128xi32, #tpu.memory_space<hbm>>
        %dma_wait3A_63 = tpu.memref_squeeze %dma_wait3A_62 : memref<1x24x128xi32, #tpu.memory_space<hbm>> -> memref<24x128xi32, #tpu.memory_space<hbm>>
        tpu.wait_dma2 semaphore(%run_scoped3A : memref<!tpu.dma_semaphore, #tpu.memory_space<semaphore_mem>>) src(%dma_wait3A_63 : memref<24x128xi32, #tpu.memory_space<hbm>>) dst(%dma_wait3A_59 : memref<24x128xi32, #tpu.memory_space<vmem>>)
        tpu.yield
      }) : () -> ()
      %scan3A = arith.constant 0 : i32
      %scan3A_27 = arith.constant 0 : i32
      %scan3A_28 = arith.constant 24 : i32
      %scan3A_29 = arith.addi %scan3A_27, %scan3A_28 : i32
      %scan3A_30 = arith.constant 1 : i32
      scf.for %scan3A_38 = %scan3A_27 to %scan3A_29 step %scan3A_30  : i32 {
        "tpu.region"() ({
          %run_scoped3A = tpu.sem_alloc : memref<!tpu.dma_semaphore, #tpu.memory_space<semaphore_mem>>
          %dma_start3A = arith.constant 0 : i32
          %dma_start3A_39 = tpu.memref_slice %arg10[%scan3A_38, %dma_start3A] : memref<56x128xi32, #tpu.memory_space<vmem>> -> memref<1x128xi32, #tpu.memory_space<vmem>>
          %dma_start3A_40 = tpu.memref_squeeze %dma_start3A_39 : memref<1x128xi32, #tpu.memory_space<vmem>> -> memref<128xi32, #tpu.memory_space<vmem>>
          %dma_start3A_41 = arith.constant 0 : i32
          %dma_start3A_42 = arith.constant 0 : i32
          %dma_start3A_43 = tpu.memref_slice %arg2[%dma_start3A_41, %dma_start3A_42] : memref<10112x128xf32, #tpu.memory_space<hbm>> -> memref<10112x128xf32, #tpu.memory_space<hbm>>
          tpu.enqueue_indirect_dma source(%dma_start3A_43 : memref<10112x128xf32, #tpu.memory_space<hbm>>) target(%arg12 : memref<128x128xf32, #tpu.memory_space<vmem>>) offsets(%dma_start3A_40 : memref<128xi32, #tpu.memory_space<vmem>>) semaphore(%run_scoped3A : memref<!tpu.dma_semaphore, #tpu.memory_space<semaphore_mem>>)
          %dma_wait3A = arith.constant 0 : i32
          %dma_wait3A_44 = tpu.memref_slice %arg10[%scan3A_38, %dma_wait3A] : memref<56x128xi32, #tpu.memory_space<vmem>> -> memref<1x128xi32, #tpu.memory_space<vmem>>
          %dma_wait3A_45 = tpu.memref_squeeze %dma_wait3A_44 : memref<1x128xi32, #tpu.memory_space<vmem>> -> memref<128xi32, #tpu.memory_space<vmem>>
          %dma_wait3A_46 = arith.constant 0 : i32
          %dma_wait3A_47 = arith.constant 0 : i32
          %dma_wait3A_48 = tpu.memref_slice %arg2[%dma_wait3A_46, %dma_wait3A_47] : memref<10112x128xf32, #tpu.memory_space<hbm>> -> memref<10112x128xf32, #tpu.memory_space<hbm>>
          tpu.wait_indirect_dma semaphore(%run_scoped3A : memref<!tpu.dma_semaphore, #tpu.memory_space<semaphore_mem>>) src(%dma_wait3A_48 : memref<10112x128xf32, #tpu.memory_space<hbm>>) dst(%arg12 : memref<128x128xf32, #tpu.memory_space<vmem>>)
          tpu.yield
        }) : () -> ()
        "tpu.region"() ({
          %run_scoped3A = tpu.sem_alloc : memref<!tpu.dma_semaphore, #tpu.memory_space<semaphore_mem>>
          %dma_start3A = arith.constant 0 : i32
          %dma_start3A_39 = tpu.memref_slice %arg11[%scan3A_38, %dma_start3A] : memref<56x128xi32, #tpu.memory_space<vmem>> -> memref<1x128xi32, #tpu.memory_space<vmem>>
          %dma_start3A_40 = tpu.memref_squeeze %dma_start3A_39 : memref<1x128xi32, #tpu.memory_space<vmem>> -> memref<128xi32, #tpu.memory_space<vmem>>
          %dma_start3A_41 = arith.constant 0 : i32
          %dma_start3A_42 = arith.constant 0 : i32
          %dma_start3A_43 = tpu.memref_slice %arg13[%dma_start3A_41, %dma_start3A_42] : memref<10112x128xf32, #tpu.memory_space<vmem_shared>> -> memref<10112x128xf32, #tpu.memory_space<vmem_shared>>
          tpu.enqueue_indirect_dma source(%arg12 : memref<128x128xf32, #tpu.memory_space<vmem>>) target(%dma_start3A_43 : memref<10112x128xf32, #tpu.memory_space<vmem_shared>>) offsets(%dma_start3A_40 : memref<128xi32, #tpu.memory_space<vmem>>) semaphore(%run_scoped3A : memref<!tpu.dma_semaphore, #tpu.memory_space<semaphore_mem>>) {add = true}
          %dma_wait3A = arith.constant 0 : i32
          %dma_wait3A_44 = tpu.memref_slice %arg11[%scan3A_38, %dma_wait3A] : memref<56x128xi32, #tpu.memory_space<vmem>> -> memref<1x128xi32, #tpu.memory_space<vmem>>
          %dma_wait3A_45 = tpu.memref_squeeze %dma_wait3A_44 : memref<1x128xi32, #tpu.memory_space<vmem>> -> memref<128xi32, #tpu.memory_space<vmem>>
          %dma_wait3A_46 = arith.constant 0 : i32
          %dma_wait3A_47 = arith.constant 0 : i32
          %dma_wait3A_48 = tpu.memref_slice %arg13[%dma_wait3A_46, %dma_wait3A_47] : memref<10112x128xf32, #tpu.memory_space<vmem_shared>> -> memref<10112x128xf32, #tpu.memory_space<vmem_shared>>
          tpu.wait_indirect_dma semaphore(%run_scoped3A : memref<!tpu.dma_semaphore, #tpu.memory_space<semaphore_mem>>) src(%arg12 : memref<128x128xf32, #tpu.memory_space<vmem>>) dst(%dma_wait3A_48 : memref<10112x128xf32, #tpu.memory_space<vmem_shared>>)
          tpu.yield
        }) : () -> ()
      }
      %scan3A_31 = arith.constant 24 : i32
      "tpu.region"() ({
        %run_scoped3A = tpu.sem_alloc : memref<!tpu.dma_semaphore, #tpu.memory_space<semaphore_mem>>
        %dma_start3A = arith.constant 0 : i32
        %dma_start3A_38 = arith.constant 0 : i32
        %dma_start3A_39 = tpu.memref_slice %arg10[%dma_start3A, %dma_start3A_38] : memref<56x128xi32, #tpu.memory_space<vmem>> -> memref<24x128xi32, #tpu.memory_space<vmem>>
        %dma_start3A_40 = arith.constant 24 : i32
        %dma_start3A_41 = arith.constant 0 : i32
        %dma_start3A_42 = tpu.memref_slice %arg3[%add3A, %dma_start3A_40, %dma_start3A_41] : memref<32x112x128xi32, #tpu.memory_space<hbm>> -> memref<1x24x128xi32, #tpu.memory_space<hbm>>
        %dma_start3A_43 = tpu.memref_squeeze %dma_start3A_42 : memref<1x24x128xi32, #tpu.memory_space<hbm>> -> memref<24x128xi32, #tpu.memory_space<hbm>>
        %dma_start3A_44 = arith.constant 0 : i32
        %dma_start3A_45 = arith.constant 0 : i32
        %dma_start3A_46 = tpu.memref_slice %arg10[%dma_start3A_44, %dma_start3A_45] : memref<56x128xi32, #tpu.memory_space<vmem>> -> memref<24x128xi32, #tpu.memory_space<vmem>>
        %dma_start3A_47 = arith.constant 24 : i32
        %dma_start3A_48 = arith.constant 0 : i32
        %dma_start3A_49 = tpu.memref_slice %arg3[%add3A, %dma_start3A_47, %dma_start3A_48] : memref<32x112x128xi32, #tpu.memory_space<hbm>> -> memref<1x24x128xi32, #tpu.memory_space<hbm>>
        %dma_start3A_50 = tpu.memref_squeeze %dma_start3A_49 : memref<1x24x128xi32, #tpu.memory_space<hbm>> -> memref<24x128xi32, #tpu.memory_space<hbm>>
        tpu.enqueue_dma source(%dma_start3A_50 : memref<24x128xi32, #tpu.memory_space<hbm>>) target(%dma_start3A_46 : memref<24x128xi32, #tpu.memory_space<vmem>>) target_semaphore(%run_scoped3A : memref<!tpu.dma_semaphore, #tpu.memory_space<semaphore_mem>>)
        %dma_wait3A = arith.constant 0 : i32
        %dma_wait3A_51 = arith.constant 0 : i32
        %dma_wait3A_52 = tpu.memref_slice %arg10[%dma_wait3A, %dma_wait3A_51] : memref<56x128xi32, #tpu.memory_space<vmem>> -> memref<24x128xi32, #tpu.memory_space<vmem>>
        %dma_wait3A_53 = arith.constant 24 : i32
        %dma_wait3A_54 = arith.constant 0 : i32
        %dma_wait3A_55 = tpu.memref_slice %arg3[%add3A, %dma_wait3A_53, %dma_wait3A_54] : memref<32x112x128xi32, #tpu.memory_space<hbm>> -> memref<1x24x128xi32, #tpu.memory_space<hbm>>
        %dma_wait3A_56 = tpu.memref_squeeze %dma_wait3A_55 : memref<1x24x128xi32, #tpu.memory_space<hbm>> -> memref<24x128xi32, #tpu.memory_space<hbm>>
        %dma_wait3A_57 = arith.constant 0 : i32
        %dma_wait3A_58 = arith.constant 0 : i32
        %dma_wait3A_59 = tpu.memref_slice %arg10[%dma_wait3A_57, %dma_wait3A_58] : memref<56x128xi32, #tpu.memory_space<vmem>> -> memref<24x128xi32, #tpu.memory_space<vmem>>
        %dma_wait3A_60 = arith.constant 24 : i32
        %dma_wait3A_61 = arith.constant 0 : i32
        %dma_wait3A_62 = tpu.memref_slice %arg3[%add3A, %dma_wait3A_60, %dma_wait3A_61] : memref<32x112x128xi32, #tpu.memory_space<hbm>> -> memref<1x24x128xi32, #tpu.memory_space<hbm>>
        %dma_wait3A_63 = tpu.memref_squeeze %dma_wait3A_62 : memref<1x24x128xi32, #tpu.memory_space<hbm>> -> memref<24x128xi32, #tpu.memory_space<hbm>>
        tpu.wait_dma2 semaphore(%run_scoped3A : memref<!tpu.dma_semaphore, #tpu.memory_space<semaphore_mem>>) src(%dma_wait3A_63 : memref<24x128xi32, #tpu.memory_space<hbm>>) dst(%dma_wait3A_59 : memref<24x128xi32, #tpu.memory_space<vmem>>)
        tpu.yield
      }) : () -> ()
      "tpu.region"() ({
        %run_scoped3A = tpu.sem_alloc : memref<!tpu.dma_semaphore, #tpu.memory_space<semaphore_mem>>
        %dma_start3A = arith.constant 0 : i32
        %dma_start3A_38 = arith.constant 0 : i32
        %dma_start3A_39 = tpu.memref_slice %arg11[%dma_start3A, %dma_start3A_38] : memref<56x128xi32, #tpu.memory_space<vmem>> -> memref<24x128xi32, #tpu.memory_space<vmem>>
        %dma_start3A_40 = arith.constant 24 : i32
        %dma_start3A_41 = arith.constant 0 : i32
        %dma_start3A_42 = tpu.memref_slice %arg4[%add3A, %dma_start3A_40, %dma_start3A_41] : memref<32x112x128xi32, #tpu.memory_space<hbm>> -> memref<1x24x128xi32, #tpu.memory_space<hbm>>
        %dma_start3A_43 = tpu.memref_squeeze %dma_start3A_42 : memref<1x24x128xi32, #tpu.memory_space<hbm>> -> memref<24x128xi32, #tpu.memory_space<hbm>>
        %dma_start3A_44 = arith.constant 0 : i32
        %dma_start3A_45 = arith.constant 0 : i32
        %dma_start3A_46 = tpu.memref_slice %arg11[%dma_start3A_44, %dma_start3A_45] : memref<56x128xi32, #tpu.memory_space<vmem>> -> memref<24x128xi32, #tpu.memory_space<vmem>>
        %dma_start3A_47 = arith.constant 24 : i32
        %dma_start3A_48 = arith.constant 0 : i32
        %dma_start3A_49 = tpu.memref_slice %arg4[%add3A, %dma_start3A_47, %dma_start3A_48] : memref<32x112x128xi32, #tpu.memory_space<hbm>> -> memref<1x24x128xi32, #tpu.memory_space<hbm>>
        %dma_start3A_50 = tpu.memref_squeeze %dma_start3A_49 : memref<1x24x128xi32, #tpu.memory_space<hbm>> -> memref<24x128xi32, #tpu.memory_space<hbm>>
        tpu.enqueue_dma source(%dma_start3A_50 : memref<24x128xi32, #tpu.memory_space<hbm>>) target(%dma_start3A_46 : memref<24x128xi32, #tpu.memory_space<vmem>>) target_semaphore(%run_scoped3A : memref<!tpu.dma_semaphore, #tpu.memory_space<semaphore_mem>>)
        %dma_wait3A = arith.constant 0 : i32
        %dma_wait3A_51 = arith.constant 0 : i32
        %dma_wait3A_52 = tpu.memref_slice %arg11[%dma_wait3A, %dma_wait3A_51] : memref<56x128xi32, #tpu.memory_space<vmem>> -> memref<24x128xi32, #tpu.memory_space<vmem>>
        %dma_wait3A_53 = arith.constant 24 : i32
        %dma_wait3A_54 = arith.constant 0 : i32
        %dma_wait3A_55 = tpu.memref_slice %arg4[%add3A, %dma_wait3A_53, %dma_wait3A_54] : memref<32x112x128xi32, #tpu.memory_space<hbm>> -> memref<1x24x128xi32, #tpu.memory_space<hbm>>
        %dma_wait3A_56 = tpu.memref_squeeze %dma_wait3A_55 : memref<1x24x128xi32, #tpu.memory_space<hbm>> -> memref<24x128xi32, #tpu.memory_space<hbm>>
        %dma_wait3A_57 = arith.constant 0 : i32
        %dma_wait3A_58 = arith.constant 0 : i32
        %dma_wait3A_59 = tpu.memref_slice %arg11[%dma_wait3A_57, %dma_wait3A_58] : memref<56x128xi32, #tpu.memory_space<vmem>> -> memref<24x128xi32, #tpu.memory_space<vmem>>
        %dma_wait3A_60 = arith.constant 24 : i32
        %dma_wait3A_61 = arith.constant 0 : i32
        %dma_wait3A_62 = tpu.memref_slice %arg4[%add3A, %dma_wait3A_60, %dma_wait3A_61] : memref<32x112x128xi32, #tpu.memory_space<hbm>> -> memref<1x24x128xi32, #tpu.memory_space<hbm>>
        %dma_wait3A_63 = tpu.memref_squeeze %dma_wait3A_62 : memref<1x24x128xi32, #tpu.memory_space<hbm>> -> memref<24x128xi32, #tpu.memory_space<hbm>>
        tpu.wait_dma2 semaphore(%run_scoped3A : memref<!tpu.dma_semaphore, #tpu.memory_space<semaphore_mem>>) src(%dma_wait3A_63 : memref<24x128xi32, #tpu.memory_space<hbm>>) dst(%dma_wait3A_59 : memref<24x128xi32, #tpu.memory_space<vmem>>)
        tpu.yield
      }) : () -> ()
      %scan3A_32 = arith.constant 0 : i32
      %scan3A_33 = arith.constant 0 : i32
      %scan3A_34 = arith.constant 24 : i32
      %scan3A_35 = arith.addi %scan3A_33, %scan3A_34 : i32
      %scan3A_36 = arith.constant 1 : i32
      scf.for %scan3A_38 = %scan3A_33 to %scan3A_35 step %scan3A_36  : i32 {
        "tpu.region"() ({
          %run_scoped3A = tpu.sem_alloc : memref<!tpu.dma_semaphore, #tpu.memory_space<semaphore_mem>>
          %dma_start3A = arith.constant 0 : i32
          %dma_start3A_39 = tpu.memref_slice %arg10[%scan3A_38, %dma_start3A] : memref<56x128xi32, #tpu.memory_space<vmem>> -> memref<1x128xi32, #tpu.memory_space<vmem>>
          %dma_start3A_40 = tpu.memref_squeeze %dma_start3A_39 : memref<1x128xi32, #tpu.memory_space<vmem>> -> memref<128xi32, #tpu.memory_space<vmem>>
          %dma_start3A_41 = arith.constant 0 : i32
          %dma_start3A_42 = arith.constant 0 : i32
          %dma_start3A_43 = tpu.memref_slice %arg2[%dma_start3A_41, %dma_start3A_42] : memref<10112x128xf32, #tpu.memory_space<hbm>> -> memref<10112x128xf32, #tpu.memory_space<hbm>>
          tpu.enqueue_indirect_dma source(%dma_start3A_43 : memref<10112x128xf32, #tpu.memory_space<hbm>>) target(%arg12 : memref<128x128xf32, #tpu.memory_space<vmem>>) offsets(%dma_start3A_40 : memref<128xi32, #tpu.memory_space<vmem>>) semaphore(%run_scoped3A : memref<!tpu.dma_semaphore, #tpu.memory_space<semaphore_mem>>)
          %dma_wait3A = arith.constant 0 : i32
          %dma_wait3A_44 = tpu.memref_slice %arg10[%scan3A_38, %dma_wait3A] : memref<56x128xi32, #tpu.memory_space<vmem>> -> memref<1x128xi32, #tpu.memory_space<vmem>>
          %dma_wait3A_45 = tpu.memref_squeeze %dma_wait3A_44 : memref<1x128xi32, #tpu.memory_space<vmem>> -> memref<128xi32, #tpu.memory_space<vmem>>
          %dma_wait3A_46 = arith.constant 0 : i32
          %dma_wait3A_47 = arith.constant 0 : i32
          %dma_wait3A_48 = tpu.memref_slice %arg2[%dma_wait3A_46, %dma_wait3A_47] : memref<10112x128xf32, #tpu.memory_space<hbm>> -> memref<10112x128xf32, #tpu.memory_space<hbm>>
          tpu.wait_indirect_dma semaphore(%run_scoped3A : memref<!tpu.dma_semaphore, #tpu.memory_space<semaphore_mem>>) src(%dma_wait3A_48 : memref<10112x128xf32, #tpu.memory_space<hbm>>) dst(%arg12 : memref<128x128xf32, #tpu.memory_space<vmem>>)
          tpu.yield
        }) : () -> ()
        "tpu.region"() ({
          %run_scoped3A = tpu.sem_alloc : memref<!tpu.dma_semaphore, #tpu.memory_space<semaphore_mem>>
          %dma_start3A = arith.constant 0 : i32
          %dma_start3A_39 = tpu.memref_slice %arg11[%scan3A_38, %dma_start3A] : memref<56x128xi32, #tpu.memory_space<vmem>> -> memref<1x128xi32, #tpu.memory_space<vmem>>
          %dma_start3A_40 = tpu.memref_squeeze %dma_start3A_39 : memref<1x128xi32, #tpu.memory_space<vmem>> -> memref<128xi32, #tpu.memory_space<vmem>>
          %dma_start3A_41 = arith.constant 0 : i32
          %dma_start3A_42 = arith.constant 0 : i32
          %dma_start3A_43 = tpu.memref_slice %arg13[%dma_start3A_41, %dma_start3A_42] : memref<10112x128xf32, #tpu.memory_space<vmem_shared>> -> memref<10112x128xf32, #tpu.memory_space<vmem_shared>>
          tpu.enqueue_indirect_dma source(%arg12 : memref<128x128xf32, #tpu.memory_space<vmem>>) target(%dma_start3A_43 : memref<10112x128xf32, #tpu.memory_space<vmem_shared>>) offsets(%dma_start3A_40 : memref<128xi32, #tpu.memory_space<vmem>>) semaphore(%run_scoped3A : memref<!tpu.dma_semaphore, #tpu.memory_space<semaphore_mem>>) {add = true}
          %dma_wait3A = arith.constant 0 : i32
          %dma_wait3A_44 = tpu.memref_slice %arg11[%scan3A_38, %dma_wait3A] : memref<56x128xi32, #tpu.memory_space<vmem>> -> memref<1x128xi32, #tpu.memory_space<vmem>>
          %dma_wait3A_45 = tpu.memref_squeeze %dma_wait3A_44 : memref<1x128xi32, #tpu.memory_space<vmem>> -> memref<128xi32, #tpu.memory_space<vmem>>
          %dma_wait3A_46 = arith.constant 0 : i32
          %dma_wait3A_47 = arith.constant 0 : i32
          %dma_wait3A_48 = tpu.memref_slice %arg13[%dma_wait3A_46, %dma_wait3A_47] : memref<10112x128xf32, #tpu.memory_space<vmem_shared>> -> memref<10112x128xf32, #tpu.memory_space<vmem_shared>>
          tpu.wait_indirect_dma semaphore(%run_scoped3A : memref<!tpu.dma_semaphore, #tpu.memory_space<semaphore_mem>>) src(%arg12 : memref<128x128xf32, #tpu.memory_space<vmem>>) dst(%dma_wait3A_48 : memref<10112x128xf32, #tpu.memory_space<vmem_shared>>)
          tpu.yield
        }) : () -> ()
      }
      %scan3A_37 = arith.constant 24 : i32
    } else {
    }
    %barrier3A_19 = arith.constant 0 : index
    tpu.barrier barrier_id(%barrier3A_19)
    %mul3A_20 = arith.constant 64 : i32
    %mul3A_21 = arith.muli %arg1, %mul3A_20 : i32
    "tpu.region"() ({
      %run_scoped3A = tpu.sem_alloc : memref<!tpu.dma_semaphore, #tpu.memory_space<semaphore_mem>>
      %dma_start3A = tpu.memref_slice %arg6[%mul3A_21] : memref<1024xi32, #tpu.memory_space<hbm>> -> memref<64xi32, #tpu.memory_space<hbm>>
      %dma_start3A_27 = tpu.memref_slice %arg6[%mul3A_21] : memref<1024xi32, #tpu.memory_space<hbm>> -> memref<64xi32, #tpu.memory_space<hbm>>
      tpu.enqueue_dma source(%dma_start3A_27 : memref<64xi32, #tpu.memory_space<hbm>>) target(%arg14 : memref<64xi32, #tpu.memory_space<vmem>>) target_semaphore(%run_scoped3A : memref<!tpu.dma_semaphore, #tpu.memory_space<semaphore_mem>>)
      %dma_wait3A = tpu.memref_slice %arg6[%mul3A_21] : memref<1024xi32, #tpu.memory_space<hbm>> -> memref<64xi32, #tpu.memory_space<hbm>>
      %dma_wait3A_28 = tpu.memref_slice %arg6[%mul3A_21] : memref<1024xi32, #tpu.memory_space<hbm>> -> memref<64xi32, #tpu.memory_space<hbm>>
      tpu.wait_dma2 semaphore(%run_scoped3A : memref<!tpu.dma_semaphore, #tpu.memory_space<semaphore_mem>>) src(%dma_wait3A_28 : memref<64xi32, #tpu.memory_space<hbm>>) dst(%arg14 : memref<64xi32, #tpu.memory_space<vmem>>)
      tpu.yield
    }) : () -> ()
    "tpu.region"() ({
      %run_scoped3A = tpu.sem_alloc : memref<!tpu.dma_semaphore, #tpu.memory_space<semaphore_mem>>
      %dma_start3A = arith.constant 0 : i32
      %dma_start3A_27 = arith.constant 0 : i32
      %dma_start3A_28 = tpu.memref_slice %arg12[%dma_start3A, %dma_start3A_27] : memref<128x128xf32, #tpu.memory_space<vmem>> -> memref<64x128xf32, #tpu.memory_space<vmem>>
      %dma_start3A_29 = arith.constant 0 : i32
      %dma_start3A_30 = arith.constant 0 : i32
      %dma_start3A_31 = tpu.memref_slice %arg13[%dma_start3A_29, %dma_start3A_30] : memref<10112x128xf32, #tpu.memory_space<vmem_shared>> -> memref<10112x128xf32, #tpu.memory_space<vmem_shared>>
      tpu.enqueue_indirect_dma source(%dma_start3A_31 : memref<10112x128xf32, #tpu.memory_space<vmem_shared>>) target(%dma_start3A_28 : memref<64x128xf32, #tpu.memory_space<vmem>>) offsets(%arg14 : memref<64xi32, #tpu.memory_space<vmem>>) semaphore(%run_scoped3A : memref<!tpu.dma_semaphore, #tpu.memory_space<semaphore_mem>>)
      %dma_wait3A = arith.constant 0 : i32
      %dma_wait3A_32 = arith.constant 0 : i32
      %dma_wait3A_33 = tpu.memref_slice %arg12[%dma_wait3A, %dma_wait3A_32] : memref<128x128xf32, #tpu.memory_space<vmem>> -> memref<64x128xf32, #tpu.memory_space<vmem>>
      %dma_wait3A_34 = arith.constant 0 : i32
      %dma_wait3A_35 = arith.constant 0 : i32
      %dma_wait3A_36 = tpu.memref_slice %arg13[%dma_wait3A_34, %dma_wait3A_35] : memref<10112x128xf32, #tpu.memory_space<vmem_shared>> -> memref<10112x128xf32, #tpu.memory_space<vmem_shared>>
      tpu.wait_indirect_dma semaphore(%run_scoped3A : memref<!tpu.dma_semaphore, #tpu.memory_space<semaphore_mem>>) src(%dma_wait3A_36 : memref<10112x128xf32, #tpu.memory_space<vmem_shared>>) dst(%dma_wait3A_33 : memref<64x128xf32, #tpu.memory_space<vmem>>)
      tpu.yield
    }) : () -> ()
    "tpu.region"() ({
      %run_scoped3A = tpu.sem_alloc : memref<!tpu.dma_semaphore, #tpu.memory_space<semaphore_mem>>
      %dma_start3A = arith.constant 0 : i32
      %dma_start3A_27 = arith.constant 0 : i32
      %dma_start3A_28 = tpu.memref_slice %arg12[%dma_start3A, %dma_start3A_27] : memref<128x128xf32, #tpu.memory_space<vmem>> -> memref<64x128xf32, #tpu.memory_space<vmem>>
      %dma_start3A_29 = arith.constant 0 : i32
      %dma_start3A_30 = tpu.memref_slice %arg8[%arg0, %mul3A_21, %dma_start3A_29] : memref<2x1024x128xf32, #tpu.memory_space<hbm>> -> memref<1x64x128xf32, #tpu.memory_space<hbm>>
      %dma_start3A_31 = tpu.memref_squeeze %dma_start3A_30 : memref<1x64x128xf32, #tpu.memory_space<hbm>> -> memref<64x128xf32, #tpu.memory_space<hbm>>
      %dma_start3A_32 = arith.constant 0 : i32
      %dma_start3A_33 = tpu.memref_slice %arg8[%arg0, %mul3A_21, %dma_start3A_32] : memref<2x1024x128xf32, #tpu.memory_space<hbm>> -> memref<1x64x128xf32, #tpu.memory_space<hbm>>
      %dma_start3A_34 = tpu.memref_squeeze %dma_start3A_33 : memref<1x64x128xf32, #tpu.memory_space<hbm>> -> memref<64x128xf32, #tpu.memory_space<hbm>>
      %dma_start3A_35 = arith.constant 0 : i32
      %dma_start3A_36 = arith.constant 0 : i32
      %dma_start3A_37 = tpu.memref_slice %arg12[%dma_start3A_35, %dma_start3A_36] : memref<128x128xf32, #tpu.memory_space<vmem>> -> memref<64x128xf32, #tpu.memory_space<vmem>>
      tpu.enqueue_dma source(%dma_start3A_37 : memref<64x128xf32, #tpu.memory_space<vmem>>) target(%dma_start3A_34 : memref<64x128xf32, #tpu.memory_space<hbm>>) target_semaphore(%run_scoped3A : memref<!tpu.dma_semaphore, #tpu.memory_space<semaphore_mem>>)
      %dma_wait3A = arith.constant 0 : i32
      %dma_wait3A_38 = arith.constant 0 : i32
      %dma_wait3A_39 = tpu.memref_slice %arg12[%dma_wait3A, %dma_wait3A_38] : memref<128x128xf32, #tpu.memory_space<vmem>> -> memref<64x128xf32, #tpu.memory_space<vmem>>
      %dma_wait3A_40 = arith.constant 0 : i32
      %dma_wait3A_41 = tpu.memref_slice %arg8[%arg0, %mul3A_21, %dma_wait3A_40] : memref<2x1024x128xf32, #tpu.memory_space<hbm>> -> memref<1x64x128xf32, #tpu.memory_space<hbm>>
      %dma_wait3A_42 = tpu.memref_squeeze %dma_wait3A_41 : memref<1x64x128xf32, #tpu.memory_space<hbm>> -> memref<64x128xf32, #tpu.memory_space<hbm>>
      %dma_wait3A_43 = arith.constant 0 : i32
      %dma_wait3A_44 = tpu.memref_slice %arg8[%arg0, %mul3A_21, %dma_wait3A_43] : memref<2x1024x128xf32, #tpu.memory_space<hbm>> -> memref<1x64x128xf32, #tpu.memory_space<hbm>>
      %dma_wait3A_45 = tpu.memref_squeeze %dma_wait3A_44 : memref<1x64x128xf32, #tpu.memory_space<hbm>> -> memref<64x128xf32, #tpu.memory_space<hbm>>
      %dma_wait3A_46 = arith.constant 0 : i32
      %dma_wait3A_47 = arith.constant 0 : i32
      %dma_wait3A_48 = tpu.memref_slice %arg12[%dma_wait3A_46, %dma_wait3A_47] : memref<128x128xf32, #tpu.memory_space<vmem>> -> memref<64x128xf32, #tpu.memory_space<vmem>>
      tpu.wait_dma2 semaphore(%run_scoped3A : memref<!tpu.dma_semaphore, #tpu.memory_space<semaphore_mem>>) src(%dma_wait3A_48 : memref<64x128xf32, #tpu.memory_space<vmem>>) dst(%dma_wait3A_45 : memref<64x128xf32, #tpu.memory_space<hbm>>)
      tpu.yield
    }) : () -> ()
    %eq3A_22 = arith.constant 0 : i32
    %eq3A_23 = arith.cmpi eq, %arg0, %eq3A_22 : i32
    %convert_element_type3A_24 = arith.extui %eq3A_23 : i1 to i32
    %cond3A_25 = arith.constant 0 : i32
    %cond3A_26 = arith.cmpi ne, %convert_element_type3A_24, %cond3A_25 : i32
    scf.if %cond3A_26 {
      "tpu.region"() ({
        %run_scoped3A = tpu.sem_alloc : memref<!tpu.dma_semaphore, #tpu.memory_space<semaphore_mem>>
        %dma_start3A = arith.constant 0 : i32
        %dma_start3A_27 = arith.constant 0 : i32
        %dma_start3A_28 = tpu.memref_slice %arg12[%dma_start3A, %dma_start3A_27] : memref<128x128xf32, #tpu.memory_space<vmem>> -> memref<64x128xf32, #tpu.memory_space<vmem>>
        %dma_start3A_29 = arith.constant 0 : i32
        %dma_start3A_30 = arith.constant 0 : i32
        %dma_start3A_31 = tpu.memref_slice %arg7[%dma_start3A_29, %dma_start3A_30] : memref<10240x128xf32, #tpu.memory_space<hbm>> -> memref<10240x128xf32, #tpu.memory_space<hbm>>
        tpu.enqueue_indirect_dma source(%dma_start3A_31 : memref<10240x128xf32, #tpu.memory_space<hbm>>) target(%dma_start3A_28 : memref<64x128xf32, #tpu.memory_space<vmem>>) offsets(%arg14 : memref<64xi32, #tpu.memory_space<vmem>>) semaphore(%run_scoped3A : memref<!tpu.dma_semaphore, #tpu.memory_space<semaphore_mem>>)
        %dma_wait3A = arith.constant 0 : i32
        %dma_wait3A_32 = arith.constant 0 : i32
        %dma_wait3A_33 = tpu.memref_slice %arg12[%dma_wait3A, %dma_wait3A_32] : memref<128x128xf32, #tpu.memory_space<vmem>> -> memref<64x128xf32, #tpu.memory_space<vmem>>
        %dma_wait3A_34 = arith.constant 0 : i32
        %dma_wait3A_35 = arith.constant 0 : i32
        %dma_wait3A_36 = tpu.memref_slice %arg7[%dma_wait3A_34, %dma_wait3A_35] : memref<10240x128xf32, #tpu.memory_space<hbm>> -> memref<10240x128xf32, #tpu.memory_space<hbm>>
        tpu.wait_indirect_dma semaphore(%run_scoped3A : memref<!tpu.dma_semaphore, #tpu.memory_space<semaphore_mem>>) src(%dma_wait3A_36 : memref<10240x128xf32, #tpu.memory_space<hbm>>) dst(%dma_wait3A_33 : memref<64x128xf32, #tpu.memory_space<vmem>>)
        tpu.yield
      }) : () -> ()
      "tpu.region"() ({
        %run_scoped3A = tpu.sem_alloc : memref<!tpu.dma_semaphore, #tpu.memory_space<semaphore_mem>>
        %dma_start3A = arith.constant 0 : i32
        %dma_start3A_27 = arith.constant 0 : i32
        %dma_start3A_28 = tpu.memref_slice %arg12[%dma_start3A, %dma_start3A_27] : memref<128x128xf32, #tpu.memory_space<vmem>> -> memref<64x128xf32, #tpu.memory_space<vmem>>
        %dma_start3A_29 = arith.constant 0 : i32
        %dma_start3A_30 = tpu.memref_slice %arg9[%mul3A_21, %dma_start3A_29] : memref<1024x128xf32, #tpu.memory_space<hbm>> -> memref<64x128xf32, #tpu.memory_space<hbm>>
        %dma_start3A_31 = arith.constant 0 : i32
        %dma_start3A_32 = tpu.memref_slice %arg9[%mul3A_21, %dma_start3A_31] : memref<1024x128xf32, #tpu.memory_space<hbm>> -> memref<64x128xf32, #tpu.memory_space<hbm>>
        %dma_start3A_33 = arith.constant 0 : i32
        %dma_start3A_34 = arith.constant 0 : i32
        %dma_start3A_35 = tpu.memref_slice %arg12[%dma_start3A_33, %dma_start3A_34] : memref<128x128xf32, #tpu.memory_space<vmem>> -> memref<64x128xf32, #tpu.memory_space<vmem>>
        tpu.enqueue_dma source(%dma_start3A_35 : memref<64x128xf32, #tpu.memory_space<vmem>>) target(%dma_start3A_32 : memref<64x128xf32, #tpu.memory_space<hbm>>) target_semaphore(%run_scoped3A : memref<!tpu.dma_semaphore, #tpu.memory_space<semaphore_mem>>)
        %dma_wait3A = arith.constant 0 : i32
        %dma_wait3A_36 = arith.constant 0 : i32
        %dma_wait3A_37 = tpu.memref_slice %arg12[%dma_wait3A, %dma_wait3A_36] : memref<128x128xf32, #tpu.memory_space<vmem>> -> memref<64x128xf32, #tpu.memory_space<vmem>>
        %dma_wait3A_38 = arith.constant 0 : i32
        %dma_wait3A_39 = tpu.memref_slice %arg9[%mul3A_21, %dma_wait3A_38] : memref<1024x128xf32, #tpu.memory_space<hbm>> -> memref<64x128xf32, #tpu.memory_space<hbm>>
        %dma_wait3A_40 = arith.constant 0 : i32
        %dma_wait3A_41 = tpu.memref_slice %arg9[%mul3A_21, %dma_wait3A_40] : memref<1024x128xf32, #tpu.memory_space<hbm>> -> memref<64x128xf32, #tpu.memory_space<hbm>>
        %dma_wait3A_42 = arith.constant 0 : i32
        %dma_wait3A_43 = arith.constant 0 : i32
        %dma_wait3A_44 = tpu.memref_slice %arg12[%dma_wait3A_42, %dma_wait3A_43] : memref<128x128xf32, #tpu.memory_space<vmem>> -> memref<64x128xf32, #tpu.memory_space<vmem>>
        tpu.wait_dma2 semaphore(%run_scoped3A : memref<!tpu.dma_semaphore, #tpu.memory_space<semaphore_mem>>) src(%dma_wait3A_44 : memref<64x128xf32, #tpu.memory_space<vmem>>) dst(%dma_wait3A_41 : memref<64x128xf32, #tpu.memory_space<hbm>>)
        tpu.yield
      }) : () -> ()
    } else {
    }
    return
  }
}

module attributes {stable_mosaic.version = 14 : i64} {
  func.func @_tc_scale_body(%arg0: i32, %arg1: memref<128x128xf32, #tpu.memory_space<vmem>>, %arg2: memref<2x128x128xf32, #tpu.memory_space<vmem>>, %arg3: memref<128x128xf32, #tpu.memory_space<vmem>>, %arg4: memref<128x8xf32, #tpu.memory_space<vmem>>, %arg5: memref<128x128xf32, #tpu.memory_space<vmem>>) attributes {dimension_semantics = [#tpu.dimension_semantics<arbitrary>], iteration_bounds = array<i64: 80>, scalar_prefetch = 0 : i64, scratch_operands = 0 : i64, tpu.core_type = #tpu.core_type<tc>, window_params = [{transform_indices = @transform_0, window_bounds = array<i64: 128, 128>}, {transform_indices = @transform_1, window_bounds = array<i64: 2, 128, 128>}, {transform_indices = @transform_2, window_bounds = array<i64: 128, 128>}, {transform_indices = @transform_3, window_bounds = array<i64: 128, 8>}, {transform_indices = @transform_4, window_bounds = array<i64: 128, 128>}]} {
    %get3A = arith.constant 0 : index
    %get3A_0 = arith.constant 0 : index
    %get3A_1 = arith.constant 0 : index
    %get3A_2 = vector.load %arg2[%get3A, %get3A_0, %get3A_1] : memref<2x128x128xf32, #tpu.memory_space<vmem>>, vector<1x128x8xf32>
    %get3A_3 = vector.shape_cast %get3A_2 : vector<1x128x8xf32> to vector<128x8xf32>
    %get3A_4 = arith.constant 1 : index
    %get3A_5 = arith.constant 0 : index
    %get3A_6 = arith.constant 0 : index
    %get3A_7 = vector.load %arg2[%get3A_4, %get3A_5, %get3A_6] : memref<2x128x128xf32, #tpu.memory_space<vmem>>, vector<1x128x8xf32>
    %get3A_8 = vector.shape_cast %get3A_7 : vector<1x128x8xf32> to vector<128x8xf32>
    %add3A = arith.addf %get3A_3, %get3A_8 : vector<128x8xf32>
    %add3A_9 = arith.constant 1.000000e+00 : f32
    %add3A_10 = vector.broadcast %add3A_9 : f32 to vector<128x8xf32>
    %add3A_11 = arith.addf %add3A, %add3A_10 : vector<128x8xf32>
    %rsqrt3A = math.rsqrt %add3A_11 : vector<128x8xf32>
    %swap3A = arith.constant 0 : index
    %swap3A_12 = arith.constant 0 : index
    %swap3A_13 = vector.load %arg4[%swap3A, %swap3A_12] : memref<128x8xf32, #tpu.memory_space<vmem>>, vector<128x8xf32>
    tpu.vector_store %arg4[%swap3A, %swap3A_12], %rsqrt3A {strides = array<i32>} : memref<128x8xf32, #tpu.memory_space<vmem>>, vector<128x8xf32>,
    %slice3A = vector.extract_strided_slice %rsqrt3A {offsets = [0, 0], sizes = [128, 1], strides = [1, 1]} : vector<128x8xf32> to vector<128x1xf32>
    %broadcast_in_dim3A = vector.shape_cast %slice3A : vector<128x1xf32> to vector<128x1xf32>
    %broadcast_in_dim3A_14 = vector.broadcast %broadcast_in_dim3A : vector<128x1xf32> to vector<128x128xf32>
    %swap3A_15 = arith.constant 0 : index
    %swap3A_16 = arith.constant 0 : index
    %swap3A_17 = vector.load %arg5[%swap3A_15, %swap3A_16] : memref<128x128xf32, #tpu.memory_space<vmem>>, vector<128x128xf32>
    tpu.vector_store %arg5[%swap3A_15, %swap3A_16], %broadcast_in_dim3A_14 {strides = array<i32>} : memref<128x128xf32, #tpu.memory_space<vmem>>, vector<128x128xf32>,
    %get3A_18 = arith.constant 0 : index
    %get3A_19 = arith.constant 0 : index
    %get3A_20 = vector.load %arg1[%get3A_18, %get3A_19] : memref<128x128xf32, #tpu.memory_space<vmem>>, vector<128x128xf32>
    %slice3A_21 = vector.extract_strided_slice %rsqrt3A {offsets = [0, 0], sizes = [128, 1], strides = [1, 1]} : vector<128x8xf32> to vector<128x1xf32>
    %mul3A = vector.broadcast %slice3A_21 : vector<128x1xf32> to vector<128x128xf32>
    %mul3A_22 = arith.mulf %get3A_20, %mul3A : vector<128x128xf32>
    %swap3A_23 = arith.constant 0 : index
    %swap3A_24 = arith.constant 0 : index
    %swap3A_25 = vector.load %arg3[%swap3A_23, %swap3A_24] : memref<128x128xf32, #tpu.memory_space<vmem>>, vector<128x128xf32>
    tpu.vector_store %arg3[%swap3A_23, %swap3A_24], %mul3A_22 {strides = array<i32>} : memref<128x128xf32, #tpu.memory_space<vmem>>, vector<128x128xf32>,
    return
  }
  func.func @transform_0(%arg0: i32) -> (i32, i32) {
    %c0_i32 = arith.constant 0 : i32
    %c0_i32_0 = arith.constant 0 : i32
    return %arg0, %c0_i32 : i32, i32
  }
  func.func @transform_1(%arg0: i32) -> (i32, i32, i32) {
    %c0_i32 = arith.constant 0 : i32
    %c0_i32_0 = arith.constant 0 : i32
    %c0_i32_1 = arith.constant 0 : i32
    return %c0_i32, %arg0, %c0_i32_0 : i32, i32, i32
  }
  func.func @transform_2(%arg0: i32) -> (i32, i32) {
    %c0_i32 = arith.constant 0 : i32
    %c0_i32_0 = arith.constant 0 : i32
    return %arg0, %c0_i32 : i32, i32
  }
  func.func @transform_3(%arg0: i32) -> (i32, i32) {
    %c0_i32 = arith.constant 0 : i32
    %c0_i32_0 = arith.constant 0 : i32
    return %arg0, %c0_i32 : i32, i32
  }
  func.func @transform_4(%arg0: i32) -> (i32, i32) {
    %c0_i32 = arith.constant 0 : i32
    %c0_i32_0 = arith.constant 0 : i32
    return %arg0, %c0_i32 : i32, i32
  }
}

module attributes {stable_mosaic.version = 14 : i64} {
  func.func @_tc_mid_body(%arg0: i32, %arg1: memref<2x128x128xf32, #tpu.memory_space<vmem>>, %arg2: memref<128x8xf32, #tpu.memory_space<vmem>>, %arg3: memref<128x128xf32, #tpu.memory_space<vmem>>, %arg4: memref<128xf32, #tpu.memory_space<vmem>>, %arg5: memref<128x128xf32, #tpu.memory_space<vmem>>) attributes {dimension_semantics = [#tpu.dimension_semantics<arbitrary>], iteration_bounds = array<i64: 79>, scalar_prefetch = 0 : i64, scratch_operands = 0 : i64, tpu.core_type = #tpu.core_type<tc>, window_params = [{transform_indices = @transform_0, window_bounds = array<i64: 2, 128, 128>}, {transform_indices = @transform_1, window_bounds = array<i64: 128, 8>}, {pipeline_mode = #tpu.pipeline_mode<synchronous>, transform_indices = @transform_2, window_bounds = array<i64: 128, 128>}, {pipeline_mode = #tpu.pipeline_mode<synchronous>, transform_indices = @transform_3, window_bounds = array<i64: 128>}, {transform_indices = @transform_4, window_bounds = array<i64: 128, 128>}]} {
    %get3A = arith.constant 0 : index
    %get3A_0 = arith.constant 0 : index
    %get3A_1 = vector.load %arg2[%get3A, %get3A_0] : memref<128x8xf32, #tpu.memory_space<vmem>>, vector<128x1xf32>
    %get3A_2 = arith.constant 0 : index
    %get3A_3 = arith.constant 0 : index
    %get3A_4 = arith.constant 0 : index
    %get3A_5 = vector.load %arg1[%get3A_2, %get3A_3, %get3A_4] : memref<2x128x128xf32, #tpu.memory_space<vmem>>, vector<1x128x128xf32>
    %get3A_6 = vector.shape_cast %get3A_5 : vector<1x128x128xf32> to vector<128x128xf32>
    %get3A_7 = arith.constant 1 : index
    %get3A_8 = arith.constant 0 : index
    %get3A_9 = arith.constant 0 : index
    %get3A_10 = vector.load %arg1[%get3A_7, %get3A_8, %get3A_9] : memref<2x128x128xf32, #tpu.memory_space<vmem>>, vector<1x128x128xf32>
    %get3A_11 = vector.shape_cast %get3A_10 : vector<1x128x128xf32> to vector<128x128xf32>
    %add3A = arith.addf %get3A_6, %get3A_11 : vector<128x128xf32>
    %mul3A = vector.broadcast %get3A_1 : vector<128x1xf32> to vector<128x128xf32>
    %mul3A_12 = arith.mulf %add3A, %mul3A : vector<128x128xf32>
    %get3A_13 = arith.constant 0 : index
    %get3A_14 = arith.constant 0 : index
    %get3A_15 = vector.load %arg3[%get3A_13, %get3A_14] : memref<128x128xf32, #tpu.memory_space<vmem>>, vector<128x128xf32>
    %dot_general3A = arith.constant dense<0.000000e+00> : vector<128x128xf32>
    %dot_general3A_16 = tpu.matmul %mul3A_12, %get3A_15, %dot_general3A {dimension_numbers = #tpu.dot_dimension_numbers<[1], [0], [0], [1], [0, 0, 1, 1], [], []>, transpose_lhs_hint = false} : vector<128x128xf32>, vector<128x128xf32>, vector<128x128xf32> -> vector<128x128xf32>
    %get3A_17 = arith.constant 0 : index
    %get3A_18 = vector.load %arg4[%get3A_17] : memref<128xf32, #tpu.memory_space<vmem>>, vector<128xf32>
    %broadcast_in_dim3A = vector.shape_cast %get3A_18 : vector<128xf32> to vector<1x128xf32>
    %add3A_19 = vector.broadcast %broadcast_in_dim3A : vector<1x128xf32> to vector<128x128xf32>
    %add3A_20 = arith.addf %dot_general3A_16, %add3A_19 : vector<128x128xf32>
    %max3A = arith.constant 0.000000e+00 : f32
    %max3A_21 = vector.broadcast %max3A : f32 to vector<128x128xf32>
    %max3A_22 = arith.maximumf %add3A_20, %max3A_21 : vector<128x128xf32>
    %mul3A_23 = vector.broadcast %get3A_1 : vector<128x1xf32> to vector<128x128xf32>
    %mul3A_24 = arith.mulf %max3A_22, %mul3A_23 : vector<128x128xf32>
    %swap3A = arith.constant 0 : index
    %swap3A_25 = arith.constant 0 : index
    %swap3A_26 = vector.load %arg5[%swap3A, %swap3A_25] : memref<128x128xf32, #tpu.memory_space<vmem>>, vector<128x128xf32>
    tpu.vector_store %arg5[%swap3A, %swap3A_25], %mul3A_24 {strides = array<i32>} : memref<128x128xf32, #tpu.memory_space<vmem>>, vector<128x128xf32>,
    return
  }
  func.func @transform_0(%arg0: i32) -> (i32, i32, i32) {
    %c0_i32 = arith.constant 0 : i32
    %c0_i32_0 = arith.constant 0 : i32
    %c0_i32_1 = arith.constant 0 : i32
    return %c0_i32, %arg0, %c0_i32_0 : i32, i32, i32
  }
  func.func @transform_1(%arg0: i32) -> (i32, i32) {
    %c0_i32 = arith.constant 0 : i32
    %c0_i32_0 = arith.constant 0 : i32
    return %arg0, %c0_i32 : i32, i32
  }
  func.func @transform_2(%arg0: i32) -> (i32, i32) {
    %c0_i32 = arith.constant 0 : i32
    %c0_i32_0 = arith.constant 0 : i32
    %c0_i32_1 = arith.constant 0 : i32
    return %c0_i32, %c0_i32_0 : i32, i32
  }
  func.func @transform_3(%arg0: i32) -> i32 {
    %c0_i32 = arith.constant 0 : i32
    %c0_i32_0 = arith.constant 0 : i32
    return %c0_i32 : i32
  }
  func.func @transform_4(%arg0: i32) -> (i32, i32) {
    %c0_i32 = arith.constant 0 : i32
    %c0_i32_0 = arith.constant 0 : i32
    return %arg0, %c0_i32 : i32, i32
  }
}

module attributes {stable_mosaic.version = 14 : i64} {
  func.func @_tc_head_body(%arg0: i32, %arg1: memref<2x128x128xf32, #tpu.memory_space<vmem>>, %arg2: memref<128x128xf32, #tpu.memory_space<vmem>>, %arg3: memref<128x10240xf32, #tpu.memory_space<vmem>>, %arg4: memref<10240xf32, #tpu.memory_space<vmem>>, %arg5: memref<128x10240xf32, #tpu.memory_space<vmem>>) attributes {dimension_semantics = [#tpu.dimension_semantics<arbitrary>], iteration_bounds = array<i64: 8>, scalar_prefetch = 0 : i64, scratch_operands = 0 : i64, tpu.core_type = #tpu.core_type<tc>, window_params = [{transform_indices = @transform_0, window_bounds = array<i64: 2, 128, 128>}, {transform_indices = @transform_1, window_bounds = array<i64: 128, 128>}, {pipeline_mode = #tpu.pipeline_mode<synchronous>, transform_indices = @transform_2, window_bounds = array<i64: 128, 10240>}, {pipeline_mode = #tpu.pipeline_mode<synchronous>, transform_indices = @transform_3, window_bounds = array<i64: 10240>}, {transform_indices = @transform_4, window_bounds = array<i64: 128, 10240>}]} {
    %get3A = arith.constant 0 : index
    %get3A_0 = arith.constant 0 : index
    %get3A_1 = vector.load %arg2[%get3A, %get3A_0] : memref<128x128xf32, #tpu.memory_space<vmem>>, vector<128x1xf32>
    %get3A_2 = arith.constant 0 : index
    %get3A_3 = arith.constant 0 : index
    %get3A_4 = arith.constant 0 : index
    %get3A_5 = vector.load %arg1[%get3A_2, %get3A_3, %get3A_4] : memref<2x128x128xf32, #tpu.memory_space<vmem>>, vector<1x128x128xf32>
    %get3A_6 = vector.shape_cast %get3A_5 : vector<1x128x128xf32> to vector<128x128xf32>
    %get3A_7 = arith.constant 1 : index
    %get3A_8 = arith.constant 0 : index
    %get3A_9 = arith.constant 0 : index
    %get3A_10 = vector.load %arg1[%get3A_7, %get3A_8, %get3A_9] : memref<2x128x128xf32, #tpu.memory_space<vmem>>, vector<1x128x128xf32>
    %get3A_11 = vector.shape_cast %get3A_10 : vector<1x128x128xf32> to vector<128x128xf32>
    %add3A = arith.addf %get3A_6, %get3A_11 : vector<128x128xf32>
    %mul3A = vector.broadcast %get3A_1 : vector<128x1xf32> to vector<128x128xf32>
    %mul3A_12 = arith.mulf %add3A, %mul3A : vector<128x128xf32>
    %get3A_13 = arith.constant 0 : index
    %get3A_14 = arith.constant 0 : index
    %get3A_15 = vector.load %arg3[%get3A_13, %get3A_14] : memref<128x10240xf32, #tpu.memory_space<vmem>>, vector<128x10240xf32>
    %dot_general3A = arith.constant dense<0.000000e+00> : vector<128x10240xf32>
    %dot_general3A_16 = tpu.matmul %mul3A_12, %get3A_15, %dot_general3A {dimension_numbers = #tpu.dot_dimension_numbers<[1], [0], [0], [1], [0, 0, 1, 1], [], []>, transpose_lhs_hint = false} : vector<128x128xf32>, vector<128x10240xf32>, vector<128x10240xf32> -> vector<128x10240xf32>
    %get3A_17 = arith.constant 0 : index
    %get3A_18 = vector.load %arg4[%get3A_17] : memref<10240xf32, #tpu.memory_space<vmem>>, vector<10240xf32>
    %broadcast_in_dim3A = vector.shape_cast %get3A_18 : vector<10240xf32> to vector<1x10240xf32>
    %add3A_19 = vector.broadcast %broadcast_in_dim3A : vector<1x10240xf32> to vector<128x10240xf32>
    %add3A_20 = arith.addf %dot_general3A_16, %add3A_19 : vector<128x10240xf32>
    %reduce_max3A = arith.constant dense<0xFF800000> : vector<128xf32>
    %reduce_max3A_21 = vector.multi_reduction <maximumf>, %add3A_20, %reduce_max3A [1] : vector<128x10240xf32> to vector<128xf32>
    %broadcast_in_dim3A_22 = vector.shape_cast %reduce_max3A_21 : vector<128xf32> to vector<128x1xf32>
    %sub3A = vector.broadcast %broadcast_in_dim3A_22 : vector<128x1xf32> to vector<128x10240xf32>
    %sub3A_23 = arith.subf %add3A_20, %sub3A : vector<128x10240xf32>
    %exp3A = math.exp %sub3A_23 : vector<128x10240xf32>
    %reduce_sum3A = arith.constant dense<0.000000e+00> : vector<128xf32>
    %reduce_sum3A_24 = vector.multi_reduction <add>, %exp3A, %reduce_sum3A [1] : vector<128x10240xf32> to vector<128xf32>
    %broadcast_in_dim3A_25 = vector.shape_cast %reduce_sum3A_24 : vector<128xf32> to vector<128x1xf32>
    %log3A = math.log %broadcast_in_dim3A_25 : vector<128x1xf32>
    %sub3A_26 = vector.broadcast %broadcast_in_dim3A_22 : vector<128x1xf32> to vector<128x10240xf32>
    %sub3A_27 = arith.subf %add3A_20, %sub3A_26 : vector<128x10240xf32>
    %sub3A_28 = vector.broadcast %log3A : vector<128x1xf32> to vector<128x10240xf32>
    %sub3A_29 = arith.subf %sub3A_27, %sub3A_28 : vector<128x10240xf32>
    %swap3A = arith.constant 0 : index
    %swap3A_30 = arith.constant 0 : index
    %swap3A_31 = vector.load %arg5[%swap3A, %swap3A_30] : memref<128x10240xf32, #tpu.memory_space<vmem>>, vector<128x10240xf32>
    tpu.vector_store %arg5[%swap3A, %swap3A_30], %sub3A_29 {strides = array<i32>} : memref<128x10240xf32, #tpu.memory_space<vmem>>, vector<128x10240xf32>,
    return
  }
  func.func @transform_0(%arg0: i32) -> (i32, i32, i32) {
    %c0_i32 = arith.constant 0 : i32
    %c0_i32_0 = arith.constant 0 : i32
    %c0_i32_1 = arith.constant 0 : i32
    return %c0_i32, %arg0, %c0_i32_0 : i32, i32, i32
  }
  func.func @transform_1(%arg0: i32) -> (i32, i32) {
    %c0_i32 = arith.constant 0 : i32
    %c0_i32_0 = arith.constant 0 : i32
    return %arg0, %c0_i32 : i32, i32
  }
  func.func @transform_2(%arg0: i32) -> (i32, i32) {
    %c0_i32 = arith.constant 0 : i32
    %c0_i32_0 = arith.constant 0 : i32
    %c0_i32_1 = arith.constant 0 : i32
    return %c0_i32, %c0_i32_0 : i32, i32
  }
  func.func @transform_3(%arg0: i32) -> i32 {
    %c0_i32 = arith.constant 0 : i32
    %c0_i32_0 = arith.constant 0 : i32
    return %c0_i32 : i32
  }
  func.func @transform_4(%arg0: i32) -> (i32, i32) {
    %c0_i32 = arith.constant 0 : i32
    %c0_i32_0 = arith.constant 0 : i32
    return %arg0, %c0_i32 : i32, i32
  }
}

</mosaic_0001>

<sc_bundles>
// kernel: kernel.11.cloned.1.call-start
scs
__scs_entry_jumppad:
0x0: {  	(pc) =	sbr.rel $0x88, $3  }
0x1: {  	(tag) =	ssettag $0x0;
	lr =	simm.s32 $0x1  }
0x2: {  	[smem:$0x3F99] =	sst lr;
	_ =	strace $0xD0000000  }
0x3: {  	_ = 	snop  }
0x4: {  	_ = 	snop  }
0x5: {  	_ = 	snop  }
0x6: {  	_ = 	snop  }
0x7: {  	_ = 	snop  }
__scs_overlays_trampoline_lowered:
0x8: {  	[smem:$0x3FA8] =	sst s0  }
0x9: {  	[smem:$0x3FA9] =	sst s1  }
0xa: {  	[smem:$0x3FAA] =	sst s2  }
0xb: {  	[smem:$0x3FAB] =	sst s3  }
0xc: {  	[smem:$0x3FAC] =	sst s4  }
0xd: {  	[smem:$0x3FAD] =	sst s5  }
0xe: {  	[smem:$0x3FAE] =	sst s6  }
0xf: {  	[smem:$0x3FAF] =	sst s7  }
0x10: {  	[smem:$0x3FB0] =	sst s8  }
0x11: {  	[smem:$0x3FB1] =	sst s9;
	s0 =	simm.s32 @!p0 $0x0  }
0x12: {  	s1 =	sld [smem:$0x3F97];
	s0 =	simm.s32 @p0 $0x1  }
0x13: {  	[smem:$0x3FB2] =	sst s0;
	s0 =	simm.s32 @!p1 $0x0  }
0x14: {  	s2 =	sld [smem:$0x3F96];
	s0 =	simm.s32 @p1 $0x1  }
0x15: {  	[smem:$0x3FB3] =	sst s0;
	s0 =	simm.s32 @!p2 $0x0  }
0x16: {  	s3 =	sld [smem:$0x3FDB];
	s0 =	simm.s32 @p2 $0x1  }
0x17: {  	s4 =	simm.s32 $0x1BF5;
	[smem:$0x3FB5] =	sst s0  }
0x18: {  	s0 =	sld [smem:$0x3F98];
	_ =	swait.ge [sflag:s4], $0x0  }
0x19: {  	s7 =	sld [smem:$0x3F99]  }
0x1a: {  	s8 =	sadd.s32 $0xFFFFE003, lr  }
0x1b: {  	s9 =	sadd.s32 $0xFFFFFEF7, lr;
	s5 =	simm.s32 $0xFFFFFFFF;
	p2 =	slt.u32 s8, $0xFFFFF086  }
0x1c: {  	p1 =	slt.u32 s9, $0xF7A;
	s5 =	simm.s32 @!p2 $0x0  }
0x1d: {  	s5 =	simm.s32 @p1 $0x1;
	p0 =	seq.s32 s7, s2  }
0x1e: {  	s7 =	smul.u32 @!p0 $0xF7A, s2;
	p2 =	seq.s32 @!p0 s5, $0x0  }
0x1f: {  	s9 =	smul.u32 $0xF7A, s1;
	s8 =	simm.s32 @!p0 $0x1BF5;
	p2 =	por !p2, p0  }
0x20: {  	[sflag:s8] =	ssyncset.s32 @!p0 $0xFFFFF086;
	s6 =	sadd.s32 @!p0 s3, s7;
	s7 =	simm.s32 @!p0 $0x108  }
0x21: {  	s3 =	sadd.s32 s3, s9;
	s6 =	sadd.s32 @!p0 $0x88, s6;
	s7 =	simm.s32 @p2 $0x1082  }
0x22: {  	[simem:s7], [sflag:s8] =	dma.local @!p0 [hbm:s6], $0xF7A  }
0x23: {  	s9 =	sor.u32 $0xD0000000, s2;
	s6 =	simm.s32 $0x108;
	_ =	swait.ge @!p0 [sflag:s8], $0x0  }
0x24: {  	s3 =	sadd.s32 $0x88, s3;
	s6 =	simm.s32 @!p1 $0x1082;
	[sflag:s4] =	ssyncset.s32 $0xFFFFF086  }
0x25: {  	[simem:s6], [sflag:s4] =	dma.local [hbm:s3], $0xF7A  }
0x26: {  	[smem:$0x3F99] =	sst s1;
	(tag) =	ssettag s2;
	_ =	strace s9  }
0x27: {  	s1 =	sld [smem:$0x3FA9]  }
0x28: {  	s2 =	sld [smem:$0x3FAA]  }
0x29: {  	s4 =	sld [smem:$0x3FAC]  }
0x2a: {  	p0 =	seq.s32 s5, $0x0;
	s5 =	sld [smem:$0x3FAD]  }
0x2b: {  	s6 =	sld [smem:$0x3FAE]  }
0x2c: {  	s7 =	sld [smem:$0x3FAF]  }
0x2d: {  	s3 =	simm.s32 $0x108;
	s8 =	sld [smem:$0x3FB0]  }
0x2e: {  	s3 =	simm.s32 @!p0 $0x1082;
	s9 =	sld [smem:$0x3FB1]  }
0x2f: {  	lr =	sadd.s32 s0, s3;
	s0 =	sld [smem:$0x3FA8]  }
0x30: {  	s3 =	sld [smem:$0x3FAB]  }
0x31: {  	[smem:$0x3FB4] =	sst s10  }
0x32: {  	s10 =	sld [smem:$0x3FB2];
	_ =	sdelay $0x3  }
0x33: {  	p0 =	seq.s32 s10, $0x1;
	s10 =	sld [smem:$0x3FB4];
	_ =	sdelay $0x3  }
0x34: {  	[smem:$0x3FB4] =	sst s10  }
0x35: {  	s10 =	sld [smem:$0x3FB3];
	_ =	sdelay $0x3  }
0x36: {  	p1 =	seq.s32 s10, $0x1;
	s10 =	sld [smem:$0x3FB4];
	_ =	sdelay $0x3  }
0x37: {  	[smem:$0x3FB4] =	sst s10  }
0x38: {  	s10 =	sld [smem:$0x3FB5]  }
0x39: {  	_ = 	snop;
	(pc) =	sbr.ind lr, $3  }
0x3a: {  	_ = 	snop  }
0x3b: {  	_ = 	snop  }
0x3c: {  	p2 =	seq.s32 s10, $0x1;
	s10 =	sld [smem:$0x3FB4]  }
0x3d: {  	_ =	shalt  }
0x3e: {  	_ =	shalt  }
0x3f: {  	_ =	shalt  }
0x40: {  	_ =	shalt  }
0x41: {  	_ =	shalt  }
0x42: {  	_ =	shalt  }
0x43: {  	_ =	shalt  }
0x44: {  	_ =	shalt  }
0x45: {  	_ =	shalt  }
0x46: {  	_ =	shalt  }
0x47: {  	_ =	shalt  }
0x48: {  	_ =	shalt  }
0x49: {  	_ =	shalt  }
0x4a: {  	_ =	shalt  }
0x4b: {  	_ =	shalt  }
0x4c: {  	_ =	shalt  }
0x4d: {  	_ =	shalt  }
0x4e: {  	_ =	shalt  }
0x4f: {  	_ =	shalt  }
0x50: {  	_ =	shalt  }
0x51: {  	_ =	shalt  }
0x52: {  	_ =	shalt  }
0x53: {  	_ =	shalt  }
0x54: {  	_ =	shalt  }
0x55: {  	_ =	shalt  }
0x56: {  	_ =	shalt  }
0x57: {  	_ =	shalt  }
0x58: {  	_ =	shalt  }
0x59: {  	_ =	shalt  }
0x5a: {  	_ =	shalt  }
0x5b: {  	_ =	shalt  }
0x5c: {  	_ =	shalt  }
0x5d: {  	_ =	shalt  }
0x5e: {  	_ =	shalt  }
0x5f: {  	_ =	shalt  }
0x60: {  	_ =	shalt  }
0x61: {  	_ =	shalt  }
0x62: {  	_ =	shalt  }
0x63: {  	_ =	shalt  }
0x64: {  	_ =	shalt  }
0x65: {  	_ =	shalt  }
0x66: {  	_ =	shalt  }
0x67: {  	_ =	shalt  }
0x68: {  	_ =	shalt  }
0x69: {  	_ =	shalt  }
0x6a: {  	_ =	shalt  }
0x6b: {  	_ =	shalt  }
0x6c: {  	_ =	shalt  }
0x6d: {  	_ =	shalt  }
0x6e: {  	_ =	shalt  }
0x6f: {  	_ =	shalt  }
0x70: {  	_ =	shalt  }
0x71: {  	_ =	shalt  }
0x72: {  	_ =	shalt  }
0x73: {  	_ =	shalt  }
0x74: {  	_ =	shalt  }
0x75: {  	_ =	shalt  }
0x76: {  	_ =	shalt  }
0x77: {  	_ =	shalt  }
0x78: {  	_ =	shalt  }
0x79: {  	_ =	shalt  }
0x7a: {  	_ =	shalt  }
0x7b: {  	_ =	shalt  }
0x7c: {  	_ =	shalt  }
0x7d: {  	_ =	shalt  }
0x7e: {  	_ =	shalt  }
0x7f: {  	_ =	shalt  }
0x80: {  	_ =	shalt  }
0x81: {  	_ =	shalt  }
0x82: {  	_ =	shalt  }
0x83: {  	_ =	shalt  }
0x84: {  	_ =	shalt  }
0x85: {  	_ =	shalt  }
0x86: {  	_ =	shalt  }
0x87: {  	_ =	shalt  }
.Lfunc_end0:
.L_simem_size_0:
called_computation.1_lowered:
.L_overlay_start_0:
0x88: {  	s2 =	sld [smem:$0x3FD9]  }
0x89: {  	s3 =	sld [smem:$0x3FFE];
	_ =	sdelay $0x1  }
0x8a: {  	s1 =	srdreg.scid  }
0x8b: {  	s0 =	sand.u32 $0x1, s1  }
0x8c: {  	s17 =	sshll.u32 s0, $0xA;
	s2 =	sadd.s32 s3, s2  }
0x8d: {  	s2 =	sadd.s32 s2, s17  }
0x8e: {  	[smem:$0x3FC0] =	sst s2  }
0x8f: {  	_ = 	snop  }
0x90: {  	s2 =	sld [smem:$0x3FD0];
	(tm) =	ssettm $0x1  }
0x91: {  	s18 =	sld [smem:$0x3FFB];
	_ =	sdelay $0x3  }
0x92: {  	_ =	strace s18  }
0x93: {  	s3 =	sld [smem:$0x3FFC];
	_ =	sdelay $0x3  }
0x94: {  	_ =	strace s3  }
0x95: {  	s3 =	sld [smem:$0x3FFD];
	_ =	sdelay $0x3  }
0x96: {  	_ =	strace s3  }
0x97: {  	_ =	strace $0x8FFFFFFF  }
0x98: {  	s19 =	sld [smem:$0x3FDB];
	_ =	sdelay $0x1  }
0x99: {  	s4 =	simm.s32 $_scs_section_size  }
0x9a: {  	s5 =	simm.s32 $_size__tile_overlayer_lowered;
	s6 =	simm.s32 $_tile_overlayer_lowered  }
0x9b: {  	s22 =	simm.s32 $0x1BFF;
	s21 =	sshll.u32 s6, $0x1;
	s3 =	sadd.s32 s4, s19  }
0x9c: {  	s7 =	simm.s32 $0x0;
	s20 =	sshll.u32 s5, $0x1;
	s5 =	sadd.s32 s21, s3  }
0x9d: {  	[timem:s7], [sflag:s22] =	dma.local [hbm:s5], s20  }
0x9e: {  	_ =	swait.ge [sflag:s22], s20  }
0x9f: {  	s4 =	ssub.s32 $0x0, s20;
	[sflag:s22] =	ssyncset.done $0x0  }
0xa0: {  	[sflag:s22] =	ssyncadd.s32 s4;
	_ =	sdelay $0x1  }
0xa1: {  	s23 =	simm.s32 $0x1B8B  }
0xa2: {  	_ =	swait.ge [sflag:s23], $0x1  }
0xa3: {  	[sflag:s23] =	ssyncset.done $0x0  }
0xa4: {  	s25 =	simm.s32 $0x1B8E;
	s24 =	sld [smem:$0x3FFE];
	[sflag:s23] =	ssyncadd.s32 $0xFFFFFFFF  }
0xa5: {  	s26 =	simm.s32 $execute0_lowered;
	[smem:$0x3FD2] =	sst s25  }
0xa6: {  	s5 =	sshll.u32 s26, $0x1;
	_ =	strace $0x80000049;
	[dreg:$0x1] =	wrdreg $0xFFFFFFFF  }
0xa7: {  	s28 =	simm.s32 $_size_execute0_lowered;
	s3 =	sadd.s32 s3, s5;
	[dreg:$0x0] =	wrdreg $0x0  }
0xa8: {  	s5 =	sshll.u32 s28, $0x1;
	[dreg:$0x2] =	wrdreg s3  }
0xa9: {  	[dreg:$0x3] =	wrdreg s5  }
0xaa: {  	[dreg:$0x4] =	wrdreg $0xC0  }
0xab: {  	_ =	task [dreg:s7], $0x5FFFF  }
0xac: {  	[dreg:$0x1] =	wrdreg $0xFFFFFFFF  }
0xad: {  	[dreg:$0x0] =	wrdreg $0x60  }
0xae: {  	[dreg:$0x2] =	wrdreg s24  }
0xaf: {  	[dreg:$0x3] =	wrdreg s2  }
0xb0: {  	[dreg:$0x4] =	wrdreg $0x78000  }
0xb1: {  	[dreg:$0x5] =	wrdreg $0x9  }
0xb2: {  	_ =	task.clear_ibuf [dreg:s7], $0x6FFFF;
	_ =	strace $0x90000049  }
0xb3: {  	s29 =	simm.s32 $0x9;
	_ =	strace $0x8000004B  }
0xb4: {  	_ =	swait.ge [sflag:s29], $0x1  }
0xb5: {  	[sflag:s29] =	ssyncadd.s32 $0xFFFFFFFF  }
0xb6: {  	_ =	strace $0x9000004B  }
0xb7: {  	_ =	sfence  }
0xb8: {  	s30 =	sld [smem:$0x0];
	_ =	sdelay $0x2  }
0xb9: {  	s31 =	sshll.u32 s1, $0xD;
	s1 =	sshrl.u32 s1, $0x2  }
0xba: {  	s3 =	sand.u32 $0x4000, s31;
	s1 =	sadd.s32 s1, s30  }
0xbb: {  	s0 =	sor.u32 s3, s0;
	s1 =	sshll.u32 s1, $0x11  }
0xbc: {  	s0 =	sor.u32 s1, s0  }
0xbd: {  	s0 =	sadd.s32 $0x8F2B, s0  }
0xbe: {  	[sflag:s0] =	ssyncadd.remote.s32 $0x1  }
0xbf: {  	_ =	sfence.sel $0xFFFF  }
0xc0: {  	[dreg:$0x0] =	wrdreg $0xFFFFFFFF;
	(pc) =	sbr.abs _section_cstart, $3  }
0xc1: {  	[dreg:$0x1] =	wrdreg $0xFFFFFFFF  }
0xc2: {  	_ =	task.clear_ibuf [dreg:s7], $0x2FFFF;
	_ =	strace $0x9FFFFFFF  }
0xc3: {  	(tm) =	ssettm $0x7FFFFFFF  }
tec
execute0_lowered:
.L_overlay_start_1:
0x0: {  	(tag) =	ssettag $0x1  }
0x1: {  	s5 =	rddreg [dreg:$0x0]  }
0x2: {  	s13 =	rddreg [dreg:$0x1]  }
0x3: {  	s1 =	rddreg [dreg:$0x2]  }
0x4: {  	s0 =	rddreg [dreg:$0x3];
	s3 =	simm.s32 $0x0  }
0x5: {  	s2 =	stileid.u32;
	s6 =	srdreg.scid;
	s20 =	simm.s32 $0x3800  }
0x6: {  	[smem:$0x7FF] =	sst s3;
	s4 =	sadd.s32 $0x70200, s5;
	s7 =	smul.u32 $0x2780, s2  }
0x7: {  	s11 =	sadd.s32 $0x62200, s5;
	s15 =	sand.u32 $0x1, s6;
	s8 =	smul.u32 $0x4F000, s2  }
0x8: {  	s12 =	sadd.s32 $0x3800, s5;
	s19 =	smul.u32 $0x13C00, s2;
	s31 =	sshll.u32 s2, $0x6  }
0x9: {  	_ =	strace $0x8000004A;
	s6 =	sshll.u32 s15, $0x4;
	s29 =	ssub.s32 $0x2, s15  }
0xa: {  	s17 =	smul.u32 $0x13C000, s15;
	p0 =	sne.s32 s15, $0x0;
	s15 =	sor.u32 $0x1C01, s31  }
0xb: {  	s10 =	sadd.s32 s7, s5;
	s6 =	sor.u32 s2, s6;
	s9 =	sshrl.u32 s29, $0x1  }
0xc: {  	s8 =	sshrl.u32 s8, $0x2;
	s5 =	sadd.s32 s4, s7;
	s6 =	smul.u32 $0x3800, s6  }
0xd: {  	s14 =	ssub.s32 s29, s9;
	s16 =	sadd.s32 s8, s1;
	s17 =	sadd.s32 s19, s17  }
0xe: {  	s10 =	sadd.s32 $0x12000, s10;
	s19 =	simm.s32 $0x80;
	s17 =	sshrl.u32 s17, $0x3  }
.Ltmp0:
0xf: {  	s14 =	smax.u32 s14, $0x1;
	s16 =	sshrl.u32 s16, $0x3;
	(pc) =	sbr.rel .LBB2_1-.Ltmp0, $4  }
0x10: {  	s18 =	sshrl.u32 s6, $0x3;
	s13 =	sadd.s32 s13, s17;
	s17 =	simm.s32 $0x1  }
0x11: {  	s6 =	sadd.s32 s11, s18;
	s7 =	sadd.s32 s12, s18;
	s30 =	sadd.s32 $0x180, s18  }
0x12: {  	s18 =	sadd.s32 $0x380, s18;
	s8 =	sadd.s32 s11, s30;
	s9 =	sadd.s32 s12, s30  }
0x13: {  	s11 =	sadd.s32 s11, s18;
	s12 =	sadd.s32 s12, s18;
	s18 =	simm.s32 $0x1C00  }
.LBB2_11:
0x14: {  	s21 =	sshra.s32 s21, $0x2;
	[sflag:s17] =	ssyncadd.s32 $0xFFFFC000  }
0x15: {  	[tilespmem:s20], [sflag:$0x1] =	stream.indirect.gather [hbm4b:s4+s19], $0x80, s21, s19, $0xb8;
	[tilespmem:$0x1B400] =	vst v63  }
0x16: {  	_ =	swait.ge [sflag:s17], $0x4000  }
0x17: {  	[sflag:s17] =	ssyncset.done $0x0  }
0x18: {  	s21 =	sadd.s32 $0x1C00, s21;
	[sflag:s17] =	ssyncadd.s32 $0xFFFFC000  }
0x19: {  	[spmem:s1] =	stream.indirect.scatter.add.f32 [tilespmem:s20], [sflag:$0x1], $0x80, s21, s19, $0xb8;
	[tilespmem:$0x1B400] =	vst v63  }
0x1a: {  	_ =	swait.ge [sflag:s17], $0x4000  }
0x1b: {  	[sflag:s17] =	ssyncset.done $0x0  }
0x1c: {  	[sflag:s17] =	ssyncadd.s32 $0xFFFFC000  }
.LBB2_12:
0x1d: {  	s3 =	sadd.s32 $0x1, s3  }
0x1e: {  	p1 =	sne.s32 s3, s14  }
.Ltmp1:
0x1f: {  	[bflag:$0x0] =	sbarrier.arrive $0xFFFF;
	(pc) =	sbr.rel @!p1 .LBB2_13-.Ltmp1, $4  }
0x20: {  	[hbm:s13], [sflag:s15] =	dma.local [spmem:s16], $0x2780  }
0x21: {  	_ =	swait.ge [sflag:s17], $0x2780  }
0x22: {  	[sflag:s17] =	ssyncset.done $0x0  }
0x23: {  	[sflag:s17] =	ssyncadd.s32 $0xFFFFD880  }
.LBB2_1:
.Ltmp2:
0x24: {  	(pc) =	sbr.rel @p0 .LBB2_7-.Ltmp2, $1  }
0x25: {  	_ =	sdelay $0x3  }
0x26: {  	[spmem:s16], [sflag:s15] =	dma.local [hbm:s10], $0x2780  }
0x27: {  	_ =	swait.ge [sflag:s17], $0x2780  }
0x28: {  	[sflag:s17] =	ssyncset.done $0x0  }
0x29: {  	[sflag:s17] =	ssyncadd.s32 $0xFFFFD880  }
0x2a: {  	s21 =	simm.s32 $0x0;
	[bflag:$0x0] =	sbarrier.arrive $0xFFFF  }
0x2b: {  	[tilespmem:s21], [sflag:$0x1] =	stream.linear.gather [hbm4b:s6+s21], $0x1C00, $0x38;
	[tilespmem:$0x1B400] =	vst v63  }
0x2c: {  	_ =	swait.ge [sflag:s17], $0x1C00  }
0x2d: {  	[sflag:s17] =	ssyncset.done $0x0  }
0x2e: {  	[sflag:s17] =	ssyncadd.s32 $0xFFFFE400  }
0x2f: {  	[tilespmem:s18], [sflag:$0x1] =	stream.linear.gather [hbm4b:s7+s21], $0x1C00, $0x38;
	[tilespmem:$0x1B400] =	vst v63  }
0x30: {  	_ =	swait.ge [sflag:s17], $0x1C00  }
0x31: {  	[sflag:s17] =	ssyncset.done $0x0  }
0x32: {  	s30 =	simm.s32 $0x0;
	[sflag:s17] =	ssyncadd.s32 $0xFFFFE400  }
0x33: {  	[tilespmem:s20], [sflag:$0x1] =	stream.indirect.gather [hbm4b:s4+s19], $0x80, s30, s19, $0xb8;
	[tilespmem:$0x1B400] =	vst v63  }
0x34: {  	_ =	swait.ge [sflag:s17], $0x4000  }
0x35: {  	[sflag:s17] =	ssyncset.done $0x0  }
0x36: {  	s31 =	simm.s32 $0x1C00;
	[sflag:s17] =	ssyncadd.s32 $0xFFFFC000  }
0x37: {  	[spmem:s1] =	stream.indirect.scatter.add.f32 [tilespmem:s20], [sflag:$0x1], $0x80, s31, s19, $0xb8;
	[tilespmem:$0x1B400] =	vst v63  }
0x38: {  	_ =	swait.ge [sflag:s17], $0x4000  }
0x39: {  	s22 =	simm.s32 $0x400;
	s21 =	simm.s32 $0x200;
	[sflag:s17] =	ssyncset.done $0x0  }
.LBB2_3:
0x3a: {  	s23 =	sshra.s32 s21, $0x2  }
0x3b: {  	[sflag:s17] =	ssyncadd.s32 $0xFFFFC000;
	s21 =	smov.u32 s22;
	s24 =	sadd.s32 $0x200, s22  }
0x3c: {  	[tilespmem:s20], [sflag:$0x1] =	stream.indirect.gather [hbm4b:s4+s19], $0x80, s23, s19, $0xb8;
	[tilespmem:$0x1B400] =	vst v63  }
0x3d: {  	p1 =	sne.s32 s22, $0x6E00;
	_ =	swait.ge [sflag:s17], $0x4000  }
.Ltmp3:
0x3e: {  	[sflag:s17] =	ssyncset.done $0x0;
	(pc) =	sbr.rel @p1 .LBB2_3-.Ltmp3, $4  }
0x3f: {  	s22 =	sadd.s32 $0x1C00, s23;
	[sflag:s17] =	ssyncadd.s32 $0xFFFFC000  }
0x40: {  	[spmem:s1] =	stream.indirect.scatter.add.f32 [tilespmem:s20], [sflag:$0x1], $0x80, s22, s19, $0xb8;
	[tilespmem:$0x1B400] =	vst v63  }
0x41: {  	_ =	swait.ge [sflag:s17], $0x4000  }
0x42: {  	s22 =	smov.u32 s24;
	[sflag:s17] =	ssyncset.done $0x0  }
0x43: {  	s21 =	sshra.s32 s21, $0x2;
	[sflag:s17] =	ssyncadd.s32 $0xFFFFC000  }
0x44: {  	[tilespmem:s20], [sflag:$0x1] =	stream.indirect.gather [hbm4b:s4+s19], $0x80, s21, s19, $0xb8;
	[tilespmem:$0x1B400] =	vst v63  }
0x45: {  	_ =	swait.ge [sflag:s17], $0x4000  }
0x46: {  	[sflag:s17] =	ssyncset.done $0x0  }
0x47: {  	s21 =	sadd.s32 $0x1C00, s21;
	[sflag:s17] =	ssyncadd.s32 $0xFFFFC000  }
0x48: {  	[spmem:s1] =	stream.indirect.scatter.add.f32 [tilespmem:s20], [sflag:$0x1], $0x80, s21, s19, $0xb8;
	[tilespmem:$0x1B400] =	vst v63  }
0x49: {  	_ =	swait.ge [sflag:s17], $0x4000  }
0x4a: {  	[sflag:s17] =	ssyncset.done $0x0  }
0x4b: {  	s29 =	simm.s32 $0x0;
	[sflag:s17] =	ssyncadd.s32 $0xFFFFC000  }
0x4c: {  	[tilespmem:s29], [sflag:$0x1] =	stream.linear.gather [hbm4b:s11+s29], $0x1C00, $0x38;
	[tilespmem:$0x1B400] =	vst v63  }
0x4d: {  	_ =	swait.ge [sflag:s17], $0x1C00  }
0x4e: {  	[sflag:s17] =	ssyncset.done $0x0  }
0x4f: {  	[sflag:s17] =	ssyncadd.s32 $0xFFFFE400  }
0x50: {  	[tilespmem:s18], [sflag:$0x1] =	stream.linear.gather [hbm4b:s12+s29], $0x1C00, $0x38;
	[tilespmem:$0x1B400] =	vst v63  }
0x51: {  	_ =	swait.ge [sflag:s17], $0x1C00  }
0x52: {  	[sflag:s17] =	ssyncset.done $0x0  }
0x53: {  	s30 =	simm.s32 $0x0;
	[sflag:s17] =	ssyncadd.s32 $0xFFFFE400  }
0x54: {  	[tilespmem:s20], [sflag:$0x1] =	stream.indirect.gather [hbm4b:s4+s19], $0x80, s30, s19, $0xb8;
	[tilespmem:$0x1B400] =	vst v63  }
0x55: {  	_ =	swait.ge [sflag:s17], $0x4000  }
0x56: {  	[sflag:s17] =	ssyncset.done $0x0  }
0x57: {  	s31 =	simm.s32 $0x1C00;
	[sflag:s17] =	ssyncadd.s32 $0xFFFFC000  }
0x58: {  	[spmem:s1] =	stream.indirect.scatter.add.f32 [tilespmem:s20], [sflag:$0x1], $0x80, s31, s19, $0xb8;
	[tilespmem:$0x1B400] =	vst v63  }
0x59: {  	_ =	swait.ge [sflag:s17], $0x4000  }
0x5a: {  	s22 =	simm.s32 $0x400;
	s21 =	simm.s32 $0x200;
	[sflag:s17] =	ssyncset.done $0x0  }
.LBB2_5:
0x5b: {  	s23 =	sshra.s32 s21, $0x2  }
0x5c: {  	[sflag:s17] =	ssyncadd.s32 $0xFFFFC000;
	s21 =	smov.u32 s22;
	s24 =	sadd.s32 $0x200, s22  }
0x5d: {  	[tilespmem:s20], [sflag:$0x1] =	stream.indirect.gather [hbm4b:s4+s19], $0x80, s23, s19, $0xb8;
	[tilespmem:$0x1B400] =	vst v63  }
0x5e: {  	p1 =	seq.s32 s22, $0x6E00;
	_ =	swait.ge [sflag:s17], $0x4000  }
.Ltmp4:
0x5f: {  	[sflag:s17] =	ssyncset.done $0x0;
	(pc) =	sbr.rel @!p1 .LBB2_5-.Ltmp4, $4  }
0x60: {  	s22 =	sadd.s32 $0x1C00, s23;
	[sflag:s17] =	ssyncadd.s32 $0xFFFFC000  }
0x61: {  	[spmem:s1] =	stream.indirect.scatter.add.f32 [tilespmem:s20], [sflag:$0x1], $0x80, s22, s19, $0xb8;
	[tilespmem:$0x1B400] =	vst v63  }
0x62: {  	_ =	swait.ge [sflag:s17], $0x4000  }
0x63: {  	s22 =	smov.u32 s24;
	[sflag:s17] =	ssyncset.done $0x0  }
0x64: {  	s21 =	sshra.s32 s21, $0x2;
	[sflag:s17] =	ssyncadd.s32 $0xFFFFC000  }
0x65: {  	[tilespmem:s20], [sflag:$0x1] =	stream.indirect.gather [hbm4b:s4+s19], $0x80, s21, s19, $0xb8;
	[tilespmem:$0x1B400] =	vst v63  }
0x66: {  	_ =	swait.ge [sflag:s17], $0x4000  }
0x67: {  	[sflag:s17] =	ssyncset.done $0x0  }
.Ltmp5:
0x68: {  	s21 =	sadd.s32 $0x1C00, s21;
	[sflag:s17] =	ssyncadd.s32 $0xFFFFC000;
	(pc) =	sbr.rel .LBB2_12-.Ltmp5, $4  }
0x69: {  	[spmem:s1] =	stream.indirect.scatter.add.f32 [tilespmem:s20], [sflag:$0x1], $0x80, s21, s19, $0xb8;
	[tilespmem:$0x1B400] =	vst v63  }
0x6a: {  	_ =	swait.ge [sflag:s17], $0x4000  }
0x6b: {  	[sflag:s17] =	ssyncset.done $0x0  }
0x6c: {  	[sflag:s17] =	ssyncadd.s32 $0xFFFFC000  }
.LBB2_7:
0x6d: {  	[spmem:s16], [sflag:s15] =	dma.local [hbm:s5], $0x2780  }
0x6e: {  	_ =	swait.ge [sflag:s17], $0x2780  }
0x6f: {  	[sflag:s17] =	ssyncset.done $0x0  }
0x70: {  	[sflag:s17] =	ssyncadd.s32 $0xFFFFD880  }
0x71: {  	s21 =	simm.s32 $0x0;
	[bflag:$0x0] =	sbarrier.arrive $0xFFFF  }
0x72: {  	[tilespmem:s21], [sflag:$0x1] =	stream.linear.gather [hbm4b:s6+s21], $0xC00, $0x38;
	[tilespmem:$0x1B400] =	vst v63  }
0x73: {  	_ =	swait.ge [sflag:s17], $0xC00  }
0x74: {  	[sflag:s17] =	ssyncset.done $0x0  }
0x75: {  	[sflag:s17] =	ssyncadd.s32 $0xFFFFF400  }
0x76: {  	[tilespmem:s18], [sflag:$0x1] =	stream.linear.gather [hbm4b:s7+s21], $0xC00, $0x38;
	[tilespmem:$0x1B400] =	vst v63  }
0x77: {  	_ =	swait.ge [sflag:s17], $0xC00  }
0x78: {  	[sflag:s17] =	ssyncset.done $0x0  }
0x79: {  	s30 =	simm.s32 $0x0;
	[sflag:s17] =	ssyncadd.s32 $0xFFFFF400  }
0x7a: {  	[tilespmem:s20], [sflag:$0x1] =	stream.indirect.gather [hbm4b:s4+s19], $0x80, s30, s19, $0xb8;
	[tilespmem:$0x1B400] =	vst v63  }
0x7b: {  	_ =	swait.ge [sflag:s17], $0x4000  }
0x7c: {  	[sflag:s17] =	ssyncset.done $0x0  }
0x7d: {  	s31 =	simm.s32 $0x1C00;
	[sflag:s17] =	ssyncadd.s32 $0xFFFFC000  }
0x7e: {  	[spmem:s1] =	stream.indirect.scatter.add.f32 [tilespmem:s20], [sflag:$0x1], $0x80, s31, s19, $0xb8;
	[tilespmem:$0x1B400] =	vst v63  }
0x7f: {  	_ =	swait.ge [sflag:s17], $0x4000  }
0x80: {  	s22 =	simm.s32 $0x400;
	s21 =	simm.s32 $0x200;
	[sflag:s17] =	ssyncset.done $0x0  }
.LBB2_8:
0x81: {  	s23 =	sshra.s32 s21, $0x2  }
0x82: {  	[sflag:s17] =	ssyncadd.s32 $0xFFFFC000;
	s21 =	smov.u32 s22;
	s24 =	sadd.s32 $0x200, s22  }
0x83: {  	[tilespmem:s20], [sflag:$0x1] =	stream.indirect.gather [hbm4b:s4+s19], $0x80, s23, s19, $0xb8;
	[tilespmem:$0x1B400] =	vst v63  }
0x84: {  	p1 =	sne.s32 s22, $0x2E00;
	_ =	swait.ge [sflag:s17], $0x4000  }
.Ltmp6:
0x85: {  	[sflag:s17] =	ssyncset.done $0x0;
	(pc) =	sbr.rel @p1 .LBB2_8-.Ltmp6, $4  }
0x86: {  	s22 =	sadd.s32 $0x1C00, s23;
	[sflag:s17] =	ssyncadd.s32 $0xFFFFC000  }
0x87: {  	[spmem:s1] =	stream.indirect.scatter.add.f32 [tilespmem:s20], [sflag:$0x1], $0x80, s22, s19, $0xb8;
	[tilespmem:$0x1B400] =	vst v63  }
0x88: {  	_ =	swait.ge [sflag:s17], $0x4000  }
0x89: {  	s22 =	smov.u32 s24;
	[sflag:s17] =	ssyncset.done $0x0  }
0x8a: {  	s21 =	sshra.s32 s21, $0x2;
	[sflag:s17] =	ssyncadd.s32 $0xFFFFC000  }
0x8b: {  	[tilespmem:s20], [sflag:$0x1] =	stream.indirect.gather [hbm4b:s4+s19], $0x80, s21, s19, $0xb8;
	[tilespmem:$0x1B400] =	vst v63  }
0x8c: {  	_ =	swait.ge [sflag:s17], $0x4000  }
0x8d: {  	[sflag:s17] =	ssyncset.done $0x0  }
0x8e: {  	s21 =	sadd.s32 $0x1C00, s21;
	[sflag:s17] =	ssyncadd.s32 $0xFFFFC000  }
0x8f: {  	[spmem:s1] =	stream.indirect.scatter.add.f32 [tilespmem:s20], [sflag:$0x1], $0x80, s21, s19, $0xb8;
	[tilespmem:$0x1B400] =	vst v63  }
0x90: {  	_ =	swait.ge [sflag:s17], $0x4000  }
0x91: {  	[sflag:s17] =	ssyncset.done $0x0  }
0x92: {  	s29 =	simm.s32 $0x0;
	[sflag:s17] =	ssyncadd.s32 $0xFFFFC000  }
0x93: {  	[tilespmem:s29], [sflag:$0x1] =	stream.linear.gather [hbm4b:s8+s29], $0xC00, $0x38;
	[tilespmem:$0x1B400] =	vst v63  }
0x94: {  	_ =	swait.ge [sflag:s17], $0xC00  }
0x95: {  	[sflag:s17] =	ssyncset.done $0x0  }
0x96: {  	[sflag:s17] =	ssyncadd.s32 $0xFFFFF400  }
0x97: {  	[tilespmem:s18], [sflag:$0x1] =	stream.linear.gather [hbm4b:s9+s29], $0xC00, $0x38;
	[tilespmem:$0x1B400] =	vst v63  }
0x98: {  	_ =	swait.ge [sflag:s17], $0xC00  }
0x99: {  	[sflag:s17] =	ssyncset.done $0x0  }
0x9a: {  	s30 =	simm.s32 $0x0;
	[sflag:s17] =	ssyncadd.s32 $0xFFFFF400  }
0x9b: {  	[tilespmem:s20], [sflag:$0x1] =	stream.indirect.gather [hbm4b:s4+s19], $0x80, s30, s19, $0xb8;
	[tilespmem:$0x1B400] =	vst v63  }
0x9c: {  	_ =	swait.ge [sflag:s17], $0x4000  }
0x9d: {  	[sflag:s17] =	ssyncset.done $0x0  }
0x9e: {  	s31 =	simm.s32 $0x1C00;
	[sflag:s17] =	ssyncadd.s32 $0xFFFFC000  }
0x9f: {  	[spmem:s1] =	stream.indirect.scatter.add.f32 [tilespmem:s20], [sflag:$0x1], $0x80, s31, s19, $0xb8;
	[tilespmem:$0x1B400] =	vst v63  }
0xa0: {  	_ =	swait.ge [sflag:s17], $0x4000  }
0xa1: {  	s22 =	simm.s32 $0x400;
	s21 =	simm.s32 $0x200;
	[sflag:s17] =	ssyncset.done $0x0  }
.LBB2_10:
0xa2: {  	s23 =	sshra.s32 s21, $0x2  }
0xa3: {  	[sflag:s17] =	ssyncadd.s32 $0xFFFFC000;
	s21 =	smov.u32 s22;
	s24 =	sadd.s32 $0x200, s22  }
0xa4: {  	[tilespmem:s20], [sflag:$0x1] =	stream.indirect.gather [hbm4b:s4+s19], $0x80, s23, s19, $0xb8;
	[tilespmem:$0x1B400] =	vst v63  }
0xa5: {  	p1 =	sne.s32 s22, $0x2E00;
	_ =	swait.ge [sflag:s17], $0x4000  }
.Ltmp7:
0xa6: {  	[sflag:s17] =	ssyncset.done $0x0;
	(pc) =	sbr.rel @p1 .LBB2_10-.Ltmp7, $4  }
0xa7: {  	s22 =	sadd.s32 $0x1C00, s23;
	[sflag:s17] =	ssyncadd.s32 $0xFFFFC000  }
0xa8: {  	[spmem:s1] =	stream.indirect.scatter.add.f32 [tilespmem:s20], [sflag:$0x1], $0x80, s22, s19, $0xb8;
	[tilespmem:$0x1B400] =	vst v63  }
0xa9: {  	_ =	swait.ge [sflag:s17], $0x4000  }
0xaa: {  	s22 =	smov.u32 s24;
	[sflag:s17] =	ssyncset.done $0x0  }
.Ltmp8:
0xab: {  	_ = 	snop;
	(pc) =	sbr.rel .LBB2_11-.Ltmp8, $1  }
0xac: {  	_ =	sdelay $0x3  }
.LBB2_13:
0xad: {  	_ =	sfence.sel $0x180000  }
0xae: {  	[bflag:$0x0] =	sbarrier.arrive $0xFFFF  }
0xaf: {  	p0 =	sne.s32 s2, $0x0;
	_ =	strace $0x9000004A  }
0xb0: {  	s0 =	sadd.s32 @!p0 $0x100000, s0;
	[bflag:$0x2] =	sbarrier.arrive $0xFFFF  }
0xb1: {  	[sflag:s0] =	ssyncadd.tile.s32 @!p0 $0x1;
	_ =	shalt  }
.Lfunc_end2:
_tile_overlayer_lowered:
.L_overlay_start_2:
0xb2: {  	(tag) =	ssettag $0x2  }
0xb3: {  	s0 =	rddreg [dreg:$0x0];
	s2 =	stileid.u32  }
0xb4: {  	s1 =	rddreg [dreg:$0x1];
	p0 =	sne.s32 s2, $0x0  }
0xb5: {  	s3 =	rddreg [dreg:$0x2];
	[bflag:$0x3] =	sbarrier.arrive $0xFFFF;
	s2 =	simm.s32 @!p0 $0x1C01  }
0xb6: {  	[timem:s3], [sflag:s2] =	dma.local @!p0 [hbm:s0], s1  }
0xb7: {  	s0 =	simm.s32 @!p0 $0x1  }
0xb8: {  	_ =	swait.ge @!p0 [sflag:s0], s1  }
0xb9: {  	s1 =	ssub.s32 @!p0 $0x0, s1;
	[sflag:s0] =	ssyncset.done @!p0 $0x0  }
0xba: {  	[sflag:s0] =	ssyncadd.s32 @!p0 s1  }
0xbb: {  	[bflag:$0x3] =	sbarrier.arrive $0xFFFF  }
0xbc: {  	_ =	shalt  }

// kernel: kernel.14.cloned.1.call-start
scs
__scs_entry_jumppad:
0x0: {  	(pc) =	sbr.rel $0x88, $3  }
0x1: {  	(tag) =	ssettag $0x0;
	lr =	simm.s32 $0x1  }
0x2: {  	[smem:$0x3F99] =	sst lr;
	_ =	strace $0xD0000000  }
0x3: {  	_ = 	snop  }
0x4: {  	_ = 	snop  }
0x5: {  	_ = 	snop  }
0x6: {  	_ = 	snop  }
0x7: {  	_ = 	snop  }
__scs_overlays_trampoline_lowered:
0x8: {  	[smem:$0x3FA8] =	sst s0  }
0x9: {  	[smem:$0x3FA9] =	sst s1  }
0xa: {  	[smem:$0x3FAA] =	sst s2  }
0xb: {  	[smem:$0x3FAB] =	sst s3  }
0xc: {  	[smem:$0x3FAC] =	sst s4  }
0xd: {  	[smem:$0x3FAD] =	sst s5  }
0xe: {  	[smem:$0x3FAE] =	sst s6  }
0xf: {  	[smem:$0x3FAF] =	sst s7  }
0x10: {  	[smem:$0x3FB0] =	sst s8  }
0x11: {  	[smem:$0x3FB1] =	sst s9;
	s0 =	simm.s32 @!p0 $0x0  }
0x12: {  	s1 =	sld [smem:$0x3F97];
	s0 =	simm.s32 @p0 $0x1  }
0x13: {  	[smem:$0x3FB2] =	sst s0;
	s0 =	simm.s32 @!p1 $0x0  }
0x14: {  	s2 =	sld [smem:$0x3F96];
	s0 =	simm.s32 @p1 $0x1  }
0x15: {  	[smem:$0x3FB3] =	sst s0;
	s0 =	simm.s32 @!p2 $0x0  }
0x16: {  	s3 =	sld [smem:$0x3FDB];
	s0 =	simm.s32 @p2 $0x1  }
0x17: {  	s4 =	simm.s32 $0x1BF5;
	[smem:$0x3FB5] =	sst s0  }
0x18: {  	s0 =	sld [smem:$0x3F98];
	_ =	swait.ge [sflag:s4], $0x0  }
0x19: {  	s7 =	sld [smem:$0x3F99]  }
0x1a: {  	s8 =	sadd.s32 $0xFFFFE003, lr  }
0x1b: {  	s9 =	sadd.s32 $0xFFFFFEF7, lr;
	s5 =	simm.s32 $0xFFFFFFFF;
	p2 =	slt.u32 s8, $0xFFFFF086  }
0x1c: {  	p1 =	slt.u32 s9, $0xF7A;
	s5 =	simm.s32 @!p2 $0x0  }
0x1d: {  	s5 =	simm.s32 @p1 $0x1;
	p0 =	seq.s32 s7, s2  }
0x1e: {  	s7 =	smul.u32 @!p0 $0xF7A, s2;
	p2 =	seq.s32 @!p0 s5, $0x0  }
0x1f: {  	s9 =	smul.u32 $0xF7A, s1;
	s8 =	simm.s32 @!p0 $0x1BF5;
	p2 =	por !p2, p0  }
0x20: {  	[sflag:s8] =	ssyncset.s32 @!p0 $0xFFFFF086;
	s6 =	sadd.s32 @!p0 s3, s7;
	s7 =	simm.s32 @!p0 $0x108  }
0x21: {  	s3 =	sadd.s32 s3, s9;
	s6 =	sadd.s32 @!p0 $0x88, s6;
	s7 =	simm.s32 @p2 $0x1082  }
0x22: {  	[simem:s7], [sflag:s8] =	dma.local @!p0 [hbm:s6], $0xF7A  }
0x23: {  	s9 =	sor.u32 $0xD0000000, s2;
	s6 =	simm.s32 $0x108;
	_ =	swait.ge @!p0 [sflag:s8], $0x0  }
0x24: {  	s3 =	sadd.s32 $0x88, s3;
	s6 =	simm.s32 @!p1 $0x1082;
	[sflag:s4] =	ssyncset.s32 $0xFFFFF086  }
0x25: {  	[simem:s6], [sflag:s4] =	dma.local [hbm:s3], $0xF7A  }
0x26: {  	[smem:$0x3F99] =	sst s1;
	(tag) =	ssettag s2;
	_ =	strace s9  }
0x27: {  	s1 =	sld [smem:$0x3FA9]  }
0x28: {  	s2 =	sld [smem:$0x3FAA]  }
0x29: {  	s4 =	sld [smem:$0x3FAC]  }
0x2a: {  	p0 =	seq.s32 s5, $0x0;
	s5 =	sld [smem:$0x3FAD]  }
0x2b: {  	s6 =	sld [smem:$0x3FAE]  }
0x2c: {  	s7 =	sld [smem:$0x3FAF]  }
0x2d: {  	s3 =	simm.s32 $0x108;
	s8 =	sld [smem:$0x3FB0]  }
0x2e: {  	s3 =	simm.s32 @!p0 $0x1082;
	s9 =	sld [smem:$0x3FB1]  }
0x2f: {  	lr =	sadd.s32 s0, s3;
	s0 =	sld [smem:$0x3FA8]  }
0x30: {  	s3 =	sld [smem:$0x3FAB]  }
0x31: {  	[smem:$0x3FB4] =	sst s10  }
0x32: {  	s10 =	sld [smem:$0x3FB2];
	_ =	sdelay $0x3  }
0x33: {  	p0 =	seq.s32 s10, $0x1;
	s10 =	sld [smem:$0x3FB4];
	_ =	sdelay $0x3  }
0x34: {  	[smem:$0x3FB4] =	sst s10  }
0x35: {  	s10 =	sld [smem:$0x3FB3];
	_ =	sdelay $0x3  }
0x36: {  	p1 =	seq.s32 s10, $0x1;
	s10 =	sld [smem:$0x3FB4];
	_ =	sdelay $0x3  }
0x37: {  	[smem:$0x3FB4] =	sst s10  }
0x38: {  	s10 =	sld [smem:$0x3FB5]  }
0x39: {  	_ = 	snop;
	(pc) =	sbr.ind lr, $3  }
0x3a: {  	_ = 	snop  }
0x3b: {  	_ = 	snop  }
0x3c: {  	p2 =	seq.s32 s10, $0x1;
	s10 =	sld [smem:$0x3FB4]  }
0x3d: {  	_ =	shalt  }
0x3e: {  	_ =	shalt  }
0x3f: {  	_ =	shalt  }
0x40: {  	_ =	shalt  }
0x41: {  	_ =	shalt  }
0x42: {  	_ =	shalt  }
0x43: {  	_ =	shalt  }
0x44: {  	_ =	shalt  }
0x45: {  	_ =	shalt  }
0x46: {  	_ =	shalt  }
0x47: {  	_ =	shalt  }
0x48: {  	_ =	shalt  }
0x49: {  	_ =	shalt  }
0x4a: {  	_ =	shalt  }
0x4b: {  	_ =	shalt  }
0x4c: {  	_ =	shalt  }
0x4d: {  	_ =	shalt  }
0x4e: {  	_ =	shalt  }
0x4f: {  	_ =	shalt  }
0x50: {  	_ =	shalt  }
0x51: {  	_ =	shalt  }
0x52: {  	_ =	shalt  }
0x53: {  	_ =	shalt  }
0x54: {  	_ =	shalt  }
0x55: {  	_ =	shalt  }
0x56: {  	_ =	shalt  }
0x57: {  	_ =	shalt  }
0x58: {  	_ =	shalt  }
0x59: {  	_ =	shalt  }
0x5a: {  	_ =	shalt  }
0x5b: {  	_ =	shalt  }
0x5c: {  	_ =	shalt  }
0x5d: {  	_ =	shalt  }
0x5e: {  	_ =	shalt  }
0x5f: {  	_ =	shalt  }
0x60: {  	_ =	shalt  }
0x61: {  	_ =	shalt  }
0x62: {  	_ =	shalt  }
0x63: {  	_ =	shalt  }
0x64: {  	_ =	shalt  }
0x65: {  	_ =	shalt  }
0x66: {  	_ =	shalt  }
0x67: {  	_ =	shalt  }
0x68: {  	_ =	shalt  }
0x69: {  	_ =	shalt  }
0x6a: {  	_ =	shalt  }
0x6b: {  	_ =	shalt  }
0x6c: {  	_ =	shalt  }
0x6d: {  	_ =	shalt  }
0x6e: {  	_ =	shalt  }
0x6f: {  	_ =	shalt  }
0x70: {  	_ =	shalt  }
0x71: {  	_ =	shalt  }
0x72: {  	_ =	shalt  }
0x73: {  	_ =	shalt  }
0x74: {  	_ =	shalt  }
0x75: {  	_ =	shalt  }
0x76: {  	_ =	shalt  }
0x77: {  	_ =	shalt  }
0x78: {  	_ =	shalt  }
0x79: {  	_ =	shalt  }
0x7a: {  	_ =	shalt  }
0x7b: {  	_ =	shalt  }
0x7c: {  	_ =	shalt  }
0x7d: {  	_ =	shalt  }
0x7e: {  	_ =	shalt  }
0x7f: {  	_ =	shalt  }
0x80: {  	_ =	shalt  }
0x81: {  	_ =	shalt  }
0x82: {  	_ =	shalt  }
0x83: {  	_ =	shalt  }
0x84: {  	_ =	shalt  }
0x85: {  	_ =	shalt  }
0x86: {  	_ =	shalt  }
0x87: {  	_ =	shalt  }
.Lfunc_end0:
.L_simem_size_0:
called_computation.2_lowered:
.L_overlay_start_0:
0x88: {  	s2 =	sld [smem:$0x3FD9]  }
0x89: {  	s3 =	sld [smem:$0x3FFE];
	_ =	sdelay $0x1  }
0x8a: {  	s1 =	srdreg.scid  }
0x8b: {  	s0 =	sand.u32 $0x1, s1  }
0x8c: {  	s17 =	sshll.u32 s0, $0xA;
	s2 =	sadd.s32 s3, s2  }
0x8d: {  	s2 =	sadd.s32 s2, s17  }
0x8e: {  	[smem:$0x3FC0] =	sst s2  }
0x8f: {  	_ = 	snop  }
0x90: {  	s2 =	sld [smem:$0x3FD0];
	(tm) =	ssettm $0x1  }
0x91: {  	s18 =	sld [smem:$0x3FFB];
	_ =	sdelay $0x3  }
0x92: {  	_ =	strace s18  }
0x93: {  	s3 =	sld [smem:$0x3FFC];
	_ =	sdelay $0x3  }
0x94: {  	_ =	strace s3  }
0x95: {  	s3 =	sld [smem:$0x3FFD];
	_ =	sdelay $0x3  }
0x96: {  	_ =	strace s3  }
0x97: {  	_ =	strace $0x8FFFFFFF  }
0x98: {  	s19 =	sld [smem:$0x3FDB];
	_ =	sdelay $0x1  }
0x99: {  	s4 =	simm.s32 $_scs_section_size  }
0x9a: {  	s5 =	simm.s32 $_size__tile_overlayer_lowered;
	s6 =	simm.s32 $_tile_overlayer_lowered  }
0x9b: {  	s22 =	simm.s32 $0x1BFF;
	s21 =	sshll.u32 s6, $0x1;
	s3 =	sadd.s32 s4, s19  }
0x9c: {  	s7 =	simm.s32 $0x0;
	s20 =	sshll.u32 s5, $0x1;
	s5 =	sadd.s32 s21, s3  }
0x9d: {  	[timem:s7], [sflag:s22] =	dma.local [hbm:s5], s20  }
0x9e: {  	_ =	swait.ge [sflag:s22], s20  }
0x9f: {  	s4 =	ssub.s32 $0x0, s20;
	[sflag:s22] =	ssyncset.done $0x0  }
0xa0: {  	[sflag:s22] =	ssyncadd.s32 s4;
	_ =	sdelay $0x1  }
0xa1: {  	s23 =	simm.s32 $0x1B8B  }
0xa2: {  	_ =	swait.ge [sflag:s23], $0x1  }
0xa3: {  	[sflag:s23] =	ssyncset.done $0x0  }
0xa4: {  	s25 =	simm.s32 $0x1B8E;
	s24 =	sld [smem:$0x3FFE];
	[sflag:s23] =	ssyncadd.s32 $0xFFFFFFFF  }
0xa5: {  	s26 =	simm.s32 $execute0_lowered;
	[smem:$0x3FD2] =	sst s25  }
0xa6: {  	s5 =	sshll.u32 s26, $0x1;
	_ =	strace $0x8000004C;
	[dreg:$0x1] =	wrdreg $0xFFFFFFFF  }
0xa7: {  	s28 =	simm.s32 $_size_execute0_lowered;
	s3 =	sadd.s32 s3, s5;
	[dreg:$0x0] =	wrdreg $0x0  }
0xa8: {  	s5 =	sshll.u32 s28, $0x1;
	[dreg:$0x2] =	wrdreg s3  }
0xa9: {  	[dreg:$0x3] =	wrdreg s5  }
0xaa: {  	[dreg:$0x4] =	wrdreg $0xC0  }
0xab: {  	_ =	task [dreg:s7], $0x5FFFF  }
0xac: {  	[dreg:$0x1] =	wrdreg $0xFFFFFFFF  }
0xad: {  	[dreg:$0x0] =	wrdreg $0x60  }
0xae: {  	[dreg:$0x2] =	wrdreg s2  }
0xaf: {  	[dreg:$0x3] =	wrdreg s24  }
0xb0: {  	[dreg:$0x4] =	wrdreg $0x78000  }
0xb1: {  	[dreg:$0x5] =	wrdreg $0x9  }
0xb2: {  	_ =	task.clear_ibuf [dreg:s7], $0x6FFFF;
	_ =	strace $0x9000004C  }
0xb3: {  	s29 =	simm.s32 $0x9;
	_ =	strace $0x8000004E  }
0xb4: {  	_ =	swait.ge [sflag:s29], $0x1  }
0xb5: {  	[sflag:s29] =	ssyncadd.s32 $0xFFFFFFFF  }
0xb6: {  	_ =	strace $0x9000004E  }
0xb7: {  	_ =	sfence  }
0xb8: {  	s30 =	sld [smem:$0x0];
	_ =	sdelay $0x2  }
0xb9: {  	s31 =	sshll.u32 s1, $0xD;
	s1 =	sshrl.u32 s1, $0x2  }
0xba: {  	s3 =	sand.u32 $0x4000, s31;
	s1 =	sadd.s32 s1, s30  }
0xbb: {  	s0 =	sor.u32 s3, s0;
	s1 =	sshll.u32 s1, $0x11  }
0xbc: {  	s0 =	sor.u32 s1, s0  }
0xbd: {  	s0 =	sadd.s32 $0x8F2B, s0  }
0xbe: {  	[sflag:s0] =	ssyncadd.remote.s32 $0x1  }
0xbf: {  	_ =	sfence.sel $0xFFFF  }
0xc0: {  	[dreg:$0x0] =	wrdreg $0xFFFFFFFF;
	(pc) =	sbr.abs _section_cstart, $3  }
0xc1: {  	[dreg:$0x1] =	wrdreg $0xFFFFFFFF  }
0xc2: {  	_ =	task.clear_ibuf [dreg:s7], $0x2FFFF;
	_ =	strace $0x9FFFFFFF  }
0xc3: {  	(tm) =	ssettm $0x7FFFFFFF  }
tec
execute0_lowered:
.L_overlay_start_1:
0x0: {  	(tag) =	ssettag $0x1  }
0x1: {  	s1 =	rddreg [dreg:$0x0]  }
0x2: {  	s6 =	rddreg [dreg:$0x1]  }
0x3: {  	s2 =	rddreg [dreg:$0x2]  }
0x4: {  	s0 =	rddreg [dreg:$0x3];
	s4 =	simm.s32 $0x0;
	s3 =	stileid.u32  }
0x5: {  	s5 =	srdreg.scid;
	s20 =	simm.s32 $0x1;
	s21 =	simm.s32 $0x1C00  }
0x6: {  	s22 =	simm.s32 $0x80;
	s23 =	simm.s32 $0x3800;
	s25 =	simm.s32 $0x40  }
0x7: {  	[smem:$0x7FF] =	sst s4;
	s13 =	sadd.s32 $0x62200, s6;
	s7 =	smul.u32 $0x2780, s3  }
0x8: {  	s14 =	sadd.s32 $0x3800, s6;
	s8 =	sshll.u32 s3, $0x3;
	s24 =	sand.u32 $0x1, s5  }
0x9: {  	s5 =	sadd.s32 $0x3A000, s6;
	s9 =	smul.u32 $0x4F000, s3;
	s10 =	sshll.u32 s3, $0xA  }
0xa: {  	s31 =	sshll.u32 s3, $0x6;
	_ =	strace $0x8000004D;
	s15 =	sadd.s32 s8, s6  }
0xb: {  	s26 =	sshll.u32 s24, $0x4;
	s11 =	ssub.s32 $0x2, s24;
	s17 =	sadd.s32 s10, s6  }
0xc: {  	s19 =	sshll.u32 s24, $0xE;
	p0 =	seq.s32 s24, $0x0;
	p1 =	sne.s32 s24, $0x0  }
0xd: {  	s24 =	simm.s32 $0x1B400;
	s12 =	sadd.s32 s7, s6;
	s8 =	sor.u32 s3, s26  }
0xe: {  	s28 =	sshrl.u32 s11, $0x1;
	s9 =	sshrl.u32 s9, $0x2;
	s7 =	sadd.s32 s1, s7  }
0xf: {  	s30 =	sadd.s32 s19, s17;
	s15 =	sadd.s32 $0x62000, s15;
	s17 =	sadd.s32 $0x78200, s17  }
0x10: {  	s19 =	sor.u32 $0x1C01, s31;
	s26 =	simm.s32 $0x0;
	s8 =	smul.u32 $0x3800, s8  }
.Ltmp0:
0x11: {  	s18 =	ssub.s32 s11, s28;
	s6 =	sadd.s32 s9, s2;
	(pc) =	sbr.rel .LBB2_1-.Ltmp0, $4  }
0x12: {  	s12 =	sadd.s32 $0x12000, s12;
	s18 =	smax.u32 s18, $0x1;
	s16 =	sshrl.u32 s8, $0x3  }
0x13: {  	s8 =	sadd.s32 s13, s16;
	s29 =	sadd.s32 $0x180, s16;
	s9 =	sadd.s32 s14, s16  }
0x14: {  	s16 =	sadd.s32 $0x380, s16;
	s10 =	sadd.s32 s13, s29;
	s11 =	sadd.s32 s14, s29  }
0x15: {  	s13 =	sadd.s32 s13, s16;
	s14 =	sadd.s32 s14, s16;
	s16 =	sadd.s32 $0x70200, s30  }
.LBB2_11:
0x16: {  	s28 =	sshra.s32 s28, $0x2;
	[sflag:s20] =	ssyncadd.s32 $0xFFFFC000  }
0x17: {  	[tilespmem:s23], [sflag:$0x1] =	stream.indirect.gather [hbm4b:s1+s22], $0x80, s28, s22, $0xb8;
	[tilespmem:$0x1B480] =	vst v63  }
0x18: {  	_ =	swait.ge [sflag:s20], $0x4000  }
0x19: {  	[sflag:s20] =	ssyncset.done $0x0  }
0x1a: {  	s28 =	sadd.s32 $0x1C00, s28;
	[sflag:s20] =	ssyncadd.s32 $0xFFFFC000  }
0x1b: {  	[spmem:s2] =	stream.indirect.scatter.add.f32 [tilespmem:s23], [sflag:$0x1], $0x80, s28, s22, $0xb8;
	[tilespmem:$0x1B480] =	vst v63  }
0x1c: {  	_ =	swait.ge [sflag:s20], $0x4000  }
0x1d: {  	[sflag:s20] =	ssyncset.done $0x0  }
0x1e: {  	[sflag:s20] =	ssyncadd.s32 $0xFFFFC000  }
.LBB2_12:
0x1f: {  	[bflag:$0x0] =	sbarrier.arrive $0xFFFF  }
0x20: {  	[tilespmem:s24], [sflag:$0x1] =	stream.linear.gather [hbm4b:s15+s4], $0x40, $0x38;
	[tilespmem:$0x1B480] =	vst v63  }
0x21: {  	_ =	swait.ge [sflag:s20], $0x40  }
0x22: {  	[sflag:s20] =	ssyncset.done $0x0  }
0x23: {  	[sflag:s20] =	ssyncadd.s32 $0xFFFFFFC0  }
0x24: {  	[tilespmem:s23], [sflag:$0x1] =	stream.indirect.gather [spmem:s2], $0x80, s24, s25, $0xb8;
	[tilespmem:$0x1B480] =	vst v63  }
0x25: {  	_ =	swait.ge [sflag:s20], $0x2000  }
0x26: {  	[sflag:s20] =	ssyncset.done $0x0  }
0x27: {  	[sflag:s20] =	ssyncadd.s32 $0xFFFFE000  }
0x28: {  	[hbm4b:s16+s4] =	stream.linear.scatter [tilespmem:s23], [sflag:$0x1], $0x2000, $0x38;
	[tilespmem:$0x1B480] =	vst v63  }
0x29: {  	_ =	swait.ge [sflag:s20], $0x2000  }
0x2a: {  	s28 =	simm.s32 @!p1 $0x40;
	[sflag:s20] =	ssyncset.done $0x0  }
0x2b: {  	s29 =	simm.s32 @!p1 $0x1B400;
	s30 =	simm.s32 @!p1 $0x3800;
	[sflag:s20] =	ssyncadd.s32 $0xFFFFE000  }
0x2c: {  	[tilespmem:s30], [sflag:$0x1] =	stream.indirect.gather @!p1 [hbm4b:s5+s28], $0x80, s29, s28, $0xb8;
	[tilespmem:$0x1B480] =	vst v63  }
0x2d: {  	s28 =	simm.s32 @!p1 $0x1  }
0x2e: {  	s26 =	sadd.s32 $0x1, s26;
	_ =	swait.ge @!p1 [sflag:s28], $0x2000  }
0x2f: {  	p2 =	sne.s32 s26, s18;
	[sflag:s28] =	ssyncset.done @!p1 $0x0  }
.Ltmp1:
0x30: {  	s29 =	simm.s32 @!p1 $0x0;
	[sflag:s28] =	ssyncadd.s32 @!p1 $0xFFFFE000;
	(pc) =	sbr.rel @!p2 .LBB2_13-.Ltmp1, $4  }
0x31: {  	[hbm4b:s17+s29] =	stream.linear.scatter @!p1 [tilespmem:s30], [sflag:$0x1], $0x2000, $0x38;
	[tilespmem:$0x1B480] =	vst v63  }
0x32: {  	_ =	swait.ge @!p1 [sflag:s28], $0x2000  }
0x33: {  	[sflag:s28] =	ssyncset.done @!p1 $0x0  }
0x34: {  	[sflag:s28] =	ssyncadd.s32 @!p1 $0xFFFFE000  }
.LBB2_1:
.Ltmp2:
0x35: {  	(pc) =	sbr.rel @!p0 .LBB2_2-.Ltmp2, $2  }
0x36: {  	_ =	sdelay $0x2  }
0x37: {  	s28 =	sshrl.u32 s6, $0x3  }
0x38: {  	[spmem:s28], [sflag:s19] =	dma.local [hbm:s12], $0x2780  }
0x39: {  	_ =	swait.ge [sflag:s20], $0x2780  }
0x3a: {  	[sflag:s20] =	ssyncset.done $0x0  }
0x3b: {  	[sflag:s20] =	ssyncadd.s32 $0xFFFFD880  }
0x3c: {  	s28 =	simm.s32 $0x0;
	[bflag:$0x0] =	sbarrier.arrive $0xFFFF  }
0x3d: {  	[tilespmem:s28], [sflag:$0x1] =	stream.linear.gather [hbm4b:s8+s28], $0x1C00, $0x38;
	[tilespmem:$0x1B480] =	vst v63  }
0x3e: {  	_ =	swait.ge [sflag:s20], $0x1C00  }
0x3f: {  	[sflag:s20] =	ssyncset.done $0x0  }
0x40: {  	[sflag:s20] =	ssyncadd.s32 $0xFFFFE400  }
0x41: {  	[tilespmem:s21], [sflag:$0x1] =	stream.linear.gather [hbm4b:s9+s28], $0x1C00, $0x38;
	[tilespmem:$0x1B480] =	vst v63  }
0x42: {  	_ =	swait.ge [sflag:s20], $0x1C00  }
0x43: {  	[sflag:s20] =	ssyncset.done $0x0  }
0x44: {  	s28 =	simm.s32 $0x0;
	[sflag:s20] =	ssyncadd.s32 $0xFFFFE400  }
0x45: {  	[tilespmem:s23], [sflag:$0x1] =	stream.indirect.gather [hbm4b:s1+s22], $0x80, s28, s22, $0xb8;
	[tilespmem:$0x1B480] =	vst v63  }
0x46: {  	_ =	swait.ge [sflag:s20], $0x4000  }
0x47: {  	[sflag:s20] =	ssyncset.done $0x0  }
0x48: {  	s28 =	simm.s32 $0x1C00;
	[sflag:s20] =	ssyncadd.s32 $0xFFFFC000  }
0x49: {  	[spmem:s2] =	stream.indirect.scatter.add.f32 [tilespmem:s23], [sflag:$0x1], $0x80, s28, s22, $0xb8;
	[tilespmem:$0x1B480] =	vst v63  }
0x4a: {  	_ =	swait.ge [sflag:s20], $0x4000  }
0x4b: {  	s29 =	simm.s32 $0x400;
	s28 =	simm.s32 $0x200;
	[sflag:s20] =	ssyncset.done $0x0  }
.LBB2_8:
0x4c: {  	s30 =	sshra.s32 s28, $0x2  }
0x4d: {  	[sflag:s20] =	ssyncadd.s32 $0xFFFFC000;
	s28 =	smov.u32 s29;
	s31 =	sadd.s32 $0x200, s29  }
0x4e: {  	[tilespmem:s23], [sflag:$0x1] =	stream.indirect.gather [hbm4b:s1+s22], $0x80, s30, s22, $0xb8;
	[tilespmem:$0x1B480] =	vst v63  }
0x4f: {  	p2 =	sne.s32 s29, $0x6E00;
	_ =	swait.ge [sflag:s20], $0x4000  }
.Ltmp3:
0x50: {  	[sflag:s20] =	ssyncset.done $0x0;
	(pc) =	sbr.rel @p2 .LBB2_8-.Ltmp3, $4  }
0x51: {  	s29 =	sadd.s32 $0x1C00, s30;
	[sflag:s20] =	ssyncadd.s32 $0xFFFFC000  }
0x52: {  	[spmem:s2] =	stream.indirect.scatter.add.f32 [tilespmem:s23], [sflag:$0x1], $0x80, s29, s22, $0xb8;
	[tilespmem:$0x1B480] =	vst v63  }
0x53: {  	_ =	swait.ge [sflag:s20], $0x4000  }
0x54: {  	s29 =	smov.u32 s31;
	[sflag:s20] =	ssyncset.done $0x0  }
0x55: {  	s28 =	sshra.s32 s28, $0x2;
	[sflag:s20] =	ssyncadd.s32 $0xFFFFC000  }
0x56: {  	[tilespmem:s23], [sflag:$0x1] =	stream.indirect.gather [hbm4b:s1+s22], $0x80, s28, s22, $0xb8;
	[tilespmem:$0x1B480] =	vst v63  }
0x57: {  	_ =	swait.ge [sflag:s20], $0x4000  }
0x58: {  	[sflag:s20] =	ssyncset.done $0x0  }
0x59: {  	s28 =	sadd.s32 $0x1C00, s28;
	[sflag:s20] =	ssyncadd.s32 $0xFFFFC000  }
0x5a: {  	[spmem:s2] =	stream.indirect.scatter.add.f32 [tilespmem:s23], [sflag:$0x1], $0x80, s28, s22, $0xb8;
	[tilespmem:$0x1B480] =	vst v63  }
0x5b: {  	_ =	swait.ge [sflag:s20], $0x4000  }
0x5c: {  	[sflag:s20] =	ssyncset.done $0x0  }
0x5d: {  	s28 =	simm.s32 $0x0;
	[sflag:s20] =	ssyncadd.s32 $0xFFFFC000  }
0x5e: {  	[tilespmem:s28], [sflag:$0x1] =	stream.linear.gather [hbm4b:s13+s28], $0x1C00, $0x38;
	[tilespmem:$0x1B480] =	vst v63  }
0x5f: {  	_ =	swait.ge [sflag:s20], $0x1C00  }
0x60: {  	[sflag:s20] =	ssyncset.done $0x0  }
0x61: {  	[sflag:s20] =	ssyncadd.s32 $0xFFFFE400  }
0x62: {  	[tilespmem:s21], [sflag:$0x1] =	stream.linear.gather [hbm4b:s14+s28], $0x1C00, $0x38;
	[tilespmem:$0x1B480] =	vst v63  }
0x63: {  	_ =	swait.ge [sflag:s20], $0x1C00  }
0x64: {  	[sflag:s20] =	ssyncset.done $0x0  }
0x65: {  	s28 =	simm.s32 $0x0;
	[sflag:s20] =	ssyncadd.s32 $0xFFFFE400  }
0x66: {  	[tilespmem:s23], [sflag:$0x1] =	stream.indirect.gather [hbm4b:s1+s22], $0x80, s28, s22, $0xb8;
	[tilespmem:$0x1B480] =	vst v63  }
0x67: {  	_ =	swait.ge [sflag:s20], $0x4000  }
0x68: {  	[sflag:s20] =	ssyncset.done $0x0  }
0x69: {  	s28 =	simm.s32 $0x1C00;
	[sflag:s20] =	ssyncadd.s32 $0xFFFFC000  }
0x6a: {  	[spmem:s2] =	stream.indirect.scatter.add.f32 [tilespmem:s23], [sflag:$0x1], $0x80, s28, s22, $0xb8;
	[tilespmem:$0x1B480] =	vst v63  }
0x6b: {  	_ =	swait.ge [sflag:s20], $0x4000  }
0x6c: {  	s29 =	simm.s32 $0x400;
	s28 =	simm.s32 $0x200;
	[sflag:s20] =	ssyncset.done $0x0  }
.LBB2_10:
0x6d: {  	s30 =	sshra.s32 s28, $0x2  }
0x6e: {  	[sflag:s20] =	ssyncadd.s32 $0xFFFFC000;
	s28 =	smov.u32 s29;
	s31 =	sadd.s32 $0x200, s29  }
0x6f: {  	[tilespmem:s23], [sflag:$0x1] =	stream.indirect.gather [hbm4b:s1+s22], $0x80, s30, s22, $0xb8;
	[tilespmem:$0x1B480] =	vst v63  }
0x70: {  	p2 =	seq.s32 s29, $0x6E00;
	_ =	swait.ge [sflag:s20], $0x4000  }
.Ltmp4:
0x71: {  	[sflag:s20] =	ssyncset.done $0x0;
	(pc) =	sbr.rel @!p2 .LBB2_10-.Ltmp4, $4  }
0x72: {  	s29 =	sadd.s32 $0x1C00, s30;
	[sflag:s20] =	ssyncadd.s32 $0xFFFFC000  }
0x73: {  	[spmem:s2] =	stream.indirect.scatter.add.f32 [tilespmem:s23], [sflag:$0x1], $0x80, s29, s22, $0xb8;
	[tilespmem:$0x1B480] =	vst v63  }
0x74: {  	_ =	swait.ge [sflag:s20], $0x4000  }
0x75: {  	s29 =	smov.u32 s31;
	[sflag:s20] =	ssyncset.done $0x0  }
.Ltmp5:
0x76: {  	_ = 	snop;
	(pc) =	sbr.rel .LBB2_11-.Ltmp5, $1  }
0x77: {  	_ =	sdelay $0x3  }
.LBB2_2:
0x78: {  	[spmem:s28], [sflag:s19] =	dma.local [hbm:s7], $0x2780  }
0x79: {  	_ =	swait.ge [sflag:s20], $0x2780  }
0x7a: {  	[sflag:s20] =	ssyncset.done $0x0  }
0x7b: {  	[sflag:s20] =	ssyncadd.s32 $0xFFFFD880  }
0x7c: {  	s28 =	simm.s32 $0x0;
	[bflag:$0x0] =	sbarrier.arrive $0xFFFF  }
0x7d: {  	[tilespmem:s28], [sflag:$0x1] =	stream.linear.gather [hbm4b:s8+s28], $0xC00, $0x38;
	[tilespmem:$0x1B480] =	vst v63  }
0x7e: {  	_ =	swait.ge [sflag:s20], $0xC00  }
0x7f: {  	[sflag:s20] =	ssyncset.done $0x0  }
0x80: {  	[sflag:s20] =	ssyncadd.s32 $0xFFFFF400  }
0x81: {  	[tilespmem:s21], [sflag:$0x1] =	stream.linear.gather [hbm4b:s9+s28], $0xC00, $0x38;
	[tilespmem:$0x1B480] =	vst v63  }
0x82: {  	_ =	swait.ge [sflag:s20], $0xC00  }
0x83: {  	[sflag:s20] =	ssyncset.done $0x0  }
0x84: {  	s28 =	simm.s32 $0x0;
	[sflag:s20] =	ssyncadd.s32 $0xFFFFF400  }
0x85: {  	[tilespmem:s23], [sflag:$0x1] =	stream.indirect.gather [hbm4b:s1+s22], $0x80, s28, s22, $0xb8;
	[tilespmem:$0x1B480] =	vst v63  }
0x86: {  	_ =	swait.ge [sflag:s20], $0x4000  }
0x87: {  	[sflag:s20] =	ssyncset.done $0x0  }
0x88: {  	s28 =	simm.s32 $0x1C00;
	[sflag:s20] =	ssyncadd.s32 $0xFFFFC000  }
0x89: {  	[spmem:s2] =	stream.indirect.scatter.add.f32 [tilespmem:s23], [sflag:$0x1], $0x80, s28, s22, $0xb8;
	[tilespmem:$0x1B480] =	vst v63  }
0x8a: {  	_ =	swait.ge [sflag:s20], $0x4000  }
0x8b: {  	s29 =	simm.s32 $0x400;
	s28 =	simm.s32 $0x200;
	[sflag:s20] =	ssyncset.done $0x0  }
.LBB2_3:
0x8c: {  	s30 =	sshra.s32 s28, $0x2  }
0x8d: {  	[sflag:s20] =	ssyncadd.s32 $0xFFFFC000;
	s28 =	smov.u32 s29;
	s31 =	sadd.s32 $0x200, s29  }
0x8e: {  	[tilespmem:s23], [sflag:$0x1] =	stream.indirect.gather [hbm4b:s1+s22], $0x80, s30, s22, $0xb8;
	[tilespmem:$0x1B480] =	vst v63  }
0x8f: {  	p2 =	sne.s32 s29, $0x2E00;
	_ =	swait.ge [sflag:s20], $0x4000  }
.Ltmp6:
0x90: {  	[sflag:s20] =	ssyncset.done $0x0;
	(pc) =	sbr.rel @p2 .LBB2_3-.Ltmp6, $4  }
0x91: {  	s29 =	sadd.s32 $0x1C00, s30;
	[sflag:s20] =	ssyncadd.s32 $0xFFFFC000  }
0x92: {  	[spmem:s2] =	stream.indirect.scatter.add.f32 [tilespmem:s23], [sflag:$0x1], $0x80, s29, s22, $0xb8;
	[tilespmem:$0x1B480] =	vst v63  }
0x93: {  	_ =	swait.ge [sflag:s20], $0x4000  }
0x94: {  	s29 =	smov.u32 s31;
	[sflag:s20] =	ssyncset.done $0x0  }
0x95: {  	s28 =	sshra.s32 s28, $0x2;
	[sflag:s20] =	ssyncadd.s32 $0xFFFFC000  }
0x96: {  	[tilespmem:s23], [sflag:$0x1] =	stream.indirect.gather [hbm4b:s1+s22], $0x80, s28, s22, $0xb8;
	[tilespmem:$0x1B480] =	vst v63  }
0x97: {  	_ =	swait.ge [sflag:s20], $0x4000  }
0x98: {  	[sflag:s20] =	ssyncset.done $0x0  }
0x99: {  	s28 =	sadd.s32 $0x1C00, s28;
	[sflag:s20] =	ssyncadd.s32 $0xFFFFC000  }
0x9a: {  	[spmem:s2] =	stream.indirect.scatter.add.f32 [tilespmem:s23], [sflag:$0x1], $0x80, s28, s22, $0xb8;
	[tilespmem:$0x1B480] =	vst v63  }
0x9b: {  	_ =	swait.ge [sflag:s20], $0x4000  }
0x9c: {  	[sflag:s20] =	ssyncset.done $0x0  }
0x9d: {  	s28 =	simm.s32 $0x0;
	[sflag:s20] =	ssyncadd.s32 $0xFFFFC000  }
0x9e: {  	[tilespmem:s28], [sflag:$0x1] =	stream.linear.gather [hbm4b:s10+s28], $0xC00, $0x38;
	[tilespmem:$0x1B480] =	vst v63  }
0x9f: {  	_ =	swait.ge [sflag:s20], $0xC00  }
0xa0: {  	[sflag:s20] =	ssyncset.done $0x0  }
0xa1: {  	[sflag:s20] =	ssyncadd.s32 $0xFFFFF400  }
0xa2: {  	[tilespmem:s21], [sflag:$0x1] =	stream.linear.gather [hbm4b:s11+s28], $0xC00, $0x38;
	[tilespmem:$0x1B480] =	vst v63  }
0xa3: {  	_ =	swait.ge [sflag:s20], $0xC00  }
0xa4: {  	[sflag:s20] =	ssyncset.done $0x0  }
0xa5: {  	s28 =	simm.s32 $0x0;
	[sflag:s20] =	ssyncadd.s32 $0xFFFFF400  }
0xa6: {  	[tilespmem:s23], [sflag:$0x1] =	stream.indirect.gather [hbm4b:s1+s22], $0x80, s28, s22, $0xb8;
	[tilespmem:$0x1B480] =	vst v63  }
0xa7: {  	_ =	swait.ge [sflag:s20], $0x4000  }
0xa8: {  	[sflag:s20] =	ssyncset.done $0x0  }
0xa9: {  	s28 =	simm.s32 $0x1C00;
	[sflag:s20] =	ssyncadd.s32 $0xFFFFC000  }
0xaa: {  	[spmem:s2] =	stream.indirect.scatter.add.f32 [tilespmem:s23], [sflag:$0x1], $0x80, s28, s22, $0xb8;
	[tilespmem:$0x1B480] =	vst v63  }
0xab: {  	_ =	swait.ge [sflag:s20], $0x4000  }
0xac: {  	s29 =	simm.s32 $0x400;
	s28 =	simm.s32 $0x200;
	[sflag:s20] =	ssyncset.done $0x0  }
.LBB2_5:
0xad: {  	s30 =	sshra.s32 s28, $0x2  }
0xae: {  	[sflag:s20] =	ssyncadd.s32 $0xFFFFC000;
	s28 =	smov.u32 s29;
	s31 =	sadd.s32 $0x200, s29  }
0xaf: {  	[tilespmem:s23], [sflag:$0x1] =	stream.indirect.gather [hbm4b:s1+s22], $0x80, s30, s22, $0xb8;
	[tilespmem:$0x1B480] =	vst v63  }
0xb0: {  	p2 =	sne.s32 s29, $0x2E00;
	_ =	swait.ge [sflag:s20], $0x4000  }
.Ltmp7:
0xb1: {  	[sflag:s20] =	ssyncset.done $0x0;
	(pc) =	sbr.rel @p2 .LBB2_5-.Ltmp7, $4  }
0xb2: {  	s29 =	sadd.s32 $0x1C00, s30;
	[sflag:s20] =	ssyncadd.s32 $0xFFFFC000  }
0xb3: {  	[spmem:s2] =	stream.indirect.scatter.add.f32 [tilespmem:s23], [sflag:$0x1], $0x80, s29, s22, $0xb8;
	[tilespmem:$0x1B480] =	vst v63  }
0xb4: {  	_ =	swait.ge [sflag:s20], $0x4000  }
0xb5: {  	s29 =	smov.u32 s31;
	[sflag:s20] =	ssyncset.done $0x0  }
0xb6: {  	s28 =	sshra.s32 s28, $0x2;
	[sflag:s20] =	ssyncadd.s32 $0xFFFFC000  }
0xb7: {  	[tilespmem:s23], [sflag:$0x1] =	stream.indirect.gather [hbm4b:s1+s22], $0x80, s28, s22, $0xb8;
	[tilespmem:$0x1B480] =	vst v63  }
0xb8: {  	_ =	swait.ge [sflag:s20], $0x4000  }
0xb9: {  	[sflag:s20] =	ssyncset.done $0x0  }
.Ltmp8:
0xba: {  	s28 =	sadd.s32 $0x1C00, s28;
	[sflag:s20] =	ssyncadd.s32 $0xFFFFC000;
	(pc) =	sbr.rel .LBB2_12-.Ltmp8, $4  }
0xbb: {  	[spmem:s2] =	stream.indirect.scatter.add.f32 [tilespmem:s23], [sflag:$0x1], $0x80, s28, s22, $0xb8;
	[tilespmem:$0x1B480] =	vst v63  }
0xbc: {  	_ =	swait.ge [sflag:s20], $0x4000  }
0xbd: {  	[sflag:s20] =	ssyncset.done $0x0  }
0xbe: {  	[sflag:s20] =	ssyncadd.s32 $0xFFFFC000  }
.LBB2_13:
0xbf: {  	_ =	sfence.sel $0x180000  }
0xc0: {  	[bflag:$0x0] =	sbarrier.arrive $0xFFFF  }
0xc1: {  	p0 =	sne.s32 s3, $0x0;
	_ =	strace $0x9000004D  }
0xc2: {  	s0 =	sadd.s32 @!p0 $0x100000, s0;
	[bflag:$0x2] =	sbarrier.arrive $0xFFFF  }
0xc3: {  	[sflag:s0] =	ssyncadd.tile.s32 @!p0 $0x1;
	_ =	shalt  }
.Lfunc_end2:
_tile_overlayer_lowered:
.L_overlay_start_2:
0xc4: {  	(tag) =	ssettag $0x2  }
0xc5: {  	s0 =	rddreg [dreg:$0x0];
	s2 =	stileid.u32  }
0xc6: {  	s1 =	rddreg [dreg:$0x1];
	p0 =	sne.s32 s2, $0x0  }
0xc7: {  	s3 =	rddreg [dreg:$0x2];
	[bflag:$0x3] =	sbarrier.arrive $0xFFFF;
	s2 =	simm.s32 @!p0 $0x1C01  }
0xc8: {  	[timem:s3], [sflag:s2] =	dma.local @!p0 [hbm:s0], s1  }
0xc9: {  	s0 =	simm.s32 @!p0 $0x1  }
0xca: {  	_ =	swait.ge @!p0 [sflag:s0], s1  }
0xcb: {  	s1 =	ssub.s32 @!p0 $0x0, s1;
	[sflag:s0] =	ssyncset.done @!p0 $0x0  }
0xcc: {  	[sflag:s0] =	ssyncadd.s32 @!p0 s1  }
0xcd: {  	[bflag:$0x3] =	sbarrier.arrive $0xFFFF  }
0xce: {  	_ =	shalt  }

// kernel: kernel.8.cloned.1.call-start
scs
__scs_entry_jumppad:
0x0: {  	(pc) =	sbr.rel $0x88, $3  }
0x1: {  	(tag) =	ssettag $0x0;
	lr =	simm.s32 $0x1  }
0x2: {  	[smem:$0x3F99] =	sst lr;
	_ =	strace $0xD0000000  }
0x3: {  	_ = 	snop  }
0x4: {  	_ = 	snop  }
0x5: {  	_ = 	snop  }
0x6: {  	_ = 	snop  }
0x7: {  	_ = 	snop  }
__scs_overlays_trampoline_lowered:
0x8: {  	[smem:$0x3FA8] =	sst s0  }
0x9: {  	[smem:$0x3FA9] =	sst s1  }
0xa: {  	[smem:$0x3FAA] =	sst s2  }
0xb: {  	[smem:$0x3FAB] =	sst s3  }
0xc: {  	[smem:$0x3FAC] =	sst s4  }
0xd: {  	[smem:$0x3FAD] =	sst s5  }
0xe: {  	[smem:$0x3FAE] =	sst s6  }
0xf: {  	[smem:$0x3FAF] =	sst s7  }
0x10: {  	[smem:$0x3FB0] =	sst s8  }
0x11: {  	[smem:$0x3FB1] =	sst s9;
	s0 =	simm.s32 @!p0 $0x0  }
0x12: {  	s1 =	sld [smem:$0x3F97];
	s0 =	simm.s32 @p0 $0x1  }
0x13: {  	[smem:$0x3FB2] =	sst s0;
	s0 =	simm.s32 @!p1 $0x0  }
0x14: {  	s2 =	sld [smem:$0x3F96];
	s0 =	simm.s32 @p1 $0x1  }
0x15: {  	[smem:$0x3FB3] =	sst s0;
	s0 =	simm.s32 @!p2 $0x0  }
0x16: {  	s3 =	sld [smem:$0x3FDB];
	s0 =	simm.s32 @p2 $0x1  }
0x17: {  	s4 =	simm.s32 $0x1BF5;
	[smem:$0x3FB5] =	sst s0  }
0x18: {  	s0 =	sld [smem:$0x3F98];
	_ =	swait.ge [sflag:s4], $0x0  }
0x19: {  	s7 =	sld [smem:$0x3F99]  }
0x1a: {  	s8 =	sadd.s32 $0xFFFFE003, lr  }
0x1b: {  	s9 =	sadd.s32 $0xFFFFFEF7, lr;
	s5 =	simm.s32 $0xFFFFFFFF;
	p2 =	slt.u32 s8, $0xFFFFF086  }
0x1c: {  	p1 =	slt.u32 s9, $0xF7A;
	s5 =	simm.s32 @!p2 $0x0  }
0x1d: {  	s5 =	simm.s32 @p1 $0x1;
	p0 =	seq.s32 s7, s2  }
0x1e: {  	s7 =	smul.u32 @!p0 $0xF7A, s2;
	p2 =	seq.s32 @!p0 s5, $0x0  }
0x1f: {  	s9 =	smul.u32 $0xF7A, s1;
	s8 =	simm.s32 @!p0 $0x1BF5;
	p2 =	por !p2, p0  }
0x20: {  	[sflag:s8] =	ssyncset.s32 @!p0 $0xFFFFF086;
	s6 =	sadd.s32 @!p0 s3, s7;
	s7 =	simm.s32 @!p0 $0x108  }
0x21: {  	s3 =	sadd.s32 s3, s9;
	s6 =	sadd.s32 @!p0 $0x88, s6;
	s7 =	simm.s32 @p2 $0x1082  }
0x22: {  	[simem:s7], [sflag:s8] =	dma.local @!p0 [hbm:s6], $0xF7A  }
0x23: {  	s9 =	sor.u32 $0xD0000000, s2;
	s6 =	simm.s32 $0x108;
	_ =	swait.ge @!p0 [sflag:s8], $0x0  }
0x24: {  	s3 =	sadd.s32 $0x88, s3;
	s6 =	simm.s32 @!p1 $0x1082;
	[sflag:s4] =	ssyncset.s32 $0xFFFFF086  }
0x25: {  	[simem:s6], [sflag:s4] =	dma.local [hbm:s3], $0xF7A  }
0x26: {  	[smem:$0x3F99] =	sst s1;
	(tag) =	ssettag s2;
	_ =	strace s9  }
0x27: {  	s1 =	sld [smem:$0x3FA9]  }
0x28: {  	s2 =	sld [smem:$0x3FAA]  }
0x29: {  	s4 =	sld [smem:$0x3FAC]  }
0x2a: {  	p0 =	seq.s32 s5, $0x0;
	s5 =	sld [smem:$0x3FAD]  }
0x2b: {  	s6 =	sld [smem:$0x3FAE]  }
0x2c: {  	s7 =	sld [smem:$0x3FAF]  }
0x2d: {  	s3 =	simm.s32 $0x108;
	s8 =	sld [smem:$0x3FB0]  }
0x2e: {  	s3 =	simm.s32 @!p0 $0x1082;
	s9 =	sld [smem:$0x3FB1]  }
0x2f: {  	lr =	sadd.s32 s0, s3;
	s0 =	sld [smem:$0x3FA8]  }
0x30: {  	s3 =	sld [smem:$0x3FAB]  }
0x31: {  	[smem:$0x3FB4] =	sst s10  }
0x32: {  	s10 =	sld [smem:$0x3FB2];
	_ =	sdelay $0x3  }
0x33: {  	p0 =	seq.s32 s10, $0x1;
	s10 =	sld [smem:$0x3FB4];
	_ =	sdelay $0x3  }
0x34: {  	[smem:$0x3FB4] =	sst s10  }
0x35: {  	s10 =	sld [smem:$0x3FB3];
	_ =	sdelay $0x3  }
0x36: {  	p1 =	seq.s32 s10, $0x1;
	s10 =	sld [smem:$0x3FB4];
	_ =	sdelay $0x3  }
0x37: {  	[smem:$0x3FB4] =	sst s10  }
0x38: {  	s10 =	sld [smem:$0x3FB5]  }
0x39: {  	_ = 	snop;
	(pc) =	sbr.ind lr, $3  }
0x3a: {  	_ = 	snop  }
0x3b: {  	_ = 	snop  }
0x3c: {  	p2 =	seq.s32 s10, $0x1;
	s10 =	sld [smem:$0x3FB4]  }
0x3d: {  	_ =	shalt  }
0x3e: {  	_ =	shalt  }
0x3f: {  	_ =	shalt  }
0x40: {  	_ =	shalt  }
0x41: {  	_ =	shalt  }
0x42: {  	_ =	shalt  }
0x43: {  	_ =	shalt  }
0x44: {  	_ =	shalt  }
0x45: {  	_ =	shalt  }
0x46: {  	_ =	shalt  }
0x47: {  	_ =	shalt  }
0x48: {  	_ =	shalt  }
0x49: {  	_ =	shalt  }
0x4a: {  	_ =	shalt  }
0x4b: {  	_ =	shalt  }
0x4c: {  	_ =	shalt  }
0x4d: {  	_ =	shalt  }
0x4e: {  	_ =	shalt  }
0x4f: {  	_ =	shalt  }
0x50: {  	_ =	shalt  }
0x51: {  	_ =	shalt  }
0x52: {  	_ =	shalt  }
0x53: {  	_ =	shalt  }
0x54: {  	_ =	shalt  }
0x55: {  	_ =	shalt  }
0x56: {  	_ =	shalt  }
0x57: {  	_ =	shalt  }
0x58: {  	_ =	shalt  }
0x59: {  	_ =	shalt  }
0x5a: {  	_ =	shalt  }
0x5b: {  	_ =	shalt  }
0x5c: {  	_ =	shalt  }
0x5d: {  	_ =	shalt  }
0x5e: {  	_ =	shalt  }
0x5f: {  	_ =	shalt  }
0x60: {  	_ =	shalt  }
0x61: {  	_ =	shalt  }
0x62: {  	_ =	shalt  }
0x63: {  	_ =	shalt  }
0x64: {  	_ =	shalt  }
0x65: {  	_ =	shalt  }
0x66: {  	_ =	shalt  }
0x67: {  	_ =	shalt  }
0x68: {  	_ =	shalt  }
0x69: {  	_ =	shalt  }
0x6a: {  	_ =	shalt  }
0x6b: {  	_ =	shalt  }
0x6c: {  	_ =	shalt  }
0x6d: {  	_ =	shalt  }
0x6e: {  	_ =	shalt  }
0x6f: {  	_ =	shalt  }
0x70: {  	_ =	shalt  }
0x71: {  	_ =	shalt  }
0x72: {  	_ =	shalt  }
0x73: {  	_ =	shalt  }
0x74: {  	_ =	shalt  }
0x75: {  	_ =	shalt  }
0x76: {  	_ =	shalt  }
0x77: {  	_ =	shalt  }
0x78: {  	_ =	shalt  }
0x79: {  	_ =	shalt  }
0x7a: {  	_ =	shalt  }
0x7b: {  	_ =	shalt  }
0x7c: {  	_ =	shalt  }
0x7d: {  	_ =	shalt  }
0x7e: {  	_ =	shalt  }
0x7f: {  	_ =	shalt  }
0x80: {  	_ =	shalt  }
0x81: {  	_ =	shalt  }
0x82: {  	_ =	shalt  }
0x83: {  	_ =	shalt  }
0x84: {  	_ =	shalt  }
0x85: {  	_ =	shalt  }
0x86: {  	_ =	shalt  }
0x87: {  	_ =	shalt  }
.Lfunc_end0:
.L_simem_size_0:
called_computation_lowered:
.L_overlay_start_0:
0x88: {  	s2 =	sld [smem:$0x3FD9]  }
0x89: {  	s3 =	sld [smem:$0x3FFE];
	_ =	sdelay $0x1  }
0x8a: {  	s1 =	srdreg.scid  }
0x8b: {  	s0 =	sand.u32 $0x1, s1  }
0x8c: {  	s17 =	sshll.u32 s0, $0xA;
	s2 =	sadd.s32 s3, s2  }
0x8d: {  	s2 =	sadd.s32 s2, s17  }
0x8e: {  	[smem:$0x3FC0] =	sst s2  }
0x8f: {  	_ = 	snop  }
0x90: {  	s2 =	sld [smem:$0x3FC6]  }
0x91: {  	s18 =	sld [smem:$0x3FD0];
	(tm) =	ssettm $0x1  }
0x92: {  	s4 =	sld [smem:$0x3FFB];
	_ =	sdelay $0x3  }
0x93: {  	_ =	strace s4  }
0x94: {  	s4 =	sld [smem:$0x3FFC];
	_ =	sdelay $0x3  }
0x95: {  	_ =	strace s4  }
0x96: {  	s4 =	sld [smem:$0x3FFD];
	_ =	sdelay $0x3  }
0x97: {  	_ =	strace s4  }
0x98: {  	_ =	strace $0x8FFFFFFF  }
0x99: {  	s19 =	sld [smem:$0x3FDB];
	_ =	sdelay $0x1  }
0x9a: {  	s5 =	simm.s32 $_scs_section_size  }
0x9b: {  	s6 =	simm.s32 $_size__tile_overlayer_lowered;
	s7 =	simm.s32 $_tile_overlayer_lowered  }
0x9c: {  	s22 =	simm.s32 $0x1BFF;
	s21 =	sshll.u32 s7, $0x1;
	s4 =	sadd.s32 s5, s19  }
0x9d: {  	s8 =	simm.s32 $0x0;
	s20 =	sshll.u32 s6, $0x1;
	s6 =	sadd.s32 s21, s4  }
0x9e: {  	[timem:s8], [sflag:s22] =	dma.local [hbm:s6], s20  }
0x9f: {  	_ =	swait.ge [sflag:s22], s20  }
0xa0: {  	s5 =	ssub.s32 $0x0, s20;
	[sflag:s22] =	ssyncset.done $0x0  }
0xa1: {  	[sflag:s22] =	ssyncadd.s32 s5;
	_ =	sdelay $0x1  }
0xa2: {  	s23 =	simm.s32 $0x1B8B  }
0xa3: {  	_ =	swait.ge [sflag:s23], $0x1  }
0xa4: {  	[sflag:s23] =	ssyncset.done $0x0  }
0xa5: {  	s25 =	simm.s32 $0x1B8E;
	s24 =	sld [smem:$0x3FFE];
	[sflag:s23] =	ssyncadd.s32 $0xFFFFFFFF  }
0xa6: {  	s26 =	simm.s32 $execute0_lowered;
	[smem:$0x3FD2] =	sst s25  }
0xa7: {  	s6 =	sshll.u32 s26, $0x1;
	_ =	strace $0x80000046;
	[dreg:$0x1] =	wrdreg $0xFFFFFFFF  }
0xa8: {  	s28 =	simm.s32 $_size_execute0_lowered;
	s4 =	sadd.s32 s4, s6;
	[dreg:$0x0] =	wrdreg $0x0  }
0xa9: {  	s6 =	sshll.u32 s28, $0x1;
	[dreg:$0x2] =	wrdreg s4  }
0xaa: {  	[dreg:$0x3] =	wrdreg s6  }
0xab: {  	[dreg:$0x4] =	wrdreg $0xC0  }
0xac: {  	_ =	task [dreg:s8], $0x5FFFF  }
0xad: {  	[dreg:$0x1] =	wrdreg $0xFFFFFFFF  }
0xae: {  	[dreg:$0x0] =	wrdreg $0x60  }
0xaf: {  	[dreg:$0x2] =	wrdreg s24  }
0xb0: {  	[dreg:$0x3] =	wrdreg s2  }
0xb1: {  	[dreg:$0x4] =	wrdreg s18  }
0xb2: {  	[dreg:$0x5] =	wrdreg $0x7C800  }
0xb3: {  	[dreg:$0x6] =	wrdreg $0x9  }
0xb4: {  	_ =	task.clear_ibuf [dreg:s8], $0x7FFFF;
	_ =	strace $0x90000046  }
0xb5: {  	s29 =	simm.s32 $0x9;
	_ =	strace $0x80000048  }
0xb6: {  	_ =	swait.ge [sflag:s29], $0x1  }
0xb7: {  	[sflag:s29] =	ssyncadd.s32 $0xFFFFFFFF  }
0xb8: {  	_ =	strace $0x90000048  }
0xb9: {  	_ =	sfence  }
0xba: {  	s30 =	sld [smem:$0x0];
	_ =	sdelay $0x2  }
0xbb: {  	s31 =	sshll.u32 s1, $0xD;
	s1 =	sshrl.u32 s1, $0x2  }
0xbc: {  	s3 =	sand.u32 $0x4000, s31;
	s1 =	sadd.s32 s1, s30  }
0xbd: {  	s0 =	sor.u32 s3, s0;
	s1 =	sshll.u32 s1, $0x11  }
0xbe: {  	s0 =	sor.u32 s1, s0  }
0xbf: {  	s0 =	sadd.s32 $0x8F2B, s0  }
0xc0: {  	[sflag:s0] =	ssyncadd.remote.s32 $0x1  }
0xc1: {  	_ =	sfence.sel $0xFFFF  }
0xc2: {  	[dreg:$0x0] =	wrdreg $0xFFFFFFFF;
	(pc) =	sbr.abs _section_cstart, $3  }
0xc3: {  	[dreg:$0x1] =	wrdreg $0xFFFFFFFF  }
0xc4: {  	_ =	task.clear_ibuf [dreg:s8], $0x2FFFF;
	_ =	strace $0x9FFFFFFF  }
0xc5: {  	(tm) =	ssettm $0x7FFFFFFF  }
tec
execute0_lowered:
.L_overlay_start_1:
0x0: {  	(tag) =	ssettag $0x1  }
0x1: {  	s0 =	srdreg.scid;
	s2 =	rddreg [dreg:$0x0]  }
0x2: {  	s1 =	rddreg [dreg:$0x1];
	s29 =	stileid.u32  }
0x3: {  	s19 =	rddreg [dreg:$0x2];
	s4 =	simm.s32 $0x0;
	s28 =	simm.s32 $0x2080  }
0x4: {  	s30 =	simm.s32 $0x2100;
	s31 =	simm.s32 $0x2180;
	s0 =	sand.u32 $0x1, s0  }
0x5: {  	s18 =	smul.u32 $0x14000, s29;
	[smem:$0x7FF] =	sst s4;
	s14 =	sadd.s32 $0x3200, s2  }
0x6: {  	s3 =	sshll.u32 s0, $0x4;
	s12 =	ssub.s32 $0x2, s0;
	p0 =	sne.s32 s0, $0x0  }
0x7: {  	s6 =	sor.u32 s29, s3;
	s3 =	rddreg [dreg:$0x3];
	_ =	strace $0x80000047  }
0x8: {  	s7 =	sshrl.u32 s18, $0x3;
	s8 =	sshrl.u32 s12, $0x1;
	s5 =	smul.u32 $0x3800, s6  }
0x9: {  	s17 =	sadd.s32 s7, s2;
	s15 =	smul.u32 $0x140, s6;
	s22 =	ssub.s32 s12, s8  }
0xa: {  	s9 =	smul.u32 $0x1400, s6;
	s17 =	sadd.s32 $0x12000, s17;
	s22 =	smax.u32 s22, $0x1  }
0xb: {  	s5 =	sshrl.u32 s5, $0x3;
	s13 =	sshrl.u32 s15, $0x3;
	s10 =	sadd.s32 $0x40, s15  }
0xc: {  	s11 =	sadd.s32 $0x80, s15;
	s20 =	sadd.s32 s5, s2;
	s5 =	sadd.s32 $0x11800, s2  }
0xd: {  	s2 =	sadd.s32 $0x3A000, s2;
	s6 =	sadd.s32 s14, s13;
	s16 =	sshrl.u32 s10, $0x3  }
0xe: {  	s21 =	sshll.u32 s10, $0x4;
	s23 =	sshrl.u32 s11, $0x3;
	s13 =	sadd.s32 $0xC0, s15  }
0xf: {  	s11 =	sshll.u32 s11, $0x4;
	s15 =	sadd.s32 $0x100, s15;
	s7 =	sadd.s32 s2, s9  }
0x10: {  	s8 =	sadd.s32 s14, s16;
	s9 =	sadd.s32 s2, s21;
	s10 =	sadd.s32 s14, s23  }
0x11: {  	s12 =	sshrl.u32 s13, $0x3;
	s11 =	sadd.s32 s2, s11;
	s13 =	sshll.u32 s13, $0x4  }
0x12: {  	s16 =	smul.u32 $0x50000, s29;
	s21 =	sshrl.u32 s15, $0x3;
	s15 =	sshll.u32 s15, $0x4  }
0x13: {  	s23 =	smul.u32 $0x140000, s0;
	s26 =	sadd.s32 $0x3980, s20;
	s12 =	sadd.s32 s14, s12  }
0x14: {  	s13 =	sadd.s32 s2, s13;
	s14 =	sadd.s32 s14, s21;
	s15 =	sadd.s32 s2, s15  }
.Ltmp0:
0x15: {  	[dreg:$0x5] =	wrdreg s26;
	s26 =	simm.s32 $0x3C80;
	(pc) =	sbr.rel .LBB2_1-.Ltmp0, $4  }
0x16: {  	s24 =	sshrl.u32 s16, $0x2;
	s25 =	sadd.s32 s18, s23;
	s18 =	sadd.s32 $0x3800, s20  }
0x17: {  	s20 =	sadd.s32 $0x3B80, s20;
	s23 =	simm.s32 $0x1;
	s16 =	sadd.s32 s24, s3  }
0x18: {  	s2 =	sshrl.u32 s25, $0x3;
	[dreg:$0x6] =	wrdreg s20;
	s24 =	simm.s32 $0x40  }
0x19: {  	s25 =	simm.s32 $0x80;
	s20 =	simm.s32 $0x0;
	s21 =	sadd.s32 s19, s2  }
.LBB2_7:
0x1a: {  	[tilespmem:s28], [sflag:$0x1] =	stream.linear.gather [hbm4b:s18+s4], $0xC00, $0x38;
	[tilespmem:$0x1BC80] =	vst v63  }
0x1b: {  	_ =	swait.ge [sflag:s23], $0xC00  }
0x1c: {  	[sflag:s23] =	ssyncset.done $0x0  }
0x1d: {  	[sflag:s23] =	ssyncadd.s32 $0xFFFFF400  }
0x1e: {  	[spmem:s3] =	stream.indirect.scatter.add.f32 [tilespmem:s26], [sflag:$0x1], $0x80, s28, s25, $0xb8;
	[tilespmem:$0x1BC80] =	vst v63  }
0x1f: {  	_ =	swait.ge [sflag:s23], $0x4000  }
0x20: {  	[sflag:s23] =	ssyncset.done $0x0  }
0x21: {  	[sflag:s23] =	ssyncadd.s32 $0xFFFFC000  }
0x22: {  	[spmem:s3] =	stream.indirect.scatter.add.f32 [tilespmem:s26], [sflag:$0x1], $0x80, s30, s25, $0xb8;
	[tilespmem:$0x1BC80] =	vst v63  }
0x23: {  	_ =	swait.ge [sflag:s23], $0x4000  }
0x24: {  	[sflag:s23] =	ssyncset.done $0x0  }
0x25: {  	[sflag:s23] =	ssyncadd.s32 $0xFFFFC000  }
0x26: {  	[spmem:s3] =	stream.indirect.scatter.add.f32 [tilespmem:s26], [sflag:$0x1], $0x80, s31, s25, $0xb8;
	[tilespmem:$0x1BC80] =	vst v63  }
0x27: {  	_ =	swait.ge [sflag:s23], $0x4000  }
0x28: {  	[sflag:s23] =	ssyncset.done $0x0  }
0x29: {  	s28 =	simm.s32 $0x2200;
	[sflag:s23] =	ssyncadd.s32 $0xFFFFC000  }
0x2a: {  	[spmem:s3] =	stream.indirect.scatter.add.f32 [tilespmem:s26], [sflag:$0x1], $0x80, s28, s25, $0xb8;
	[tilespmem:$0x1BC80] =	vst v63  }
0x2b: {  	_ =	swait.ge [sflag:s23], $0x4000  }
0x2c: {  	[sflag:s23] =	ssyncset.done $0x0  }
0x2d: {  	s19 =	simm.s32 $0x2280;
	[sflag:s23] =	ssyncadd.s32 $0xFFFFC000  }
0x2e: {  	[spmem:s3] =	stream.indirect.scatter.add.f32 [tilespmem:s26], [sflag:$0x1], $0x80, s19, s25, $0xb8;
	[tilespmem:$0x1BC80] =	vst v63  }
0x2f: {  	_ =	swait.ge [sflag:s23], $0x4000  }
0x30: {  	[sflag:s23] =	ssyncset.done $0x0  }
0x31: {  	s19 =	simm.s32 $0x2300;
	[sflag:s23] =	ssyncadd.s32 $0xFFFFC000  }
0x32: {  	[spmem:s3] =	stream.indirect.scatter.add.f32 [tilespmem:s26], [sflag:$0x1], $0x80, s19, s25, $0xb8;
	[tilespmem:$0x1BC80] =	vst v63  }
0x33: {  	_ =	swait.ge [sflag:s23], $0x4000  }
0x34: {  	[sflag:s23] =	ssyncset.done $0x0  }
0x35: {  	s19 =	simm.s32 $0x2380;
	[sflag:s23] =	ssyncadd.s32 $0xFFFFC000  }
0x36: {  	[spmem:s3] =	stream.indirect.scatter.add.f32 [tilespmem:s26], [sflag:$0x1], $0x80, s19, s25, $0xb8;
	[tilespmem:$0x1BC80] =	vst v63  }
0x37: {  	_ =	swait.ge [sflag:s23], $0x4000  }
0x38: {  	[sflag:s23] =	ssyncset.done $0x0  }
0x39: {  	s19 =	simm.s32 $0x2400;
	[sflag:s23] =	ssyncadd.s32 $0xFFFFC000  }
0x3a: {  	[spmem:s3] =	stream.indirect.scatter.add.f32 [tilespmem:s26], [sflag:$0x1], $0x80, s19, s25, $0xb8;
	[tilespmem:$0x1BC80] =	vst v63  }
0x3b: {  	_ =	swait.ge [sflag:s23], $0x4000  }
0x3c: {  	[sflag:s23] =	ssyncset.done $0x0  }
0x3d: {  	s19 =	simm.s32 $0x2480;
	[sflag:s23] =	ssyncadd.s32 $0xFFFFC000  }
0x3e: {  	[spmem:s3] =	stream.indirect.scatter.add.f32 [tilespmem:s26], [sflag:$0x1], $0x80, s19, s25, $0xb8;
	[tilespmem:$0x1BC80] =	vst v63  }
0x3f: {  	_ =	swait.ge [sflag:s23], $0x4000  }
0x40: {  	[sflag:s23] =	ssyncset.done $0x0  }
0x41: {  	s19 =	simm.s32 $0x2500;
	[sflag:s23] =	ssyncadd.s32 $0xFFFFC000  }
0x42: {  	[spmem:s3] =	stream.indirect.scatter.add.f32 [tilespmem:s26], [sflag:$0x1], $0x80, s19, s25, $0xb8;
	[tilespmem:$0x1BC80] =	vst v63  }
0x43: {  	_ =	swait.ge [sflag:s23], $0x4000  }
0x44: {  	[sflag:s23] =	ssyncset.done $0x0  }
0x45: {  	s19 =	simm.s32 $0x2580;
	[sflag:s23] =	ssyncadd.s32 $0xFFFFC000  }
0x46: {  	[spmem:s3] =	stream.indirect.scatter.add.f32 [tilespmem:s26], [sflag:$0x1], $0x80, s19, s25, $0xb8;
	[tilespmem:$0x1BC80] =	vst v63  }
0x47: {  	_ =	swait.ge [sflag:s23], $0x4000  }
0x48: {  	[sflag:s23] =	ssyncset.done $0x0  }
0x49: {  	s19 =	simm.s32 $0x2600;
	[sflag:s23] =	ssyncadd.s32 $0xFFFFC000  }
0x4a: {  	[spmem:s3] =	stream.indirect.scatter.add.f32 [tilespmem:s26], [sflag:$0x1], $0x80, s19, s25, $0xb8;
	[tilespmem:$0x1BC80] =	vst v63  }
0x4b: {  	_ =	swait.ge [sflag:s23], $0x4000  }
0x4c: {  	[sflag:s23] =	ssyncset.done $0x0  }
0x4d: {  	s19 =	simm.s32 $0x2680;
	[sflag:s23] =	ssyncadd.s32 $0xFFFFC000  }
0x4e: {  	[spmem:s3] =	stream.indirect.scatter.add.f32 [tilespmem:s26], [sflag:$0x1], $0x80, s19, s25, $0xb8;
	[tilespmem:$0x1BC80] =	vst v63  }
0x4f: {  	_ =	swait.ge [sflag:s23], $0x4000  }
0x50: {  	[sflag:s23] =	ssyncset.done $0x0  }
0x51: {  	s19 =	simm.s32 $0x2700;
	[sflag:s23] =	ssyncadd.s32 $0xFFFFC000  }
0x52: {  	[spmem:s3] =	stream.indirect.scatter.add.f32 [tilespmem:s26], [sflag:$0x1], $0x80, s19, s25, $0xb8;
	[tilespmem:$0x1BC80] =	vst v63  }
0x53: {  	_ =	swait.ge [sflag:s23], $0x4000  }
0x54: {  	[sflag:s23] =	ssyncset.done $0x0  }
0x55: {  	s19 =	simm.s32 $0x2780;
	[sflag:s23] =	ssyncadd.s32 $0xFFFFC000  }
0x56: {  	[spmem:s3] =	stream.indirect.scatter.add.f32 [tilespmem:s26], [sflag:$0x1], $0x80, s19, s25, $0xb8;
	[tilespmem:$0x1BC80] =	vst v63  }
0x57: {  	_ =	swait.ge [sflag:s23], $0x4000  }
0x58: {  	[sflag:s23] =	ssyncset.done $0x0  }
0x59: {  	s19 =	simm.s32 $0x2800;
	[sflag:s23] =	ssyncadd.s32 $0xFFFFC000  }
0x5a: {  	[spmem:s3] =	stream.indirect.scatter.add.f32 [tilespmem:s26], [sflag:$0x1], $0x80, s19, s25, $0xb8;
	[tilespmem:$0x1BC80] =	vst v63  }
0x5b: {  	_ =	swait.ge [sflag:s23], $0x4000  }
0x5c: {  	[sflag:s23] =	ssyncset.done $0x0  }
0x5d: {  	s19 =	simm.s32 $0x2880;
	[sflag:s23] =	ssyncadd.s32 $0xFFFFC000  }
0x5e: {  	[spmem:s3] =	stream.indirect.scatter.add.f32 [tilespmem:s26], [sflag:$0x1], $0x80, s19, s25, $0xb8;
	[tilespmem:$0x1BC80] =	vst v63  }
0x5f: {  	_ =	swait.ge [sflag:s23], $0x4000  }
0x60: {  	[sflag:s23] =	ssyncset.done $0x0  }
0x61: {  	s19 =	simm.s32 $0x2900;
	[sflag:s23] =	ssyncadd.s32 $0xFFFFC000  }
0x62: {  	[spmem:s3] =	stream.indirect.scatter.add.f32 [tilespmem:s26], [sflag:$0x1], $0x80, s19, s25, $0xb8;
	[tilespmem:$0x1BC80] =	vst v63  }
0x63: {  	_ =	swait.ge [sflag:s23], $0x4000  }
0x64: {  	[sflag:s23] =	ssyncset.done $0x0  }
0x65: {  	s19 =	simm.s32 $0x2980;
	[sflag:s23] =	ssyncadd.s32 $0xFFFFC000  }
0x66: {  	[spmem:s3] =	stream.indirect.scatter.add.f32 [tilespmem:s26], [sflag:$0x1], $0x80, s19, s25, $0xb8;
	[tilespmem:$0x1BC80] =	vst v63  }
0x67: {  	_ =	swait.ge [sflag:s23], $0x4000  }
0x68: {  	[sflag:s23] =	ssyncset.done $0x0  }
0x69: {  	s19 =	simm.s32 $0x2A00;
	[sflag:s23] =	ssyncadd.s32 $0xFFFFC000  }
0x6a: {  	[spmem:s3] =	stream.indirect.scatter.add.f32 [tilespmem:s26], [sflag:$0x1], $0x80, s19, s25, $0xb8;
	[tilespmem:$0x1BC80] =	vst v63  }
0x6b: {  	_ =	swait.ge [sflag:s23], $0x4000  }
0x6c: {  	[sflag:s23] =	ssyncset.done $0x0  }
0x6d: {  	s19 =	simm.s32 $0x2A80;
	[sflag:s23] =	ssyncadd.s32 $0xFFFFC000  }
0x6e: {  	[spmem:s3] =	stream.indirect.scatter.add.f32 [tilespmem:s26], [sflag:$0x1], $0x80, s19, s25, $0xb8;
	[tilespmem:$0x1BC80] =	vst v63  }
0x6f: {  	_ =	swait.ge [sflag:s23], $0x4000  }
0x70: {  	[sflag:s23] =	ssyncset.done $0x0  }
0x71: {  	s19 =	simm.s32 $0x2B00;
	[sflag:s23] =	ssyncadd.s32 $0xFFFFC000  }
0x72: {  	[spmem:s3] =	stream.indirect.scatter.add.f32 [tilespmem:s26], [sflag:$0x1], $0x80, s19, s25, $0xb8;
	[tilespmem:$0x1BC80] =	vst v63  }
0x73: {  	_ =	swait.ge [sflag:s23], $0x4000  }
0x74: {  	[sflag:s23] =	ssyncset.done $0x0  }
0x75: {  	s19 =	simm.s32 $0x2B80;
	[sflag:s23] =	ssyncadd.s32 $0xFFFFC000  }
0x76: {  	[spmem:s3] =	stream.indirect.scatter.add.f32 [tilespmem:s26], [sflag:$0x1], $0x80, s19, s25, $0xb8;
	[tilespmem:$0x1BC80] =	vst v63  }
0x77: {  	_ =	swait.ge [sflag:s23], $0x4000  }
0x78: {  	[sflag:s23] =	ssyncset.done $0x0  }
0x79: {  	s19 =	simm.s32 $0x2C00;
	[sflag:s23] =	ssyncadd.s32 $0xFFFFC000  }
0x7a: {  	[spmem:s3] =	stream.indirect.scatter.add.f32 [tilespmem:s26], [sflag:$0x1], $0x80, s19, s25, $0xb8;
	[tilespmem:$0x1BC80] =	vst v63  }
0x7b: {  	_ =	swait.ge [sflag:s23], $0x4000  }
0x7c: {  	[sflag:s23] =	ssyncset.done $0x0  }
0x7d: {  	s29 =	simm.s32 $0x2080;
	s19 =	rddreg [dreg:$0x5];
	[sflag:s23] =	ssyncadd.s32 $0xFFFFC000  }
0x7e: {  	[tilespmem:s29], [sflag:$0x1] =	stream.linear.gather [hbm4b:s19+s4], $0xC00, $0x38;
	[tilespmem:$0x1BC80] =	vst v63  }
0x7f: {  	_ =	swait.ge [sflag:s23], $0xC00  }
0x80: {  	[sflag:s23] =	ssyncset.done $0x0  }
0x81: {  	[sflag:s23] =	ssyncadd.s32 $0xFFFFF400  }
0x82: {  	[spmem:s3] =	stream.indirect.scatter.add.f32 [tilespmem:s26], [sflag:$0x1], $0x80, s29, s25, $0xb8;
	[tilespmem:$0x1BC80] =	vst v63  }
0x83: {  	_ =	swait.ge [sflag:s23], $0x4000  }
0x84: {  	[sflag:s23] =	ssyncset.done $0x0  }
0x85: {  	[sflag:s23] =	ssyncadd.s32 $0xFFFFC000  }
0x86: {  	[spmem:s3] =	stream.indirect.scatter.add.f32 [tilespmem:s26], [sflag:$0x1], $0x80, s30, s25, $0xb8;
	[tilespmem:$0x1BC80] =	vst v63  }
0x87: {  	_ =	swait.ge [sflag:s23], $0x4000  }
0x88: {  	[sflag:s23] =	ssyncset.done $0x0  }
0x89: {  	[sflag:s23] =	ssyncadd.s32 $0xFFFFC000  }
0x8a: {  	[spmem:s3] =	stream.indirect.scatter.add.f32 [tilespmem:s26], [sflag:$0x1], $0x80, s31, s25, $0xb8;
	[tilespmem:$0x1BC80] =	vst v63  }
0x8b: {  	_ =	swait.ge [sflag:s23], $0x4000  }
0x8c: {  	[sflag:s23] =	ssyncset.done $0x0  }
0x8d: {  	[sflag:s23] =	ssyncadd.s32 $0xFFFFC000  }
0x8e: {  	[spmem:s3] =	stream.indirect.scatter.add.f32 [tilespmem:s26], [sflag:$0x1], $0x80, s28, s25, $0xb8;
	[tilespmem:$0x1BC80] =	vst v63  }
0x8f: {  	_ =	swait.ge [sflag:s23], $0x4000  }
0x90: {  	[sflag:s23] =	ssyncset.done $0x0  }
0x91: {  	s19 =	simm.s32 $0x2280;
	[sflag:s23] =	ssyncadd.s32 $0xFFFFC000  }
0x92: {  	[spmem:s3] =	stream.indirect.scatter.add.f32 [tilespmem:s26], [sflag:$0x1], $0x80, s19, s25, $0xb8;
	[tilespmem:$0x1BC80] =	vst v63  }
0x93: {  	_ =	swait.ge [sflag:s23], $0x4000  }
0x94: {  	[sflag:s23] =	ssyncset.done $0x0  }
0x95: {  	s19 =	simm.s32 $0x2300;
	[sflag:s23] =	ssyncadd.s32 $0xFFFFC000  }
0x96: {  	[spmem:s3] =	stream.indirect.scatter.add.f32 [tilespmem:s26], [sflag:$0x1], $0x80, s19, s25, $0xb8;
	[tilespmem:$0x1BC80] =	vst v63  }
0x97: {  	_ =	swait.ge [sflag:s23], $0x4000  }
0x98: {  	[sflag:s23] =	ssyncset.done $0x0  }
0x99: {  	s19 =	simm.s32 $0x2380;
	[sflag:s23] =	ssyncadd.s32 $0xFFFFC000  }
0x9a: {  	[spmem:s3] =	stream.indirect.scatter.add.f32 [tilespmem:s26], [sflag:$0x1], $0x80, s19, s25, $0xb8;
	[tilespmem:$0x1BC80] =	vst v63  }
0x9b: {  	_ =	swait.ge [sflag:s23], $0x4000  }
0x9c: {  	[sflag:s23] =	ssyncset.done $0x0  }
0x9d: {  	s19 =	simm.s32 $0x2400;
	[sflag:s23] =	ssyncadd.s32 $0xFFFFC000  }
0x9e: {  	[spmem:s3] =	stream.indirect.scatter.add.f32 [tilespmem:s26], [sflag:$0x1], $0x80, s19, s25, $0xb8;
	[tilespmem:$0x1BC80] =	vst v63  }
0x9f: {  	_ =	swait.ge [sflag:s23], $0x4000  }
0xa0: {  	[sflag:s23] =	ssyncset.done $0x0  }
0xa1: {  	s19 =	simm.s32 $0x2480;
	[sflag:s23] =	ssyncadd.s32 $0xFFFFC000  }
0xa2: {  	[spmem:s3] =	stream.indirect.scatter.add.f32 [tilespmem:s26], [sflag:$0x1], $0x80, s19, s25, $0xb8;
	[tilespmem:$0x1BC80] =	vst v63  }
0xa3: {  	_ =	swait.ge [sflag:s23], $0x4000  }
0xa4: {  	[sflag:s23] =	ssyncset.done $0x0  }
0xa5: {  	s19 =	simm.s32 $0x2500;
	[sflag:s23] =	ssyncadd.s32 $0xFFFFC000  }
0xa6: {  	[spmem:s3] =	stream.indirect.scatter.add.f32 [tilespmem:s26], [sflag:$0x1], $0x80, s19, s25, $0xb8;
	[tilespmem:$0x1BC80] =	vst v63  }
0xa7: {  	_ =	swait.ge [sflag:s23], $0x4000  }
0xa8: {  	[sflag:s23] =	ssyncset.done $0x0  }
0xa9: {  	s19 =	simm.s32 $0x2580;
	[sflag:s23] =	ssyncadd.s32 $0xFFFFC000  }
0xaa: {  	[spmem:s3] =	stream.indirect.scatter.add.f32 [tilespmem:s26], [sflag:$0x1], $0x80, s19, s25, $0xb8;
	[tilespmem:$0x1BC80] =	vst v63  }
0xab: {  	_ =	swait.ge [sflag:s23], $0x4000  }
0xac: {  	[sflag:s23] =	ssyncset.done $0x0  }
0xad: {  	s19 =	simm.s32 $0x2600;
	[sflag:s23] =	ssyncadd.s32 $0xFFFFC000  }
0xae: {  	[spmem:s3] =	stream.indirect.scatter.add.f32 [tilespmem:s26], [sflag:$0x1], $0x80, s19, s25, $0xb8;
	[tilespmem:$0x1BC80] =	vst v63  }
0xaf: {  	_ =	swait.ge [sflag:s23], $0x4000  }
0xb0: {  	[sflag:s23] =	ssyncset.done $0x0  }
0xb1: {  	s19 =	simm.s32 $0x2680;
	[sflag:s23] =	ssyncadd.s32 $0xFFFFC000  }
0xb2: {  	[spmem:s3] =	stream.indirect.scatter.add.f32 [tilespmem:s26], [sflag:$0x1], $0x80, s19, s25, $0xb8;
	[tilespmem:$0x1BC80] =	vst v63  }
0xb3: {  	_ =	swait.ge [sflag:s23], $0x4000  }
0xb4: {  	[sflag:s23] =	ssyncset.done $0x0  }
0xb5: {  	s19 =	simm.s32 $0x2700;
	[sflag:s23] =	ssyncadd.s32 $0xFFFFC000  }
0xb6: {  	[spmem:s3] =	stream.indirect.scatter.add.f32 [tilespmem:s26], [sflag:$0x1], $0x80, s19, s25, $0xb8;
	[tilespmem:$0x1BC80] =	vst v63  }
0xb7: {  	_ =	swait.ge [sflag:s23], $0x4000  }
0xb8: {  	[sflag:s23] =	ssyncset.done $0x0  }
0xb9: {  	s19 =	simm.s32 $0x2780;
	[sflag:s23] =	ssyncadd.s32 $0xFFFFC000  }
0xba: {  	[spmem:s3] =	stream.indirect.scatter.add.f32 [tilespmem:s26], [sflag:$0x1], $0x80, s19, s25, $0xb8;
	[tilespmem:$0x1BC80] =	vst v63  }
0xbb: {  	_ =	swait.ge [sflag:s23], $0x4000  }
0xbc: {  	[sflag:s23] =	ssyncset.done $0x0  }
0xbd: {  	s19 =	simm.s32 $0x2800;
	[sflag:s23] =	ssyncadd.s32 $0xFFFFC000  }
0xbe: {  	[spmem:s3] =	stream.indirect.scatter.add.f32 [tilespmem:s26], [sflag:$0x1], $0x80, s19, s25, $0xb8;
	[tilespmem:$0x1BC80] =	vst v63  }
0xbf: {  	_ =	swait.ge [sflag:s23], $0x4000  }
0xc0: {  	[sflag:s23] =	ssyncset.done $0x0  }
0xc1: {  	s19 =	simm.s32 $0x2880;
	[sflag:s23] =	ssyncadd.s32 $0xFFFFC000  }
0xc2: {  	[spmem:s3] =	stream.indirect.scatter.add.f32 [tilespmem:s26], [sflag:$0x1], $0x80, s19, s25, $0xb8;
	[tilespmem:$0x1BC80] =	vst v63  }
0xc3: {  	_ =	swait.ge [sflag:s23], $0x4000  }
0xc4: {  	[sflag:s23] =	ssyncset.done $0x0  }
0xc5: {  	s19 =	simm.s32 $0x2900;
	[sflag:s23] =	ssyncadd.s32 $0xFFFFC000  }
0xc6: {  	[spmem:s3] =	stream.indirect.scatter.add.f32 [tilespmem:s26], [sflag:$0x1], $0x80, s19, s25, $0xb8;
	[tilespmem:$0x1BC80] =	vst v63  }
0xc7: {  	_ =	swait.ge [sflag:s23], $0x4000  }
0xc8: {  	[sflag:s23] =	ssyncset.done $0x0  }
0xc9: {  	s19 =	simm.s32 $0x2980;
	[sflag:s23] =	ssyncadd.s32 $0xFFFFC000  }
0xca: {  	[spmem:s3] =	stream.indirect.scatter.add.f32 [tilespmem:s26], [sflag:$0x1], $0x80, s19, s25, $0xb8;
	[tilespmem:$0x1BC80] =	vst v63  }
0xcb: {  	_ =	swait.ge [sflag:s23], $0x4000  }
0xcc: {  	[sflag:s23] =	ssyncset.done $0x0  }
0xcd: {  	s19 =	simm.s32 $0x2A00;
	[sflag:s23] =	ssyncadd.s32 $0xFFFFC000  }
0xce: {  	[spmem:s3] =	stream.indirect.scatter.add.f32 [tilespmem:s26], [sflag:$0x1], $0x80, s19, s25, $0xb8;
	[tilespmem:$0x1BC80] =	vst v63  }
0xcf: {  	_ =	swait.ge [sflag:s23], $0x4000  }
0xd0: {  	[sflag:s23] =	ssyncset.done $0x0  }
0xd1: {  	s19 =	simm.s32 $0x2A80;
	[sflag:s23] =	ssyncadd.s32 $0xFFFFC000  }
0xd2: {  	[spmem:s3] =	stream.indirect.scatter.add.f32 [tilespmem:s26], [sflag:$0x1], $0x80, s19, s25, $0xb8;
	[tilespmem:$0x1BC80] =	vst v63  }
0xd3: {  	_ =	swait.ge [sflag:s23], $0x4000  }
0xd4: {  	[sflag:s23] =	ssyncset.done $0x0  }
0xd5: {  	s19 =	simm.s32 $0x2B00;
	[sflag:s23] =	ssyncadd.s32 $0xFFFFC000  }
0xd6: {  	[spmem:s3] =	stream.indirect.scatter.add.f32 [tilespmem:s26], [sflag:$0x1], $0x80, s19, s25, $0xb8;
	[tilespmem:$0x1BC80] =	vst v63  }
0xd7: {  	_ =	swait.ge [sflag:s23], $0x4000  }
0xd8: {  	[sflag:s23] =	ssyncset.done $0x0  }
0xd9: {  	s19 =	simm.s32 $0x2B80;
	[sflag:s23] =	ssyncadd.s32 $0xFFFFC000  }
0xda: {  	[spmem:s3] =	stream.indirect.scatter.add.f32 [tilespmem:s26], [sflag:$0x1], $0x80, s19, s25, $0xb8;
	[tilespmem:$0x1BC80] =	vst v63  }
0xdb: {  	_ =	swait.ge [sflag:s23], $0x4000  }
0xdc: {  	[sflag:s23] =	ssyncset.done $0x0  }
0xdd: {  	s19 =	simm.s32 $0x2C00;
	[sflag:s23] =	ssyncadd.s32 $0xFFFFC000  }
0xde: {  	[spmem:s3] =	stream.indirect.scatter.add.f32 [tilespmem:s26], [sflag:$0x1], $0x80, s19, s25, $0xb8;
	[tilespmem:$0x1BC80] =	vst v63  }
0xdf: {  	_ =	swait.ge [sflag:s23], $0x4000  }
0xe0: {  	[sflag:s23] =	ssyncset.done $0x0  }
0xe1: {  	s29 =	stileid.u32;
	s28 =	simm.s32 $0x2080;
	[sflag:s23] =	ssyncadd.s32 $0xFFFFC000  }
.LBB2_8:
0xe2: {  	s20 =	sadd.s32 $0x1, s20  }
0xe3: {  	p1 =	sne.s32 s20, s22  }
.Ltmp1:
0xe4: {  	[bflag:$0x0] =	sbarrier.arrive $0xFFFF;
	(pc) =	sbr.rel @!p1 .LBB2_9-.Ltmp1, $4  }
0xe5: {  	[hbm:s21], [sflag:s2] =	dma.local [spmem:s0], $0x2800  }
0xe6: {  	_ =	swait.ge [sflag:s23], $0x2800  }
0xe7: {  	[sflag:s23] =	ssyncset.done $0x0  }
0xe8: {  	[sflag:s23] =	ssyncadd.s32 $0xFFFFD800  }
.LBB2_1:
0xe9: {  	[tilespmem:s4], [sflag:$0x1] =	stream.linear.gather [hbm4b:s6+s4], $0x40, $0x38;
	[tilespmem:$0x1BC80] =	vst v63  }
0xea: {  	_ =	swait.ge [sflag:s23], $0x40  }
0xeb: {  	[sflag:s23] =	ssyncset.done $0x0  }
0xec: {  	[sflag:s23] =	ssyncadd.s32 $0xFFFFFFC0  }
0xed: {  	[tilespmem:s25], [sflag:$0x1] =	stream.indirect.gather [hbm4b:s1+s24], $0x80, s4, s24, $0xb8;
	[tilespmem:$0x1BC80] =	vst v63  }
0xee: {  	_ =	swait.ge [sflag:s23], $0x2000  }
0xef: {  	[sflag:s23] =	ssyncset.done $0x0  }
0xf0: {  	[sflag:s23] =	ssyncadd.s32 $0xFFFFE000  }
0xf1: {  	[hbm4b:s7+s4] =	stream.linear.scatter [tilespmem:s25], [sflag:$0x1], $0x2000, $0x38;
	[tilespmem:$0x1BC80] =	vst v63  }
0xf2: {  	_ =	swait.ge [sflag:s23], $0x2000  }
0xf3: {  	[sflag:s23] =	ssyncset.done $0x0  }
0xf4: {  	[sflag:s23] =	ssyncadd.s32 $0xFFFFE000  }
0xf5: {  	[tilespmem:s4], [sflag:$0x1] =	stream.linear.gather [hbm4b:s8+s4], $0x40, $0x38;
	[tilespmem:$0x1BC80] =	vst v63  }
0xf6: {  	_ =	swait.ge [sflag:s23], $0x40  }
0xf7: {  	[sflag:s23] =	ssyncset.done $0x0  }
0xf8: {  	[sflag:s23] =	ssyncadd.s32 $0xFFFFFFC0  }
0xf9: {  	[tilespmem:s25], [sflag:$0x1] =	stream.indirect.gather [hbm4b:s1+s24], $0x80, s4, s24, $0xb8;
	[tilespmem:$0x1BC80] =	vst v63  }
0xfa: {  	_ =	swait.ge [sflag:s23], $0x2000  }
0xfb: {  	[sflag:s23] =	ssyncset.done $0x0  }
0xfc: {  	[sflag:s23] =	ssyncadd.s32 $0xFFFFE000  }
0xfd: {  	[hbm4b:s9+s4] =	stream.linear.scatter [tilespmem:s25], [sflag:$0x1], $0x2000, $0x38;
	[tilespmem:$0x1BC80] =	vst v63  }
0xfe: {  	_ =	swait.ge [sflag:s23], $0x2000  }
0xff: {  	[sflag:s23] =	ssyncset.done $0x0  }
0x100: {  	[sflag:s23] =	ssyncadd.s32 $0xFFFFE000  }
0x101: {  	[tilespmem:s4], [sflag:$0x1] =	stream.linear.gather [hbm4b:s10+s4], $0x40, $0x38;
	[tilespmem:$0x1BC80] =	vst v63  }
0x102: {  	_ =	swait.ge [sflag:s23], $0x40  }
0x103: {  	[sflag:s23] =	ssyncset.done $0x0  }
0x104: {  	[sflag:s23] =	ssyncadd.s32 $0xFFFFFFC0  }
0x105: {  	[tilespmem:s25], [sflag:$0x1] =	stream.indirect.gather [hbm4b:s1+s24], $0x80, s4, s24, $0xb8;
	[tilespmem:$0x1BC80] =	vst v63  }
0x106: {  	_ =	swait.ge [sflag:s23], $0x2000  }
0x107: {  	[sflag:s23] =	ssyncset.done $0x0  }
0x108: {  	[sflag:s23] =	ssyncadd.s32 $0xFFFFE000  }
0x109: {  	[hbm4b:s11+s4] =	stream.linear.scatter [tilespmem:s25], [sflag:$0x1], $0x2000, $0x38;
	[tilespmem:$0x1BC80] =	vst v63  }
0x10a: {  	_ =	swait.ge [sflag:s23], $0x2000  }
0x10b: {  	[sflag:s23] =	ssyncset.done $0x0  }
0x10c: {  	[sflag:s23] =	ssyncadd.s32 $0xFFFFE000  }
0x10d: {  	[tilespmem:s4], [sflag:$0x1] =	stream.linear.gather [hbm4b:s12+s4], $0x40, $0x38;
	[tilespmem:$0x1BC80] =	vst v63  }
0x10e: {  	_ =	swait.ge [sflag:s23], $0x40  }
0x10f: {  	[sflag:s23] =	ssyncset.done $0x0  }
0x110: {  	[sflag:s23] =	ssyncadd.s32 $0xFFFFFFC0  }
0x111: {  	[tilespmem:s25], [sflag:$0x1] =	stream.indirect.gather [hbm4b:s1+s24], $0x80, s4, s24, $0xb8;
	[tilespmem:$0x1BC80] =	vst v63  }
0x112: {  	_ =	swait.ge [sflag:s23], $0x2000  }
0x113: {  	[sflag:s23] =	ssyncset.done $0x0  }
0x114: {  	[sflag:s23] =	ssyncadd.s32 $0xFFFFE000  }
0x115: {  	[hbm4b:s13+s4] =	stream.linear.scatter [tilespmem:s25], [sflag:$0x1], $0x2000, $0x38;
	[tilespmem:$0x1BC80] =	vst v63  }
0x116: {  	_ =	swait.ge [sflag:s23], $0x2000  }
0x117: {  	[sflag:s23] =	ssyncset.done $0x0  }
0x118: {  	[sflag:s23] =	ssyncadd.s32 $0xFFFFE000  }
0x119: {  	[tilespmem:s4], [sflag:$0x1] =	stream.linear.gather [hbm4b:s14+s4], $0x40, $0x38;
	[tilespmem:$0x1BC80] =	vst v63  }
0x11a: {  	_ =	swait.ge [sflag:s23], $0x40  }
0x11b: {  	[sflag:s23] =	ssyncset.done $0x0  }
0x11c: {  	[sflag:s23] =	ssyncadd.s32 $0xFFFFFFC0  }
0x11d: {  	[tilespmem:s25], [sflag:$0x1] =	stream.indirect.gather [hbm4b:s1+s24], $0x80, s4, s24, $0xb8;
	[tilespmem:$0x1BC80] =	vst v63  }
0x11e: {  	_ =	swait.ge [sflag:s23], $0x2000  }
0x11f: {  	[sflag:s23] =	ssyncset.done $0x0  }
0x120: {  	[sflag:s23] =	ssyncadd.s32 $0xFFFFE000  }
0x121: {  	[hbm4b:s15+s4] =	stream.linear.scatter [tilespmem:s25], [sflag:$0x1], $0x2000, $0x38;
	[tilespmem:$0x1BC80] =	vst v63  }
0x122: {  	_ =	swait.ge [sflag:s23], $0x2000  }
0x123: {  	s0 =	sshll.u32 s29, $0x6;
	[sflag:s23] =	ssyncset.done $0x0  }
0x124: {  	s2 =	sor.u32 $0x1C01, s0;
	s0 =	sshrl.u32 s16, $0x3;
	[sflag:s23] =	ssyncadd.s32 $0xFFFFE000  }
0x125: {  	[spmem:s0], [sflag:s2] =	dma.local [hbm:s17], $0x2800  }
0x126: {  	_ =	swait.ge [sflag:s23], $0x2800  }
0x127: {  	[sflag:s23] =	ssyncset.done $0x0  }
0x128: {  	[sflag:s23] =	ssyncadd.s32 $0xFFFFD800  }
0x129: {  	[tilespmem:s26], [sflag:$0x1] =	stream.linear.gather [hbm4b:s5+s4], $0x4000, $0x38;
	[tilespmem:$0x1BC80] =	vst v63  }
.Ltmp2:
0x12a: {  	_ =	swait.ge [sflag:s23], $0x4000;
	(pc) =	sbr.rel @p0 .LBB2_7-.Ltmp2, $3  }
0x12b: {  	[sflag:s23] =	ssyncset.done $0x0  }
0x12c: {  	[sflag:s23] =	ssyncadd.s32 $0xFFFFC000  }
0x12d: {  	[bflag:$0x0] =	sbarrier.arrive $0xFFFF;
	_ =	sdelay $0x1  }
0x12e: {  	s29 =	simm.s32 $0x0  }
0x12f: {  	[tilespmem:s28], [sflag:$0x1] =	stream.linear.gather [hbm4b:s18+s29], $0x1C00, $0x38;
	[tilespmem:$0x1BC80] =	vst v63  }
0x130: {  	_ =	swait.ge [sflag:s23], $0x1C00  }
0x131: {  	[sflag:s23] =	ssyncset.done $0x0  }
0x132: {  	s29 =	simm.s32 $0x2080;
	[sflag:s23] =	ssyncadd.s32 $0xFFFFE400  }
0x133: {  	[spmem:s3] =	stream.indirect.scatter.add.f32 [tilespmem:s26], [sflag:$0x1], $0x80, s29, s25, $0xb8;
	[tilespmem:$0x1BC80] =	vst v63  }
0x134: {  	s29 =	simm.s32 $0x200;
	_ =	swait.ge [sflag:s23], $0x4000  }
.LBB2_3:
0x135: {  	s19 =	sshra.s32 s29, $0x2;
	[sflag:s23] =	ssyncset.done $0x0;
	p1 =	sne.s32 s29, $0x6E00  }
.Ltmp3:
0x136: {  	s19 =	sadd.s32 $0x2080, s19;
	[sflag:s23] =	ssyncadd.s32 $0xFFFFC000;
	(pc) =	sbr.rel @p1 .LBB2_3-.Ltmp3, $3  }
0x137: {  	[spmem:s3] =	stream.indirect.scatter.add.f32 [tilespmem:s26], [sflag:$0x1], $0x80, s19, s25, $0xb8;
	[tilespmem:$0x1BC80] =	vst v63  }
0x138: {  	s29 =	sadd.s32 $0x200, s29;
	_ =	sdelay $0x1  }
0x139: {  	_ =	swait.ge [sflag:s23], $0x4000  }
0x13a: {  	[sflag:s23] =	ssyncset.done $0x0  }
0x13b: {  	s19 =	simm.s32 $0x0;
	s29 =	rddreg [dreg:$0x6];
	[sflag:s23] =	ssyncadd.s32 $0xFFFFC000  }
0x13c: {  	[tilespmem:s28], [sflag:$0x1] =	stream.linear.gather [hbm4b:s29+s19], $0x1C00, $0x38;
	[tilespmem:$0x1BC80] =	vst v63  }
0x13d: {  	_ =	swait.ge [sflag:s23], $0x1C00  }
0x13e: {  	[sflag:s23] =	ssyncset.done $0x0  }
0x13f: {  	s19 =	simm.s32 $0x2080;
	[sflag:s23] =	ssyncadd.s32 $0xFFFFE400  }
0x140: {  	[spmem:s3] =	stream.indirect.scatter.add.f32 [tilespmem:s26], [sflag:$0x1], $0x80, s19, s25, $0xb8;
	[tilespmem:$0x1BC80] =	vst v63  }
0x141: {  	s29 =	simm.s32 $0x200;
	_ =	swait.ge [sflag:s23], $0x4000  }
.LBB2_5:
0x142: {  	s19 =	sshra.s32 s29, $0x2;
	[sflag:s23] =	ssyncset.done $0x0;
	p1 =	seq.s32 s29, $0x6E00  }
.Ltmp4:
0x143: {  	s19 =	sadd.s32 $0x2080, s19;
	[sflag:s23] =	ssyncadd.s32 $0xFFFFC000;
	(pc) =	sbr.rel @!p1 .LBB2_5-.Ltmp4, $3  }
0x144: {  	[spmem:s3] =	stream.indirect.scatter.add.f32 [tilespmem:s26], [sflag:$0x1], $0x80, s19, s25, $0xb8;
	[tilespmem:$0x1BC80] =	vst v63  }
0x145: {  	s29 =	sadd.s32 $0x200, s29;
	_ =	sdelay $0x1  }
0x146: {  	_ =	swait.ge [sflag:s23], $0x4000  }
.Ltmp5:
0x147: {  	(pc) =	sbr.rel .LBB2_8-.Ltmp5, $3  }
0x148: {  	_ =	sdelay $0x1  }
0x149: {  	[sflag:s23] =	ssyncset.done $0x0  }
0x14a: {  	s29 =	stileid.u32;
	[sflag:s23] =	ssyncadd.s32 $0xFFFFC000  }
.LBB2_9:
0x14b: {  	_ =	sfence.sel $0x180000  }
0x14c: {  	[bflag:$0x0] =	sbarrier.arrive $0xFFFF  }
0x14d: {  	_ =	strace $0x90000047  }
0x14e: {  	[bflag:$0x2] =	sbarrier.arrive $0xFFFF  }
0x14f: {  	p0 =	sne.s32 s29, $0x0;
	s0 =	rddreg [dreg:$0x4]  }
0x150: {  	s0 =	sadd.s32 @!p0 $0x100000, s0  }
0x151: {  	[sflag:s0] =	ssyncadd.tile.s32 @!p0 $0x1;
	_ =	shalt  }
.Lfunc_end2:
_tile_overlayer_lowered:
.L_overlay_start_2:
0x152: {  	(tag) =	ssettag $0x2  }
0x153: {  	s0 =	rddreg [dreg:$0x0];
	s2 =	stileid.u32  }
0x154: {  	s1 =	rddreg [dreg:$0x1];
	p0 =	sne.s32 s2, $0x0  }
0x155: {  	s3 =	rddreg [dreg:$0x2];
	[bflag:$0x3] =	sbarrier.arrive $0xFFFF;
	s2 =	simm.s32 @!p0 $0x1C01  }
0x156: {  	[timem:s3], [sflag:s2] =	dma.local @!p0 [hbm:s0], s1  }
0x157: {  	s0 =	simm.s32 @!p0 $0x1  }
0x158: {  	_ =	swait.ge @!p0 [sflag:s0], s1  }
0x159: {  	s1 =	ssub.s32 @!p0 $0x0, s1;
	[sflag:s0] =	ssyncset.done @!p0 $0x0  }
0x15a: {  	[sflag:s0] =	ssyncadd.s32 @!p0 s1  }
0x15b: {  	[bflag:$0x3] =	sbarrier.arrive $0xFFFF  }
0x15c: {  	_ =	shalt  }

</sc_bundles>
